<compile_context>
chip_gen: v7x
topology: tpu7x:2x2x1
jax: 0.10.2.dev20260603
libtpu: 0.0.44.dev20260713+nightly
codegen_flags: <defaults>
</compile_context>

<pallas_src>
import functools

import jax
import jax.numpy as jnp
from jax import lax
from jax.experimental import pallas as pl
from jax.experimental.pallas import tpu as pltpu
from jax.experimental.pallas import tpu_sc as plsc

B, N, M = 4, 64, 100000
QUERY_DIM = 256
BUF0 = 64
CTX_DIM = 128
HEADS, DIM_HEAD = 8, 64
INNER = HEADS * DIM_HEAD
SCALE = DIM_HEAD ** (-0.5)

NW = 32
WPB = NW // B

RPW = M // WPB
CHUNK = 512
NFULL = RPW // CHUNK
TAIL = RPW - NFULL * CHUNK
TAIL_G = (TAIL + 15) // 16
DUN = 8



def _proj_body(x_ref, wq_ref, wqe_ref, e_ref):
    S = (lax.broadcasted_iota(jnp.int32, (B, B * N), 1)
         == lax.broadcasted_iota(jnp.int32, (B, B * N), 0) * N).astype(
             jnp.float32)
    x0 = jnp.dot(S, x_ref[...], preferred_element_type=jnp.float32)
    q0 = jnp.dot(x0, wq_ref[...], preferred_element_type=jnp.float32)
    e_ref[...] = jnp.dot(q0, wqe_ref[...], preferred_element_type=jnp.float32)


_proj = pl.pallas_call(
    _proj_body,
    out_shape=jax.ShapeDtypeStruct((B, BUF0), jnp.float32),
)



def _upd(st, x, ix):
    m1, i1, m2, i2 = st
    lt1 = x < m1
    lt2 = x < m2
    m2n = jnp.where(lt1, m1, jnp.where(lt2, x, m2))
    i2n = jnp.where(lt1, i1, jnp.where(lt2, ix, i2))
    return (jnp.where(lt1, x, m1), jnp.where(lt1, ix, i1), m2n, i2n)


_sc_mesh = plsc.VectorSubcoreMesh(core_axis_name="c", subcore_axis_name="s")


@functools.partial(
    pl.kernel,
    out_type=(
        jax.ShapeDtypeStruct((NW, 128), jnp.float32),
        jax.ShapeDtypeStruct((NW, 128), jnp.int32),
    ),
    mesh=_sc_mesh,
    compiler_params=pltpu.CompilerParams(use_tc_tiling_on_sc=False,
                                         needs_layout_passes=False),
    scratch_types=[
        pltpu.VMEM((CHUNK, BUF0), jnp.float32),
        pltpu.VMEM((CHUNK, BUF0), jnp.float32),
        pltpu.VMEM((TAIL, BUF0), jnp.float32),
        pltpu.VMEM((BUF0,), jnp.float32),
        pltpu.VMEM((128,), jnp.float32),
        pltpu.VMEM((128,), jnp.int32),
        pltpu.SemaphoreType.DMA,
        pltpu.SemaphoreType.DMA,
        pltpu.SemaphoreType.DMA,
    ],
)
def _scan_topk(ctx_hbm, e_hbm, vals_hbm, idx_hbm,
               buf0, buf1, buft, e_v, val_v, idx_v, sem0, sem1, semt):
    wid = lax.axis_index("s") * 2 + lax.axis_index("c")
    b = wid // WPB
    row0 = (wid % WPB) * RPW

    pltpu.sync_copy(e_hbm.at[b], e_v)

    pltpu.async_copy(ctx_hbm.at[b, pl.ds(row0, CHUNK), pl.ds(0, BUF0)],
                     buf0, sem0)
    pltpu.async_copy(ctx_hbm.at[b, pl.ds(row0 + CHUNK, CHUNK), pl.ds(0, BUF0)],
                     buf1, sem1)
    pltpu.async_copy(
        ctx_hbm.at[b, pl.ds(row0 + NFULL * CHUNK, TAIL), pl.ds(0, BUF0)],
        buft, semt)

    iota = jnp.arange(16, dtype=jnp.int32)
    inf16 = jnp.full((16,), jnp.inf, jnp.float32)
    zi16 = jnp.zeros((16,), jnp.int32)
    z16 = jnp.zeros((16,), jnp.float32)
    state0 = tuple((inf16, zi16, inf16, zi16) for _ in range(4))

    def compute_chunk(buf, chunk_row0, state):
        def blk_body(blk, st):
            rowvecs = [iota + (blk * 64 + g * 16) for g in range(4)]

            def d_body(dblk, accs):
                accs = list(accs)
                for k in range(DUN):
                    dval = dblk * DUN + k
                    rot = (iota + dval) & 63
                    ev = plsc.load_gather(e_v, [rot])
                    for g in range(4):
                        xg = plsc.load_gather(buf, [rowvecs[g], rot])
                        df = xg - ev
                        accs[g] = accs[g] + df * df
                return tuple(accs)

            accs = lax.fori_loop(0, BUF0 // DUN, d_body, (z16, z16, z16, z16))
            return tuple(
                _upd(st[g], accs[g], rowvecs[g] + chunk_row0)
                for g in range(4))

        return lax.fori_loop(0, CHUNK // 64, blk_body, state)

    wait_src0 = ctx_hbm.at[0, pl.ds(0, CHUNK), pl.ds(0, BUF0)]

    def pair_body(j, state):
        c0 = 2 * j
        pltpu.make_async_copy(wait_src0, buf0, sem0).wait()
        state = compute_chunk(buf0, row0 + c0 * CHUNK, state)

        @pl.when(j < NFULL // 2 - 1)
        def _():
            pltpu.async_copy(
                ctx_hbm.at[b, pl.ds(row0 + (c0 + 2) * CHUNK, CHUNK),
                           pl.ds(0, BUF0)],
                buf0, sem0)

        pltpu.make_async_copy(wait_src0, buf1, sem1).wait()
        state = compute_chunk(buf1, row0 + (c0 + 1) * CHUNK, state)

        @pl.when(j < NFULL // 2 - 1)
        def _():
            pltpu.async_copy(
                ctx_hbm.at[b, pl.ds(row0 + (c0 + 3) * CHUNK, CHUNK),
                           pl.ds(0, BUF0)],
                buf1, sem1)

        return state

    state = lax.fori_loop(0, NFULL // 2, pair_body, state0)

    pltpu.make_async_copy(
        ctx_hbm.at[0, pl.ds(0, TAIL), pl.ds(0, BUF0)], buft, semt).wait()

    def tail_body(g, st0):
        rows = jnp.minimum(iota + g * 16, TAIL - 1)

        def d_body(dblk, acc):
            for k in range(DUN):
                dval = dblk * DUN + k
                rot = (iota + dval) & 63
                ev = plsc.load_gather(e_v, [rot])
                xg = plsc.load_gather(buft, [rows, rot])
                df = xg - ev
                acc = acc + df * df
            return acc

        acc = lax.fori_loop(0, BUF0 // DUN, d_body, z16)
        nvalid = TAIL - g * 16
        x = jnp.where(iota < nvalid, acc, jnp.inf)
        ix = row0 + NFULL * CHUNK + g * 16 + iota
        return _upd(st0, x, ix)

    st0 = lax.fori_loop(0, TAIL_G, tail_body, state[0])
    state = (st0,) + state[1:]

    for g in range(4):
        val_v[pl.ds(g * 16, 16)] = state[g][0]
        val_v[pl.ds(64 + g * 16, 16)] = state[g][2]
        idx_v[pl.ds(g * 16, 16)] = state[g][1]
        idx_v[pl.ds(64 + g * 16, 16)] = state[g][3]
    pltpu.sync_copy(val_v, vals_hbm.at[wid])
    pltpu.sync_copy(idx_v, idx_hbm.at[wid])



def _attn_body(x_ref, wq_ref, vals_ref, idx_ref, ctx_ref, wk_ref, wv_ref,
               wo_ref, bo_ref, o_ref, rows_s, sem):
    f32 = jnp.float32
    BIG = jnp.float32(3.0e38)
    vals = vals_ref[...].reshape(B, WPB * 128)
    idxf = idx_ref[...].reshape(B, WPB * 128).astype(f32)

    m1 = jnp.min(vals, axis=1, keepdims=True)
    i1 = jnp.min(jnp.where(vals == m1, idxf, BIG), axis=1, keepdims=True)
    vals2 = jnp.where(idxf == i1, BIG, vals)
    m2 = jnp.min(vals2, axis=1, keepdims=True)
    i2 = jnp.min(jnp.where(vals2 == m2, idxf, BIG), axis=1, keepdims=True)
    idx2 = jnp.concatenate([i1, i2], axis=1).astype(jnp.int32)

    for bb in range(B):
        for j in range(2):
            s = idx2[bb, j]
            pltpu.make_async_copy(
                ctx_ref.at[bb, pl.ds(s, 1), :],
                rows_s.at[bb, pl.ds(j, 1), :], sem).start()
    for _ in range(B * 2):
        pltpu.make_async_copy(
            ctx_ref.at[0, pl.ds(0, 1), :],
            rows_s.at[0, pl.ds(0, 1), :], sem).wait()

    rows = rows_s[...]
    creps = rows[:, :, :BUF0].reshape(B * 2, BUF0)
    clabels = rows[:, :, BUF0:].reshape(B * 2, BUF0)
    k = jnp.dot(clabels, wk_ref[...],
                preferred_element_type=f32).reshape(B, 2, INNER)
    v = jnp.dot(creps, wv_ref[...],
                preferred_element_type=f32).reshape(B, 2, INNER)
    q3 = jnp.dot(x_ref[...], wq_ref[...],
                 preferred_element_type=f32).reshape(B, N, INNER)

    E = (lax.broadcasted_iota(jnp.int32, (INNER, HEADS), 0) // DIM_HEAD
         == lax.broadcasted_iota(jnp.int32, (INNER, HEADS), 1)).astype(f32)

    sims = []
    for j in range(2):
        prod = (q3 * k[:, j][:, None, :]).reshape(B * N, INNER)
        sims.append(jnp.dot(prod, E, preferred_element_type=f32) * SCALE)
    mx = jnp.maximum(sims[0], sims[1])
    p0 = jnp.exp(sims[0] - mx)
    p1 = jnp.exp(sims[1] - mx)
    den = p0 + p1
    a0 = jnp.dot(p0 / den, E.T, preferred_element_type=f32).reshape(B, N, INNER)
    a1 = jnp.dot(p1 / den, E.T, preferred_element_type=f32).reshape(B, N, INNER)
    outi = a0 * v[:, 0][:, None, :] + a1 * v[:, 1][:, None, :]
    o_ref[...] = (jnp.dot(outi.reshape(B * N, INNER), wo_ref[...],
                          preferred_element_type=f32) + bo_ref[...])


_attn = pl.pallas_call(
    _attn_body,
    in_specs=[
        pl.BlockSpec(memory_space=pltpu.VMEM),
        pl.BlockSpec(memory_space=pltpu.VMEM),
        pl.BlockSpec(memory_space=pltpu.VMEM),
        pl.BlockSpec(memory_space=pltpu.VMEM),
        pl.BlockSpec(memory_space=pltpu.MemorySpace.HBM),
        pl.BlockSpec(memory_space=pltpu.VMEM),
        pl.BlockSpec(memory_space=pltpu.VMEM),
        pl.BlockSpec(memory_space=pltpu.VMEM),
        pl.BlockSpec(memory_space=pltpu.VMEM),
    ],
    out_shape=jax.ShapeDtypeStruct((B * N, QUERY_DIM), jnp.float32),
    scratch_shapes=[
        pltpu.VMEM((B, 2, CTX_DIM), jnp.float32),
        pltpu.SemaphoreType.DMA,
    ],
)



def kernel(x, context, W_q, W_k, W_v, W_qe, W_out, b_out, topk):
    del topk
    e = _proj(x.reshape(B * N, QUERY_DIM), W_q, W_qe)
    sc_vals, sc_idx = _scan_topk(context, e)
    out = _attn(x.reshape(B * N, QUERY_DIM), W_q, sc_vals, sc_idx,
                context, W_k, W_v, W_out, b_out.reshape(1, QUERY_DIM))
    return out.reshape(B, N, QUERY_DIM)

# --- scband reference (transcript-rebuilt; emitter-appended) ---
"""Pipeline reference for scband-attention-kvsplitted-51135880626369 (READ-ONLY COPY).

The authoritative reference and input builder live on the scoring server;
editing this copy changes nothing except your own understanding.
"""

import jax, jax.numpy as jnp
import numpy as np

B, N, M = 4, 64, 100000
QUERY_DIM = 256
BUF0, BUF1 = 64, 64
CTX_DIM = BUF0 + BUF1
HEADS, DIM_HEAD = 8, 64
INNER = HEADS * DIM_HEAD


def setup_inputs(seed: int = 0) -> dict:
    key = jax.random.key(seed)
    ks = jax.random.split(key, 8)
    s = 0.02
    x = jax.random.normal(ks[0], (B, N, QUERY_DIM), dtype=jnp.float32)
    context = jax.random.normal(ks[1], (B, M, CTX_DIM), dtype=jnp.float32)
    W_q = jax.random.normal(ks[2], (QUERY_DIM, INNER), dtype=jnp.float32) * s
    W_k = jax.random.normal(ks[3], (BUF1, INNER), dtype=jnp.float32) * s
    W_v = jax.random.normal(ks[4], (BUF0, INNER), dtype=jnp.float32) * s
    W_qe = jax.random.normal(ks[5], (INNER, BUF0), dtype=jnp.float32) * s
    W_out = jax.random.normal(ks[6], (INNER, QUERY_DIM), dtype=jnp.float32) * s
    b_out = jnp.zeros((QUERY_DIM,), dtype=jnp.float32)
    return {"x": x, "context": context, "W_q": W_q, "W_k": W_k, "W_v": W_v,
            "W_qe": W_qe, "W_out": W_out, "b_out": b_out, "topk": 2}


def reference(x, context, W_q, W_k, W_v, W_qe, W_out, b_out, topk):
    scale = DIM_HEAD ** (-0.5)
    topk_static = 2
    # q projection
    q = x @ W_q                               # [B, N, INNER]
    # query -> retrieval embedding
    embedding = q @ W_qe                      # [B, N, BUF0]
    # kNN retrieval (faithful to original: uses embedding[:, 0, :] for every
    # query position i, so the retrieved set is identical across positions)
    buffer_reps = context[..., :BUF0]         # [B, M, BUF0]
    inp = embedding[:, 0, :]                  # [B, BUF0]
    diff = buffer_reps - inp[:, None, :]      # [B, M, BUF0]
    dist = jnp.sqrt(jnp.sum(diff * diff, axis=-1))  # [B, M] (torch.norm p=2)
    dist = dist + (jnp.asarray(topk) - topk_static).astype(dist.dtype)
    _, idx = jax.lax.top_k(-dist, topk_static)  # smallest distances -> [B, topk]
    gathered = jnp.take_along_axis(context, idx[:, :, None], axis=1)  # [B, topk, CTX_DIM]
    retrieved = jnp.broadcast_to(gathered[:, None, :, :], (B, N, topk_static, CTX_DIM))
    # attn_retrieval == 'reps_for_v': k from labels, v from reps
    c_reps = retrieved[..., :BUF0]
    c_labels = retrieved[..., BUF0:]
    k = c_labels @ W_k                        # [B, N, topk, INNER]
    v = c_reps @ W_v                          # [B, N, topk, INNER]
    # rearrange to (b h) layouts
    qh = q.reshape(B, N, HEADS, DIM_HEAD).transpose(0, 2, 1, 3).reshape(B * HEADS, N, DIM_HEAD)
    kh = k.reshape(B, N, topk_static, HEADS, DIM_HEAD).transpose(0, 3, 1, 2, 4).reshape(B * HEADS, N, topk_static, DIM_HEAD)
    vh = v.reshape(B, N, topk_static, HEADS, DIM_HEAD).transpose(0, 3, 1, 2, 4).reshape(B * HEADS, N, topk_static, DIM_HEAD)
    sim = jnp.einsum('bid,bijd->bij', qh, kh) * scale   # [(BH), N, topk]
    attn = jax.nn.softmax(sim, axis=-1)
    out = jnp.einsum('bij,bijd->bid', attn, vh)          # [(BH), N, DIM_HEAD]
    out = out.reshape(B, HEADS, N, DIM_HEAD).transpose(0, 2, 1, 3).reshape(B, N, INNER)
    return out @ W_out + b_out

if __name__ == "__main__":
    import jax
    _d = setup_inputs()
    print(jax.jit(kernel)(*tuple(_d.values())))

</pallas_src>

<mosaic_0001>
#map = affine_map<(d0, d1) -> (0, 0, 0)>
#map1 = affine_map<(d0, d1) -> (0, 0)>
module attributes {stable_mosaic.version = 14 : i64} {
  func.func @_scan_topk(%arg0: i32, %arg1: i32, %arg2: memref<4x100000x128xf32, #tpu.memory_space<hbm>>, %arg3: memref<4x64xf32, #tpu.memory_space<hbm>>, %arg4: memref<32x128xf32, #tpu.memory_space<hbm>>, %arg5: memref<32x128xi32, #tpu.memory_space<hbm>>, %arg6: memref<512x64xf32, #tpu.memory_space<vmem>>, %arg7: memref<512x64xf32, #tpu.memory_space<vmem>>, %arg8: memref<212x64xf32, #tpu.memory_space<vmem>>, %arg9: memref<64xf32, #tpu.memory_space<vmem>>, %arg10: memref<128xf32, #tpu.memory_space<vmem>>, %arg11: memref<128xi32, #tpu.memory_space<vmem>>, %arg12: memref<!tpu.dma_semaphore, #tpu.memory_space<semaphore_mem>>, %arg13: memref<!tpu.dma_semaphore, #tpu.memory_space<semaphore_mem>>, %arg14: memref<!tpu.dma_semaphore, #tpu.memory_space<semaphore_mem>>) attributes {dimension_semantics = [#tpu.dimension_semantics<core_parallel>, #tpu.dimension_semantics<subcore_parallel>], iteration_bounds = array<i64: 2, 16>, scalar_prefetch = 0 : i64, scratch_operands = 9 : i64, tpu.core_type = #tpu.core_type<sc_vector_subcore>, window_params = [{transform_indices = #map}, {transform_indices = #map1}, {transform_indices = #map1}, {transform_indices = #map1}]} {
    %mul3A = arith.constant 2 : i32
    %mul3A_0 = arith.muli %arg1, %mul3A : i32
    %add3A = arith.addi %mul3A_0, %arg0 : i32
    %jit3A = arith.constant 8 : i32
    %div3A = arith.divsi %add3A, %jit3A : i32
    %sign3A = arith.constant 0 : i32
    %sign3A_1 = arith.cmpi sgt, %add3A, %sign3A : i32
    %sign3A_2 = arith.extui %sign3A_1 : i1 to i32
    %sign3A_3 = arith.constant 0 : i32
    %sign3A_4 = arith.cmpi slt, %add3A, %sign3A_3 : i32
    %sign3A_5 = arith.extui %sign3A_4 : i1 to i32
    %sign3A_6 = arith.subi %sign3A_2, %sign3A_5 : i32
    %sign3A_7 = arith.constant 0 : i32
    %sign3A_8 = arith.cmpi sgt, %jit3A, %sign3A_7 : i32
    %sign3A_9 = arith.extui %sign3A_8 : i1 to i32
    %sign3A_10 = arith.constant 0 : i32
    %sign3A_11 = arith.cmpi slt, %jit3A, %sign3A_10 : i32
    %sign3A_12 = arith.extui %sign3A_11 : i1 to i32
    %sign3A_13 = arith.subi %sign3A_9, %sign3A_12 : i32
    %ne3A = arith.cmpi ne, %sign3A_6, %sign3A_13 : i32
    %rem3A = arith.remsi %add3A, %jit3A : i32
    %ne3A_14 = arith.constant 0 : i32
    %ne3A_15 = arith.cmpi ne, %rem3A, %ne3A_14 : i32
    %and3A = arith.andi %ne3A, %ne3A_15 : i1
    %sub3A = arith.constant 1 : i32
    %sub3A_16 = arith.subi %div3A, %sub3A : i32
    %select_n3A = arith.select %and3A, %sub3A_16, %div3A : i32
    %jit3A_17 = arith.constant 8 : i32
    %eq3A = arith.constant 0 : i32
    %eq3A_18 = arith.cmpi eq, %jit3A_17, %eq3A : i32
    %jit3A_19 = arith.constant 1 : i32
    %select_n3A_20 = arith.select %eq3A_18, %jit3A_19, %jit3A_17 : i32
    %rem3A_21 = arith.remsi %add3A, %select_n3A_20 : i32
    %ne3A_22 = arith.constant 0 : i32
    %ne3A_23 = arith.cmpi ne, %rem3A_21, %ne3A_22 : i32
    %lt3A = arith.constant 0 : i32
    %lt3A_24 = arith.cmpi slt, %rem3A_21, %lt3A : i32
    %lt3A_25 = arith.constant 0 : i32
    %lt3A_26 = arith.cmpi slt, %select_n3A_20, %lt3A_25 : i32
    %ne3A_27 = arith.xori %lt3A_24, %lt3A_26 : i1
    %and3A_28 = arith.andi %ne3A_27, %ne3A_23 : i1
    %add3A_29 = arith.addi %rem3A_21, %select_n3A_20 : i32
    %select_n3A_30 = arith.select %and3A_28, %add3A_29, %rem3A_21 : i32
    %mul3A_31 = arith.constant 12500 : i32
    %mul3A_32 = arith.muli %select_n3A_30, %mul3A_31 : i32
    "tpu.region"() ({
      %run_scoped3A = tpu.sem_alloc : memref<!tpu.dma_semaphore, #tpu.memory_space<semaphore_mem>>
      %dma_start3A_110 = arith.constant 0 : i32
      %dma_start3A_111 = tpu.memref_slice %arg3[%select_n3A, %dma_start3A_110] : memref<4x64xf32, #tpu.memory_space<hbm>> -> memref<1x64xf32, #tpu.memory_space<hbm>>
      %dma_start3A_112 = tpu.memref_squeeze %dma_start3A_111 : memref<1x64xf32, #tpu.memory_space<hbm>> -> memref<64xf32, #tpu.memory_space<hbm>>
      %dma_start3A_113 = arith.constant 0 : i32
      %dma_start3A_114 = tpu.memref_slice %arg3[%select_n3A, %dma_start3A_113] : memref<4x64xf32, #tpu.memory_space<hbm>> -> memref<1x64xf32, #tpu.memory_space<hbm>>
      %dma_start3A_115 = tpu.memref_squeeze %dma_start3A_114 : memref<1x64xf32, #tpu.memory_space<hbm>> -> memref<64xf32, #tpu.memory_space<hbm>>
      tpu.enqueue_dma source(%dma_start3A_115 : memref<64xf32, #tpu.memory_space<hbm>>) target(%arg9 : memref<64xf32, #tpu.memory_space<vmem>>) target_semaphore(%run_scoped3A : memref<!tpu.dma_semaphore, #tpu.memory_space<semaphore_mem>>)
      %dma_wait3A_116 = arith.constant 0 : i32
      %dma_wait3A_117 = tpu.memref_slice %arg3[%select_n3A, %dma_wait3A_116] : memref<4x64xf32, #tpu.memory_space<hbm>> -> memref<1x64xf32, #tpu.memory_space<hbm>>
      %dma_wait3A_118 = tpu.memref_squeeze %dma_wait3A_117 : memref<1x64xf32, #tpu.memory_space<hbm>> -> memref<64xf32, #tpu.memory_space<hbm>>
      %dma_wait3A_119 = arith.constant 0 : i32
      %dma_wait3A_120 = tpu.memref_slice %arg3[%select_n3A, %dma_wait3A_119] : memref<4x64xf32, #tpu.memory_space<hbm>> -> memref<1x64xf32, #tpu.memory_space<hbm>>
      %dma_wait3A_121 = tpu.memref_squeeze %dma_wait3A_120 : memref<1x64xf32, #tpu.memory_space<hbm>> -> memref<64xf32, #tpu.memory_space<hbm>>
      tpu.wait_dma2 semaphore(%run_scoped3A : memref<!tpu.dma_semaphore, #tpu.memory_space<semaphore_mem>>) src(%dma_wait3A_121 : memref<64xf32, #tpu.memory_space<hbm>>) dst(%arg9 : memref<64xf32, #tpu.memory_space<vmem>>)
      tpu.yield
    }) : () -> ()
    %dma_start3A = arith.constant 0 : i32
    %dma_start3A_33 = tpu.memref_slice %arg2[%select_n3A, %mul3A_32, %dma_start3A] : memref<4x100000x128xf32, #tpu.memory_space<hbm>> -> memref<1x512x64xf32, #tpu.memory_space<hbm>>
    %dma_start3A_34 = tpu.memref_squeeze %dma_start3A_33 : memref<1x512x64xf32, #tpu.memory_space<hbm>> -> memref<512x64xf32, #tpu.memory_space<hbm>>
    %dma_start3A_35 = arith.constant 0 : i32
    %dma_start3A_36 = tpu.memref_slice %arg2[%select_n3A, %mul3A_32, %dma_start3A_35] : memref<4x100000x128xf32, #tpu.memory_space<hbm>> -> memref<1x512x64xf32, #tpu.memory_space<hbm>>
    %dma_start3A_37 = tpu.memref_squeeze %dma_start3A_36 : memref<1x512x64xf32, #tpu.memory_space<hbm>> -> memref<512x64xf32, #tpu.memory_space<hbm>>
    tpu.enqueue_dma source(%dma_start3A_37 : memref<512x64xf32, #tpu.memory_space<hbm>>) target(%arg6 : memref<512x64xf32, #tpu.memory_space<vmem>>) target_semaphore(%arg12 : memref<!tpu.dma_semaphore, #tpu.memory_space<semaphore_mem>>)
    %add3A_38 = arith.constant 512 : i32
    %add3A_39 = arith.addi %mul3A_32, %add3A_38 : i32
    %dma_start3A_40 = arith.constant 0 : i32
    %dma_start3A_41 = tpu.memref_slice %arg2[%select_n3A, %add3A_39, %dma_start3A_40] : memref<4x100000x128xf32, #tpu.memory_space<hbm>> -> memref<1x512x64xf32, #tpu.memory_space<hbm>>
    %dma_start3A_42 = tpu.memref_squeeze %dma_start3A_41 : memref<1x512x64xf32, #tpu.memory_space<hbm>> -> memref<512x64xf32, #tpu.memory_space<hbm>>
    %dma_start3A_43 = arith.constant 0 : i32
    %dma_start3A_44 = tpu.memref_slice %arg2[%select_n3A, %add3A_39, %dma_start3A_43] : memref<4x100000x128xf32, #tpu.memory_space<hbm>> -> memref<1x512x64xf32, #tpu.memory_space<hbm>>
    %dma_start3A_45 = tpu.memref_squeeze %dma_start3A_44 : memref<1x512x64xf32, #tpu.memory_space<hbm>> -> memref<512x64xf32, #tpu.memory_space<hbm>>
    tpu.enqueue_dma source(%dma_start3A_45 : memref<512x64xf32, #tpu.memory_space<hbm>>) target(%arg7 : memref<512x64xf32, #tpu.memory_space<vmem>>) target_semaphore(%arg13 : memref<!tpu.dma_semaphore, #tpu.memory_space<semaphore_mem>>)
    %add3A_46 = arith.constant 12288 : i32
    %add3A_47 = arith.addi %mul3A_32, %add3A_46 : i32
    %dma_start3A_48 = arith.constant 0 : i32
    %dma_start3A_49 = tpu.memref_slice %arg2[%select_n3A, %add3A_47, %dma_start3A_48] : memref<4x100000x128xf32, #tpu.memory_space<hbm>> -> memref<1x212x64xf32, #tpu.memory_space<hbm>>
    %dma_start3A_50 = tpu.memref_squeeze %dma_start3A_49 : memref<1x212x64xf32, #tpu.memory_space<hbm>> -> memref<212x64xf32, #tpu.memory_space<hbm>>
    %dma_start3A_51 = arith.constant 0 : i32
    %dma_start3A_52 = tpu.memref_slice %arg2[%select_n3A, %add3A_47, %dma_start3A_51] : memref<4x100000x128xf32, #tpu.memory_space<hbm>> -> memref<1x212x64xf32, #tpu.memory_space<hbm>>
    %dma_start3A_53 = tpu.memref_squeeze %dma_start3A_52 : memref<1x212x64xf32, #tpu.memory_space<hbm>> -> memref<212x64xf32, #tpu.memory_space<hbm>>
    tpu.enqueue_dma source(%dma_start3A_53 : memref<212x64xf32, #tpu.memory_space<hbm>>) target(%arg8 : memref<212x64xf32, #tpu.memory_space<vmem>>) target_semaphore(%arg14 : memref<!tpu.dma_semaphore, #tpu.memory_space<semaphore_mem>>)
    %iota3A = tpu.iota {dimensions = array<i32: 0>} : vector<16xi32>
    %broadcast_in_dim3A = arith.constant 0x7F800000 : f32
    %broadcast_in_dim3A_54 = vector.broadcast %broadcast_in_dim3A : f32 to vector<16xf32>
    %broadcast_in_dim3A_55 = arith.constant 0 : i32
    %broadcast_in_dim3A_56 = vector.broadcast %broadcast_in_dim3A_55 : i32 to vector<16xi32>
    %broadcast_in_dim3A_57 = arith.constant 0.000000e+00 : f32
    %broadcast_in_dim3A_58 = vector.broadcast %broadcast_in_dim3A_57 : f32 to vector<16xf32>
    %scan3A = arith.constant 0 : i32
    %scan3A_59 = arith.constant 0 : i32
    %scan3A_60 = arith.constant 12 : i32
    %scan3A_61 = arith.addi %scan3A_59, %scan3A_60 : i32
    %scan3A_62 = arith.constant 1 : i32
    %scan3A_63:16 = scf.for %scan3A_110 = %scan3A_59 to %scan3A_61 step %scan3A_62 iter_args(%scan3A_111 = %broadcast_in_dim3A_54, %scan3A_112 = %broadcast_in_dim3A_56, %scan3A_113 = %broadcast_in_dim3A_54, %scan3A_114 = %broadcast_in_dim3A_56, %scan3A_115 = %broadcast_in_dim3A_54, %scan3A_116 = %broadcast_in_dim3A_56, %scan3A_117 = %broadcast_in_dim3A_54, %scan3A_118 = %broadcast_in_dim3A_56, %scan3A_119 = %broadcast_in_dim3A_54, %scan3A_120 = %broadcast_in_dim3A_56, %scan3A_121 = %broadcast_in_dim3A_54, %scan3A_122 = %broadcast_in_dim3A_56, %scan3A_123 = %broadcast_in_dim3A_54, %scan3A_124 = %broadcast_in_dim3A_56, %scan3A_125 = %broadcast_in_dim3A_54, %scan3A_126 = %broadcast_in_dim3A_56) -> (vector<16xf32>, vector<16xi32>, vector<16xf32>, vector<16xi32>, vector<16xf32>, vector<16xi32>, vector<16xf32>, vector<16xi32>, vector<16xf32>, vector<16xi32>, vector<16xf32>, vector<16xi32>, vector<16xf32>, vector<16xi32>, vector<16xf32>, vector<16xi32>)  : i32 {
      %mul3A_127 = arith.constant 2 : i32
      %mul3A_128 = arith.muli %mul3A_127, %scan3A_110 : i32
      %dma_wait3A_129 = arith.constant 0 : i32
      %dma_wait3A_130 = arith.constant 0 : i32
      %dma_wait3A_131 = tpu.memref_slice %arg2[%scan3A, %dma_wait3A_129, %dma_wait3A_130] : memref<4x100000x128xf32, #tpu.memory_space<hbm>> -> memref<1x512x64xf32, #tpu.memory_space<hbm>>
      %dma_wait3A_132 = tpu.memref_squeeze %dma_wait3A_131 : memref<1x512x64xf32, #tpu.memory_space<hbm>> -> memref<512x64xf32, #tpu.memory_space<hbm>>
      %dma_wait3A_133 = arith.constant 0 : i32
      %dma_wait3A_134 = arith.constant 0 : i32
      %dma_wait3A_135 = tpu.memref_slice %arg2[%scan3A, %dma_wait3A_133, %dma_wait3A_134] : memref<4x100000x128xf32, #tpu.memory_space<hbm>> -> memref<1x512x64xf32, #tpu.memory_space<hbm>>
      %dma_wait3A_136 = tpu.memref_squeeze %dma_wait3A_135 : memref<1x512x64xf32, #tpu.memory_space<hbm>> -> memref<512x64xf32, #tpu.memory_space<hbm>>
      tpu.wait_dma2 semaphore(%arg12 : memref<!tpu.dma_semaphore, #tpu.memory_space<semaphore_mem>>) src(%dma_wait3A_136 : memref<512x64xf32, #tpu.memory_space<hbm>>) dst(%arg6 : memref<512x64xf32, #tpu.memory_space<vmem>>)
      %mul3A_137 = arith.constant 512 : i32
      %mul3A_138 = arith.muli %mul3A_128, %mul3A_137 : i32
      %add3A_139 = arith.addi %mul3A_32, %mul3A_138 : i32
      %scan3A_140 = arith.constant 0 : i32
      %scan3A_141 = arith.constant 8 : i32
      %scan3A_142 = arith.addi %scan3A_140, %scan3A_141 : i32
      %scan3A_143 = arith.constant 1 : i32
      %scan3A_144:16 = scf.for %scan3A_173 = %scan3A_140 to %scan3A_142 step %scan3A_143 iter_args(%scan3A_174 = %scan3A_111, %scan3A_175 = %scan3A_112, %scan3A_176 = %scan3A_113, %scan3A_177 = %scan3A_114, %scan3A_178 = %scan3A_115, %scan3A_179 = %scan3A_116, %scan3A_180 = %scan3A_117, %scan3A_181 = %scan3A_118, %scan3A_182 = %scan3A_119, %scan3A_183 = %scan3A_120, %scan3A_184 = %scan3A_121, %scan3A_185 = %scan3A_122, %scan3A_186 = %scan3A_123, %scan3A_187 = %scan3A_124, %scan3A_188 = %scan3A_125, %scan3A_189 = %scan3A_126) -> (vector<16xf32>, vector<16xi32>, vector<16xf32>, vector<16xi32>, vector<16xf32>, vector<16xi32>, vector<16xf32>, vector<16xi32>, vector<16xf32>, vector<16xi32>, vector<16xf32>, vector<16xi32>, vector<16xf32>, vector<16xi32>, vector<16xf32>, vector<16xi32>)  : i32 {
        %mul3A_190 = arith.constant 64 : i32
        %mul3A_191 = arith.muli %scan3A_173, %mul3A_190 : i32
        %add3A_192 = arith.constant 0 : i32
        %add3A_193 = arith.addi %mul3A_191, %add3A_192 : i32
        %add3A_194 = vector.broadcast %add3A_193 : i32 to vector<16xi32>
        %add3A_195 = arith.addi %iota3A, %add3A_194 : vector<16xi32>
        %mul3A_196 = arith.constant 64 : i32
        %mul3A_197 = arith.muli %scan3A_173, %mul3A_196 : i32
        %add3A_198 = arith.constant 16 : i32
        %add3A_199 = arith.addi %mul3A_197, %add3A_198 : i32
        %add3A_200 = vector.broadcast %add3A_199 : i32 to vector<16xi32>
        %add3A_201 = arith.addi %iota3A, %add3A_200 : vector<16xi32>
        %mul3A_202 = arith.constant 64 : i32
        %mul3A_203 = arith.muli %scan3A_173, %mul3A_202 : i32
        %add3A_204 = arith.constant 32 : i32
        %add3A_205 = arith.addi %mul3A_203, %add3A_204 : i32
        %add3A_206 = vector.broadcast %add3A_205 : i32 to vector<16xi32>
        %add3A_207 = arith.addi %iota3A, %add3A_206 : vector<16xi32>
        %mul3A_208 = arith.constant 64 : i32
        %mul3A_209 = arith.muli %scan3A_173, %mul3A_208 : i32
        %add3A_210 = arith.constant 48 : i32
        %add3A_211 = arith.addi %mul3A_209, %add3A_210 : i32
        %add3A_212 = vector.broadcast %add3A_211 : i32 to vector<16xi32>
        %add3A_213 = arith.addi %iota3A, %add3A_212 : vector<16xi32>
        %scan3A_214 = arith.constant 0 : i32
        %scan3A_215 = arith.constant 8 : i32
        %scan3A_216 = arith.addi %scan3A_214, %scan3A_215 : i32
        %scan3A_217 = arith.constant 1 : i32
        %scan3A_218:4 = scf.for %scan3A_260 = %scan3A_214 to %scan3A_216 step %scan3A_217 iter_args(%scan3A_261 = %broadcast_in_dim3A_58, %scan3A_262 = %broadcast_in_dim3A_58, %scan3A_263 = %broadcast_in_dim3A_58, %scan3A_264 = %broadcast_in_dim3A_58) -> (vector<16xf32>, vector<16xf32>, vector<16xf32>, vector<16xf32>)  : i32 {
          %mul3A_265 = arith.constant 8 : i32
          %mul3A_266 = arith.muli %scan3A_260, %mul3A_265 : i32
          %add3A_267 = arith.constant 0 : i32
          %add3A_268 = arith.addi %mul3A_266, %add3A_267 : i32
          %add3A_269 = vector.broadcast %add3A_268 : i32 to vector<16xi32>
          %add3A_270 = arith.addi %iota3A, %add3A_269 : vector<16xi32>
          %and3A_271 = arith.constant 63 : i32
          %and3A_272 = vector.broadcast %and3A_271 : i32 to vector<16xi32>
          %and3A_273 = arith.andi %add3A_270, %and3A_272 : vector<16xi32>
          %gather3A = tpu.vector_load_idx %arg9[%and3A_273] : memref<64xf32, #tpu.memory_space<vmem>>[vector<16xi32>], vector<16xf32>,
          %gather3A_274 = tpu.vector_load_idx %arg6[%add3A_195, %and3A_273] : memref<512x64xf32, #tpu.memory_space<vmem>>[vector<16xi32>, vector<16xi32>], vector<16xf32>,
          %sub3A_275 = arith.subf %gather3A_274, %gather3A : vector<16xf32>
          %mul3A_276 = arith.mulf %sub3A_275, %sub3A_275 : vector<16xf32>
          %add3A_277 = arith.addf %scan3A_261, %mul3A_276 : vector<16xf32>
          %gather3A_278 = tpu.vector_load_idx %arg6[%add3A_201, %and3A_273] : memref<512x64xf32, #tpu.memory_space<vmem>>[vector<16xi32>, vector<16xi32>], vector<16xf32>,
          %sub3A_279 = arith.subf %gather3A_278, %gather3A : vector<16xf32>
          %mul3A_280 = arith.mulf %sub3A_279, %sub3A_279 : vector<16xf32>
          %add3A_281 = arith.addf %scan3A_262, %mul3A_280 : vector<16xf32>
          %gather3A_282 = tpu.vector_load_idx %arg6[%add3A_207, %and3A_273] : memref<512x64xf32, #tpu.memory_space<vmem>>[vector<16xi32>, vector<16xi32>], vector<16xf32>,
          %sub3A_283 = arith.subf %gather3A_282, %gather3A : vector<16xf32>
          %mul3A_284 = arith.mulf %sub3A_283, %sub3A_283 : vector<16xf32>
          %add3A_285 = arith.addf %scan3A_263, %mul3A_284 : vector<16xf32>
          %gather3A_286 = tpu.vector_load_idx %arg6[%add3A_213, %and3A_273] : memref<512x64xf32, #tpu.memory_space<vmem>>[vector<16xi32>, vector<16xi32>], vector<16xf32>,
          %sub3A_287 = arith.subf %gather3A_286, %gather3A : vector<16xf32>
          %mul3A_288 = arith.mulf %sub3A_287, %sub3A_287 : vector<16xf32>
          %add3A_289 = arith.addf %scan3A_264, %mul3A_288 : vector<16xf32>
          %mul3A_290 = arith.constant 8 : i32
          %mul3A_291 = arith.muli %scan3A_260, %mul3A_290 : i32
          %add3A_292 = arith.constant 1 : i32
          %add3A_293 = arith.addi %mul3A_291, %add3A_292 : i32
          %add3A_294 = vector.broadcast %add3A_293 : i32 to vector<16xi32>
          %add3A_295 = arith.addi %iota3A, %add3A_294 : vector<16xi32>
          %and3A_296 = arith.constant 63 : i32
          %and3A_297 = vector.broadcast %and3A_296 : i32 to vector<16xi32>
          %and3A_298 = arith.andi %add3A_295, %and3A_297 : vector<16xi32>
          %gather3A_299 = tpu.vector_load_idx %arg9[%and3A_298] : memref<64xf32, #tpu.memory_space<vmem>>[vector<16xi32>], vector<16xf32>,
          %gather3A_300 = tpu.vector_load_idx %arg6[%add3A_195, %and3A_298] : memref<512x64xf32, #tpu.memory_space<vmem>>[vector<16xi32>, vector<16xi32>], vector<16xf32>,
          %sub3A_301 = arith.subf %gather3A_300, %gather3A_299 : vector<16xf32>
          %mul3A_302 = arith.mulf %sub3A_301, %sub3A_301 : vector<16xf32>
          %add3A_303 = arith.addf %add3A_277, %mul3A_302 : vector<16xf32>
          %gather3A_304 = tpu.vector_load_idx %arg6[%add3A_201, %and3A_298] : memref<512x64xf32, #tpu.memory_space<vmem>>[vector<16xi32>, vector<16xi32>], vector<16xf32>,
          %sub3A_305 = arith.subf %gather3A_304, %gather3A_299 : vector<16xf32>
          %mul3A_306 = arith.mulf %sub3A_305, %sub3A_305 : vector<16xf32>
          %add3A_307 = arith.addf %add3A_281, %mul3A_306 : vector<16xf32>
          %gather3A_308 = tpu.vector_load_idx %arg6[%add3A_207, %and3A_298] : memref<512x64xf32, #tpu.memory_space<vmem>>[vector<16xi32>, vector<16xi32>], vector<16xf32>,
          %sub3A_309 = arith.subf %gather3A_308, %gather3A_299 : vector<16xf32>
          %mul3A_310 = arith.mulf %sub3A_309, %sub3A_309 : vector<16xf32>
          %add3A_311 = arith.addf %add3A_285, %mul3A_310 : vector<16xf32>
          %gather3A_312 = tpu.vector_load_idx %arg6[%add3A_213, %and3A_298] : memref<512x64xf32, #tpu.memory_space<vmem>>[vector<16xi32>, vector<16xi32>], vector<16xf32>,
          %sub3A_313 = arith.subf %gather3A_312, %gather3A_299 : vector<16xf32>
          %mul3A_314 = arith.mulf %sub3A_313, %sub3A_313 : vector<16xf32>
          %add3A_315 = arith.addf %add3A_289, %mul3A_314 : vector<16xf32>
          %mul3A_316 = arith.constant 8 : i32
          %mul3A_317 = arith.muli %scan3A_260, %mul3A_316 : i32
          %add3A_318 = arith.constant 2 : i32
          %add3A_319 = arith.addi %mul3A_317, %add3A_318 : i32
          %add3A_320 = vector.broadcast %add3A_319 : i32 to vector<16xi32>
          %add3A_321 = arith.addi %iota3A, %add3A_320 : vector<16xi32>
          %and3A_322 = arith.constant 63 : i32
          %and3A_323 = vector.broadcast %and3A_322 : i32 to vector<16xi32>
          %and3A_324 = arith.andi %add3A_321, %and3A_323 : vector<16xi32>
          %gather3A_325 = tpu.vector_load_idx %arg9[%and3A_324] : memref<64xf32, #tpu.memory_space<vmem>>[vector<16xi32>], vector<16xf32>,
          %gather3A_326 = tpu.vector_load_idx %arg6[%add3A_195, %and3A_324] : memref<512x64xf32, #tpu.memory_space<vmem>>[vector<16xi32>, vector<16xi32>], vector<16xf32>,
          %sub3A_327 = arith.subf %gather3A_326, %gather3A_325 : vector<16xf32>
          %mul3A_328 = arith.mulf %sub3A_327, %sub3A_327 : vector<16xf32>
          %add3A_329 = arith.addf %add3A_303, %mul3A_328 : vector<16xf32>
          %gather3A_330 = tpu.vector_load_idx %arg6[%add3A_201, %and3A_324] : memref<512x64xf32, #tpu.memory_space<vmem>>[vector<16xi32>, vector<16xi32>], vector<16xf32>,
          %sub3A_331 = arith.subf %gather3A_330, %gather3A_325 : vector<16xf32>
          %mul3A_332 = arith.mulf %sub3A_331, %sub3A_331 : vector<16xf32>
          %add3A_333 = arith.addf %add3A_307, %mul3A_332 : vector<16xf32>
          %gather3A_334 = tpu.vector_load_idx %arg6[%add3A_207, %and3A_324] : memref<512x64xf32, #tpu.memory_space<vmem>>[vector<16xi32>, vector<16xi32>], vector<16xf32>,
          %sub3A_335 = arith.subf %gather3A_334, %gather3A_325 : vector<16xf32>
          %mul3A_336 = arith.mulf %sub3A_335, %sub3A_335 : vector<16xf32>
          %add3A_337 = arith.addf %add3A_311, %mul3A_336 : vector<16xf32>
          %gather3A_338 = tpu.vector_load_idx %arg6[%add3A_213, %and3A_324] : memref<512x64xf32, #tpu.memory_space<vmem>>[vector<16xi32>, vector<16xi32>], vector<16xf32>,
          %sub3A_339 = arith.subf %gather3A_338, %gather3A_325 : vector<16xf32>
          %mul3A_340 = arith.mulf %sub3A_339, %sub3A_339 : vector<16xf32>
          %add3A_341 = arith.addf %add3A_315, %mul3A_340 : vector<16xf32>
          %mul3A_342 = arith.constant 8 : i32
          %mul3A_343 = arith.muli %scan3A_260, %mul3A_342 : i32
          %add3A_344 = arith.constant 3 : i32
          %add3A_345 = arith.addi %mul3A_343, %add3A_344 : i32
          %add3A_346 = vector.broadcast %add3A_345 : i32 to vector<16xi32>
          %add3A_347 = arith.addi %iota3A, %add3A_346 : vector<16xi32>
          %and3A_348 = arith.constant 63 : i32
          %and3A_349 = vector.broadcast %and3A_348 : i32 to vector<16xi32>
          %and3A_350 = arith.andi %add3A_347, %and3A_349 : vector<16xi32>
          %gather3A_351 = tpu.vector_load_idx %arg9[%and3A_350] : memref<64xf32, #tpu.memory_space<vmem>>[vector<16xi32>], vector<16xf32>,
          %gather3A_352 = tpu.vector_load_idx %arg6[%add3A_195, %and3A_350] : memref<512x64xf32, #tpu.memory_space<vmem>>[vector<16xi32>, vector<16xi32>], vector<16xf32>,
          %sub3A_353 = arith.subf %gather3A_352, %gather3A_351 : vector<16xf32>
          %mul3A_354 = arith.mulf %sub3A_353, %sub3A_353 : vector<16xf32>
          %add3A_355 = arith.addf %add3A_329, %mul3A_354 : vector<16xf32>
          %gather3A_356 = tpu.vector_load_idx %arg6[%add3A_201, %and3A_350] : memref<512x64xf32, #tpu.memory_space<vmem>>[vector<16xi32>, vector<16xi32>], vector<16xf32>,
          %sub3A_357 = arith.subf %gather3A_356, %gather3A_351 : vector<16xf32>
          %mul3A_358 = arith.mulf %sub3A_357, %sub3A_357 : vector<16xf32>
          %add3A_359 = arith.addf %add3A_333, %mul3A_358 : vector<16xf32>
          %gather3A_360 = tpu.vector_load_idx %arg6[%add3A_207, %and3A_350] : memref<512x64xf32, #tpu.memory_space<vmem>>[vector<16xi32>, vector<16xi32>], vector<16xf32>,
          %sub3A_361 = arith.subf %gather3A_360, %gather3A_351 : vector<16xf32>
          %mul3A_362 = arith.mulf %sub3A_361, %sub3A_361 : vector<16xf32>
          %add3A_363 = arith.addf %add3A_337, %mul3A_362 : vector<16xf32>
          %gather3A_364 = tpu.vector_load_idx %arg6[%add3A_213, %and3A_350] : memref<512x64xf32, #tpu.memory_space<vmem>>[vector<16xi32>, vector<16xi32>], vector<16xf32>,
          %sub3A_365 = arith.subf %gather3A_364, %gather3A_351 : vector<16xf32>
          %mul3A_366 = arith.mulf %sub3A_365, %sub3A_365 : vector<16xf32>
          %add3A_367 = arith.addf %add3A_341, %mul3A_366 : vector<16xf32>
          %mul3A_368 = arith.constant 8 : i32
          %mul3A_369 = arith.muli %scan3A_260, %mul3A_368 : i32
          %add3A_370 = arith.constant 4 : i32
          %add3A_371 = arith.addi %mul3A_369, %add3A_370 : i32
          %add3A_372 = vector.broadcast %add3A_371 : i32 to vector<16xi32>
          %add3A_373 = arith.addi %iota3A, %add3A_372 : vector<16xi32>
          %and3A_374 = arith.constant 63 : i32
          %and3A_375 = vector.broadcast %and3A_374 : i32 to vector<16xi32>
          %and3A_376 = arith.andi %add3A_373, %and3A_375 : vector<16xi32>
          %gather3A_377 = tpu.vector_load_idx %arg9[%and3A_376] : memref<64xf32, #tpu.memory_space<vmem>>[vector<16xi32>], vector<16xf32>,
          %gather3A_378 = tpu.vector_load_idx %arg6[%add3A_195, %and3A_376] : memref<512x64xf32, #tpu.memory_space<vmem>>[vector<16xi32>, vector<16xi32>], vector<16xf32>,
          %sub3A_379 = arith.subf %gather3A_378, %gather3A_377 : vector<16xf32>
          %mul3A_380 = arith.mulf %sub3A_379, %sub3A_379 : vector<16xf32>
          %add3A_381 = arith.addf %add3A_355, %mul3A_380 : vector<16xf32>
          %gather3A_382 = tpu.vector_load_idx %arg6[%add3A_201, %and3A_376] : memref<512x64xf32, #tpu.memory_space<vmem>>[vector<16xi32>, vector<16xi32>], vector<16xf32>,
          %sub3A_383 = arith.subf %gather3A_382, %gather3A_377 : vector<16xf32>
          %mul3A_384 = arith.mulf %sub3A_383, %sub3A_383 : vector<16xf32>
          %add3A_385 = arith.addf %add3A_359, %mul3A_384 : vector<16xf32>
          %gather3A_386 = tpu.vector_load_idx %arg6[%add3A_207, %and3A_376] : memref<512x64xf32, #tpu.memory_space<vmem>>[vector<16xi32>, vector<16xi32>], vector<16xf32>,
          %sub3A_387 = arith.subf %gather3A_386, %gather3A_377 : vector<16xf32>
          %mul3A_388 = arith.mulf %sub3A_387, %sub3A_387 : vector<16xf32>
          %add3A_389 = arith.addf %add3A_363, %mul3A_388 : vector<16xf32>
          %gather3A_390 = tpu.vector_load_idx %arg6[%add3A_213, %and3A_376] : memref<512x64xf32, #tpu.memory_space<vmem>>[vector<16xi32>, vector<16xi32>], vector<16xf32>,
          %sub3A_391 = arith.subf %gather3A_390, %gather3A_377 : vector<16xf32>
          %mul3A_392 = arith.mulf %sub3A_391, %sub3A_391 : vector<16xf32>
          %add3A_393 = arith.addf %add3A_367, %mul3A_392 : vector<16xf32>
          %mul3A_394 = arith.constant 8 : i32
          %mul3A_395 = arith.muli %scan3A_260, %mul3A_394 : i32
          %add3A_396 = arith.constant 5 : i32
          %add3A_397 = arith.addi %mul3A_395, %add3A_396 : i32
          %add3A_398 = vector.broadcast %add3A_397 : i32 to vector<16xi32>
          %add3A_399 = arith.addi %iota3A, %add3A_398 : vector<16xi32>
          %and3A_400 = arith.constant 63 : i32
          %and3A_401 = vector.broadcast %and3A_400 : i32 to vector<16xi32>
          %and3A_402 = arith.andi %add3A_399, %and3A_401 : vector<16xi32>
          %gather3A_403 = tpu.vector_load_idx %arg9[%and3A_402] : memref<64xf32, #tpu.memory_space<vmem>>[vector<16xi32>], vector<16xf32>,
          %gather3A_404 = tpu.vector_load_idx %arg6[%add3A_195, %and3A_402] : memref<512x64xf32, #tpu.memory_space<vmem>>[vector<16xi32>, vector<16xi32>], vector<16xf32>,
          %sub3A_405 = arith.subf %gather3A_404, %gather3A_403 : vector<16xf32>
          %mul3A_406 = arith.mulf %sub3A_405, %sub3A_405 : vector<16xf32>
          %add3A_407 = arith.addf %add3A_381, %mul3A_406 : vector<16xf32>
          %gather3A_408 = tpu.vector_load_idx %arg6[%add3A_201, %and3A_402] : memref<512x64xf32, #tpu.memory_space<vmem>>[vector<16xi32>, vector<16xi32>], vector<16xf32>,
          %sub3A_409 = arith.subf %gather3A_408, %gather3A_403 : vector<16xf32>
          %mul3A_410 = arith.mulf %sub3A_409, %sub3A_409 : vector<16xf32>
          %add3A_411 = arith.addf %add3A_385, %mul3A_410 : vector<16xf32>
          %gather3A_412 = tpu.vector_load_idx %arg6[%add3A_207, %and3A_402] : memref<512x64xf32, #tpu.memory_space<vmem>>[vector<16xi32>, vector<16xi32>], vector<16xf32>,
          %sub3A_413 = arith.subf %gather3A_412, %gather3A_403 : vector<16xf32>
          %mul3A_414 = arith.mulf %sub3A_413, %sub3A_413 : vector<16xf32>
          %add3A_415 = arith.addf %add3A_389, %mul3A_414 : vector<16xf32>
          %gather3A_416 = tpu.vector_load_idx %arg6[%add3A_213, %and3A_402] : memref<512x64xf32, #tpu.memory_space<vmem>>[vector<16xi32>, vector<16xi32>], vector<16xf32>,
          %sub3A_417 = arith.subf %gather3A_416, %gather3A_403 : vector<16xf32>
          %mul3A_418 = arith.mulf %sub3A_417, %sub3A_417 : vector<16xf32>
          %add3A_419 = arith.addf %add3A_393, %mul3A_418 : vector<16xf32>
          %mul3A_420 = arith.constant 8 : i32
          %mul3A_421 = arith.muli %scan3A_260, %mul3A_420 : i32
          %add3A_422 = arith.constant 6 : i32
          %add3A_423 = arith.addi %mul3A_421, %add3A_422 : i32
          %add3A_424 = vector.broadcast %add3A_423 : i32 to vector<16xi32>
          %add3A_425 = arith.addi %iota3A, %add3A_424 : vector<16xi32>
          %and3A_426 = arith.constant 63 : i32
          %and3A_427 = vector.broadcast %and3A_426 : i32 to vector<16xi32>
          %and3A_428 = arith.andi %add3A_425, %and3A_427 : vector<16xi32>
          %gather3A_429 = tpu.vector_load_idx %arg9[%and3A_428] : memref<64xf32, #tpu.memory_space<vmem>>[vector<16xi32>], vector<16xf32>,
          %gather3A_430 = tpu.vector_load_idx %arg6[%add3A_195, %and3A_428] : memref<512x64xf32, #tpu.memory_space<vmem>>[vector<16xi32>, vector<16xi32>], vector<16xf32>,
          %sub3A_431 = arith.subf %gather3A_430, %gather3A_429 : vector<16xf32>
          %mul3A_432 = arith.mulf %sub3A_431, %sub3A_431 : vector<16xf32>
          %add3A_433 = arith.addf %add3A_407, %mul3A_432 : vector<16xf32>
          %gather3A_434 = tpu.vector_load_idx %arg6[%add3A_201, %and3A_428] : memref<512x64xf32, #tpu.memory_space<vmem>>[vector<16xi32>, vector<16xi32>], vector<16xf32>,
          %sub3A_435 = arith.subf %gather3A_434, %gather3A_429 : vector<16xf32>
          %mul3A_436 = arith.mulf %sub3A_435, %sub3A_435 : vector<16xf32>
          %add3A_437 = arith.addf %add3A_411, %mul3A_436 : vector<16xf32>
          %gather3A_438 = tpu.vector_load_idx %arg6[%add3A_207, %and3A_428] : memref<512x64xf32, #tpu.memory_space<vmem>>[vector<16xi32>, vector<16xi32>], vector<16xf32>,
          %sub3A_439 = arith.subf %gather3A_438, %gather3A_429 : vector<16xf32>
          %mul3A_440 = arith.mulf %sub3A_439, %sub3A_439 : vector<16xf32>
          %add3A_441 = arith.addf %add3A_415, %mul3A_440 : vector<16xf32>
          %gather3A_442 = tpu.vector_load_idx %arg6[%add3A_213, %and3A_428] : memref<512x64xf32, #tpu.memory_space<vmem>>[vector<16xi32>, vector<16xi32>], vector<16xf32>,
          %sub3A_443 = arith.subf %gather3A_442, %gather3A_429 : vector<16xf32>
          %mul3A_444 = arith.mulf %sub3A_443, %sub3A_443 : vector<16xf32>
          %add3A_445 = arith.addf %add3A_419, %mul3A_444 : vector<16xf32>
          %mul3A_446 = arith.constant 8 : i32
          %mul3A_447 = arith.muli %scan3A_260, %mul3A_446 : i32
          %add3A_448 = arith.constant 7 : i32
          %add3A_449 = arith.addi %mul3A_447, %add3A_448 : i32
          %add3A_450 = vector.broadcast %add3A_449 : i32 to vector<16xi32>
          %add3A_451 = arith.addi %iota3A, %add3A_450 : vector<16xi32>
          %and3A_452 = arith.constant 63 : i32
          %and3A_453 = vector.broadcast %and3A_452 : i32 to vector<16xi32>
          %and3A_454 = arith.andi %add3A_451, %and3A_453 : vector<16xi32>
          %gather3A_455 = tpu.vector_load_idx %arg9[%and3A_454] : memref<64xf32, #tpu.memory_space<vmem>>[vector<16xi32>], vector<16xf32>,
          %gather3A_456 = tpu.vector_load_idx %arg6[%add3A_195, %and3A_454] : memref<512x64xf32, #tpu.memory_space<vmem>>[vector<16xi32>, vector<16xi32>], vector<16xf32>,
          %sub3A_457 = arith.subf %gather3A_456, %gather3A_455 : vector<16xf32>
          %mul3A_458 = arith.mulf %sub3A_457, %sub3A_457 : vector<16xf32>
          %add3A_459 = arith.addf %add3A_433, %mul3A_458 : vector<16xf32>
          %gather3A_460 = tpu.vector_load_idx %arg6[%add3A_201, %and3A_454] : memref<512x64xf32, #tpu.memory_space<vmem>>[vector<16xi32>, vector<16xi32>], vector<16xf32>,
          %sub3A_461 = arith.subf %gather3A_460, %gather3A_455 : vector<16xf32>
          %mul3A_462 = arith.mulf %sub3A_461, %sub3A_461 : vector<16xf32>
          %add3A_463 = arith.addf %add3A_437, %mul3A_462 : vector<16xf32>
          %gather3A_464 = tpu.vector_load_idx %arg6[%add3A_207, %and3A_454] : memref<512x64xf32, #tpu.memory_space<vmem>>[vector<16xi32>, vector<16xi32>], vector<16xf32>,
          %sub3A_465 = arith.subf %gather3A_464, %gather3A_455 : vector<16xf32>
          %mul3A_466 = arith.mulf %sub3A_465, %sub3A_465 : vector<16xf32>
          %add3A_467 = arith.addf %add3A_441, %mul3A_466 : vector<16xf32>
          %gather3A_468 = tpu.vector_load_idx %arg6[%add3A_213, %and3A_454] : memref<512x64xf32, #tpu.memory_space<vmem>>[vector<16xi32>, vector<16xi32>], vector<16xf32>,
          %sub3A_469 = arith.subf %gather3A_468, %gather3A_455 : vector<16xf32>
          %mul3A_470 = arith.mulf %sub3A_469, %sub3A_469 : vector<16xf32>
          %add3A_471 = arith.addf %add3A_445, %mul3A_470 : vector<16xf32>
          scf.yield %add3A_459, %add3A_463, %add3A_467, %add3A_471 : vector<16xf32>, vector<16xf32>, vector<16xf32>, vector<16xf32>
        }
        %scan3A_219 = arith.constant 8 : i32
        %add3A_220 = vector.broadcast %add3A_139 : i32 to vector<16xi32>
        %add3A_221 = arith.addi %add3A_195, %add3A_220 : vector<16xi32>
        %lt3A_222 = arith.cmpf olt, %scan3A_218#0, %scan3A_174 : vector<16xf32>
        %lt3A_223 = arith.cmpf olt, %scan3A_218#0, %scan3A_176 : vector<16xf32>
        %select_n3A_224 = arith.select %lt3A_223, %scan3A_218#0, %scan3A_176 : vector<16xi1>, vector<16xf32>
        %select_n3A_225 = arith.select %lt3A_222, %scan3A_174, %select_n3A_224 : vector<16xi1>, vector<16xf32>
        %select_n3A_226 = arith.select %lt3A_223, %add3A_221, %scan3A_177 : vector<16xi1>, vector<16xi32>
        %select_n3A_227 = arith.select %lt3A_222, %scan3A_175, %select_n3A_226 : vector<16xi1>, vector<16xi32>
        %select_n3A_228 = arith.select %lt3A_222, %scan3A_218#0, %scan3A_174 : vector<16xi1>, vector<16xf32>
        %select_n3A_229 = arith.select %lt3A_222, %add3A_221, %scan3A_175 : vector<16xi1>, vector<16xi32>
        %add3A_230 = vector.broadcast %add3A_139 : i32 to vector<16xi32>
        %add3A_231 = arith.addi %add3A_201, %add3A_230 : vector<16xi32>
        %lt3A_232 = arith.cmpf olt, %scan3A_218#1, %scan3A_178 : vector<16xf32>
        %lt3A_233 = arith.cmpf olt, %scan3A_218#1, %scan3A_180 : vector<16xf32>
        %select_n3A_234 = arith.select %lt3A_233, %scan3A_218#1, %scan3A_180 : vector<16xi1>, vector<16xf32>
        %select_n3A_235 = arith.select %lt3A_232, %scan3A_178, %select_n3A_234 : vector<16xi1>, vector<16xf32>
        %select_n3A_236 = arith.select %lt3A_233, %add3A_231, %scan3A_181 : vector<16xi1>, vector<16xi32>
        %select_n3A_237 = arith.select %lt3A_232, %scan3A_179, %select_n3A_236 : vector<16xi1>, vector<16xi32>
        %select_n3A_238 = arith.select %lt3A_232, %scan3A_218#1, %scan3A_178 : vector<16xi1>, vector<16xf32>
        %select_n3A_239 = arith.select %lt3A_232, %add3A_231, %scan3A_179 : vector<16xi1>, vector<16xi32>
        %add3A_240 = vector.broadcast %add3A_139 : i32 to vector<16xi32>
        %add3A_241 = arith.addi %add3A_207, %add3A_240 : vector<16xi32>
        %lt3A_242 = arith.cmpf olt, %scan3A_218#2, %scan3A_182 : vector<16xf32>
        %lt3A_243 = arith.cmpf olt, %scan3A_218#2, %scan3A_184 : vector<16xf32>
        %select_n3A_244 = arith.select %lt3A_243, %scan3A_218#2, %scan3A_184 : vector<16xi1>, vector<16xf32>
        %select_n3A_245 = arith.select %lt3A_242, %scan3A_182, %select_n3A_244 : vector<16xi1>, vector<16xf32>
        %select_n3A_246 = arith.select %lt3A_243, %add3A_241, %scan3A_185 : vector<16xi1>, vector<16xi32>
        %select_n3A_247 = arith.select %lt3A_242, %scan3A_183, %select_n3A_246 : vector<16xi1>, vector<16xi32>
        %select_n3A_248 = arith.select %lt3A_242, %scan3A_218#2, %scan3A_182 : vector<16xi1>, vector<16xf32>
        %select_n3A_249 = arith.select %lt3A_242, %add3A_241, %scan3A_183 : vector<16xi1>, vector<16xi32>
        %add3A_250 = vector.broadcast %add3A_139 : i32 to vector<16xi32>
        %add3A_251 = arith.addi %add3A_213, %add3A_250 : vector<16xi32>
        %lt3A_252 = arith.cmpf olt, %scan3A_218#3, %scan3A_186 : vector<16xf32>
        %lt3A_253 = arith.cmpf olt, %scan3A_218#3, %scan3A_188 : vector<16xf32>
        %select_n3A_254 = arith.select %lt3A_253, %scan3A_218#3, %scan3A_188 : vector<16xi1>, vector<16xf32>
        %select_n3A_255 = arith.select %lt3A_252, %scan3A_186, %select_n3A_254 : vector<16xi1>, vector<16xf32>
        %select_n3A_256 = arith.select %lt3A_253, %add3A_251, %scan3A_189 : vector<16xi1>, vector<16xi32>
        %select_n3A_257 = arith.select %lt3A_252, %scan3A_187, %select_n3A_256 : vector<16xi1>, vector<16xi32>
        %select_n3A_258 = arith.select %lt3A_252, %scan3A_218#3, %scan3A_186 : vector<16xi1>, vector<16xf32>
        %select_n3A_259 = arith.select %lt3A_252, %add3A_251, %scan3A_187 : vector<16xi1>, vector<16xi32>
        scf.yield %select_n3A_228, %select_n3A_229, %select_n3A_225, %select_n3A_227, %select_n3A_238, %select_n3A_239, %select_n3A_235, %select_n3A_237, %select_n3A_248, %select_n3A_249, %select_n3A_245, %select_n3A_247, %select_n3A_258, %select_n3A_259, %select_n3A_255, %select_n3A_257 : vector<16xf32>, vector<16xi32>, vector<16xf32>, vector<16xi32>, vector<16xf32>, vector<16xi32>, vector<16xf32>, vector<16xi32>, vector<16xf32>, vector<16xi32>, vector<16xf32>, vector<16xi32>, vector<16xf32>, vector<16xi32>, vector<16xf32>, vector<16xi32>
      }
      %scan3A_145 = arith.constant 8 : i32
      %lt3A_146 = arith.constant 11 : i32
      %lt3A_147 = arith.cmpi slt, %scan3A_110, %lt3A_146 : i32
      %convert_element_type3A = arith.extui %lt3A_147 : i1 to i32
      %cond3A = arith.constant 0 : i32
      %cond3A_148 = arith.cmpi ne, %convert_element_type3A, %cond3A : i32
      scf.if %cond3A_148 {
        %add3A_173 = arith.constant 2 : i32
        %add3A_174 = arith.addi %mul3A_128, %add3A_173 : i32
        %mul3A_175 = arith.constant 512 : i32
        %mul3A_176 = arith.muli %add3A_174, %mul3A_175 : i32
        %add3A_177 = arith.addi %mul3A_32, %mul3A_176 : i32
        %dma_start3A_178 = arith.constant 0 : i32
        %dma_start3A_179 = tpu.memref_slice %arg2[%select_n3A, %add3A_177, %dma_start3A_178] : memref<4x100000x128xf32, #tpu.memory_space<hbm>> -> memref<1x512x64xf32, #tpu.memory_space<hbm>>
        %dma_start3A_180 = tpu.memref_squeeze %dma_start3A_179 : memref<1x512x64xf32, #tpu.memory_space<hbm>> -> memref<512x64xf32, #tpu.memory_space<hbm>>
        %dma_start3A_181 = arith.constant 0 : i32
        %dma_start3A_182 = tpu.memref_slice %arg2[%select_n3A, %add3A_177, %dma_start3A_181] : memref<4x100000x128xf32, #tpu.memory_space<hbm>> -> memref<1x512x64xf32, #tpu.memory_space<hbm>>
        %dma_start3A_183 = tpu.memref_squeeze %dma_start3A_182 : memref<1x512x64xf32, #tpu.memory_space<hbm>> -> memref<512x64xf32, #tpu.memory_space<hbm>>
        tpu.enqueue_dma source(%dma_start3A_183 : memref<512x64xf32, #tpu.memory_space<hbm>>) target(%arg6 : memref<512x64xf32, #tpu.memory_space<vmem>>) target_semaphore(%arg12 : memref<!tpu.dma_semaphore, #tpu.memory_space<semaphore_mem>>)
      } else {
      }
      %dma_wait3A_149 = arith.constant 0 : i32
      %dma_wait3A_150 = arith.constant 0 : i32
      %dma_wait3A_151 = tpu.memref_slice %arg2[%scan3A, %dma_wait3A_149, %dma_wait3A_150] : memref<4x100000x128xf32, #tpu.memory_space<hbm>> -> memref<1x512x64xf32, #tpu.memory_space<hbm>>
      %dma_wait3A_152 = tpu.memref_squeeze %dma_wait3A_151 : memref<1x512x64xf32, #tpu.memory_space<hbm>> -> memref<512x64xf32, #tpu.memory_space<hbm>>
      %dma_wait3A_153 = arith.constant 0 : i32
      %dma_wait3A_154 = arith.constant 0 : i32
      %dma_wait3A_155 = tpu.memref_slice %arg2[%scan3A, %dma_wait3A_153, %dma_wait3A_154] : memref<4x100000x128xf32, #tpu.memory_space<hbm>> -> memref<1x512x64xf32, #tpu.memory_space<hbm>>
      %dma_wait3A_156 = tpu.memref_squeeze %dma_wait3A_155 : memref<1x512x64xf32, #tpu.memory_space<hbm>> -> memref<512x64xf32, #tpu.memory_space<hbm>>
      tpu.wait_dma2 semaphore(%arg13 : memref<!tpu.dma_semaphore, #tpu.memory_space<semaphore_mem>>) src(%dma_wait3A_156 : memref<512x64xf32, #tpu.memory_space<hbm>>) dst(%arg7 : memref<512x64xf32, #tpu.memory_space<vmem>>)
      %add3A_157 = arith.constant 1 : i32
      %add3A_158 = arith.addi %mul3A_128, %add3A_157 : i32
      %mul3A_159 = arith.constant 512 : i32
      %mul3A_160 = arith.muli %add3A_158, %mul3A_159 : i32
      %add3A_161 = arith.addi %mul3A_32, %mul3A_160 : i32
      %scan3A_162 = arith.constant 0 : i32
      %scan3A_163 = arith.constant 8 : i32
      %scan3A_164 = arith.addi %scan3A_162, %scan3A_163 : i32
      %scan3A_165 = arith.constant 1 : i32
      %scan3A_166:16 = scf.for %scan3A_173 = %scan3A_162 to %scan3A_164 step %scan3A_165 iter_args(%scan3A_174 = %scan3A_144#0, %scan3A_175 = %scan3A_144#1, %scan3A_176 = %scan3A_144#2, %scan3A_177 = %scan3A_144#3, %scan3A_178 = %scan3A_144#4, %scan3A_179 = %scan3A_144#5, %scan3A_180 = %scan3A_144#6, %scan3A_181 = %scan3A_144#7, %scan3A_182 = %scan3A_144#8, %scan3A_183 = %scan3A_144#9, %scan3A_184 = %scan3A_144#10, %scan3A_185 = %scan3A_144#11, %scan3A_186 = %scan3A_144#12, %scan3A_187 = %scan3A_144#13, %scan3A_188 = %scan3A_144#14, %scan3A_189 = %scan3A_144#15) -> (vector<16xf32>, vector<16xi32>, vector<16xf32>, vector<16xi32>, vector<16xf32>, vector<16xi32>, vector<16xf32>, vector<16xi32>, vector<16xf32>, vector<16xi32>, vector<16xf32>, vector<16xi32>, vector<16xf32>, vector<16xi32>, vector<16xf32>, vector<16xi32>)  : i32 {
        %mul3A_190 = arith.constant 64 : i32
        %mul3A_191 = arith.muli %scan3A_173, %mul3A_190 : i32
        %add3A_192 = arith.constant 0 : i32
        %add3A_193 = arith.addi %mul3A_191, %add3A_192 : i32
        %add3A_194 = vector.broadcast %add3A_193 : i32 to vector<16xi32>
        %add3A_195 = arith.addi %iota3A, %add3A_194 : vector<16xi32>
        %mul3A_196 = arith.constant 64 : i32
        %mul3A_197 = arith.muli %scan3A_173, %mul3A_196 : i32
        %add3A_198 = arith.constant 16 : i32
        %add3A_199 = arith.addi %mul3A_197, %add3A_198 : i32
        %add3A_200 = vector.broadcast %add3A_199 : i32 to vector<16xi32>
        %add3A_201 = arith.addi %iota3A, %add3A_200 : vector<16xi32>
        %mul3A_202 = arith.constant 64 : i32
        %mul3A_203 = arith.muli %scan3A_173, %mul3A_202 : i32
        %add3A_204 = arith.constant 32 : i32
        %add3A_205 = arith.addi %mul3A_203, %add3A_204 : i32
        %add3A_206 = vector.broadcast %add3A_205 : i32 to vector<16xi32>
        %add3A_207 = arith.addi %iota3A, %add3A_206 : vector<16xi32>
        %mul3A_208 = arith.constant 64 : i32
        %mul3A_209 = arith.muli %scan3A_173, %mul3A_208 : i32
        %add3A_210 = arith.constant 48 : i32
        %add3A_211 = arith.addi %mul3A_209, %add3A_210 : i32
        %add3A_212 = vector.broadcast %add3A_211 : i32 to vector<16xi32>
        %add3A_213 = arith.addi %iota3A, %add3A_212 : vector<16xi32>
        %scan3A_214 = arith.constant 0 : i32
        %scan3A_215 = arith.constant 8 : i32
        %scan3A_216 = arith.addi %scan3A_214, %scan3A_215 : i32
        %scan3A_217 = arith.constant 1 : i32
        %scan3A_218:4 = scf.for %scan3A_260 = %scan3A_214 to %scan3A_216 step %scan3A_217 iter_args(%scan3A_261 = %broadcast_in_dim3A_58, %scan3A_262 = %broadcast_in_dim3A_58, %scan3A_263 = %broadcast_in_dim3A_58, %scan3A_264 = %broadcast_in_dim3A_58) -> (vector<16xf32>, vector<16xf32>, vector<16xf32>, vector<16xf32>)  : i32 {
          %mul3A_265 = arith.constant 8 : i32
          %mul3A_266 = arith.muli %scan3A_260, %mul3A_265 : i32
          %add3A_267 = arith.constant 0 : i32
          %add3A_268 = arith.addi %mul3A_266, %add3A_267 : i32
          %add3A_269 = vector.broadcast %add3A_268 : i32 to vector<16xi32>
          %add3A_270 = arith.addi %iota3A, %add3A_269 : vector<16xi32>
          %and3A_271 = arith.constant 63 : i32
          %and3A_272 = vector.broadcast %and3A_271 : i32 to vector<16xi32>
          %and3A_273 = arith.andi %add3A_270, %and3A_272 : vector<16xi32>
          %gather3A = tpu.vector_load_idx %arg9[%and3A_273] : memref<64xf32, #tpu.memory_space<vmem>>[vector<16xi32>], vector<16xf32>,
          %gather3A_274 = tpu.vector_load_idx %arg7[%add3A_195, %and3A_273] : memref<512x64xf32, #tpu.memory_space<vmem>>[vector<16xi32>, vector<16xi32>], vector<16xf32>,
          %sub3A_275 = arith.subf %gather3A_274, %gather3A : vector<16xf32>
          %mul3A_276 = arith.mulf %sub3A_275, %sub3A_275 : vector<16xf32>
          %add3A_277 = arith.addf %scan3A_261, %mul3A_276 : vector<16xf32>
          %gather3A_278 = tpu.vector_load_idx %arg7[%add3A_201, %and3A_273] : memref<512x64xf32, #tpu.memory_space<vmem>>[vector<16xi32>, vector<16xi32>], vector<16xf32>,
          %sub3A_279 = arith.subf %gather3A_278, %gather3A : vector<16xf32>
          %mul3A_280 = arith.mulf %sub3A_279, %sub3A_279 : vector<16xf32>
          %add3A_281 = arith.addf %scan3A_262, %mul3A_280 : vector<16xf32>
          %gather3A_282 = tpu.vector_load_idx %arg7[%add3A_207, %and3A_273] : memref<512x64xf32, #tpu.memory_space<vmem>>[vector<16xi32>, vector<16xi32>], vector<16xf32>,
          %sub3A_283 = arith.subf %gather3A_282, %gather3A : vector<16xf32>
          %mul3A_284 = arith.mulf %sub3A_283, %sub3A_283 : vector<16xf32>
          %add3A_285 = arith.addf %scan3A_263, %mul3A_284 : vector<16xf32>
          %gather3A_286 = tpu.vector_load_idx %arg7[%add3A_213, %and3A_273] : memref<512x64xf32, #tpu.memory_space<vmem>>[vector<16xi32>, vector<16xi32>], vector<16xf32>,
          %sub3A_287 = arith.subf %gather3A_286, %gather3A : vector<16xf32>
          %mul3A_288 = arith.mulf %sub3A_287, %sub3A_287 : vector<16xf32>
          %add3A_289 = arith.addf %scan3A_264, %mul3A_288 : vector<16xf32>
          %mul3A_290 = arith.constant 8 : i32
          %mul3A_291 = arith.muli %scan3A_260, %mul3A_290 : i32
          %add3A_292 = arith.constant 1 : i32
          %add3A_293 = arith.addi %mul3A_291, %add3A_292 : i32
          %add3A_294 = vector.broadcast %add3A_293 : i32 to vector<16xi32>
          %add3A_295 = arith.addi %iota3A, %add3A_294 : vector<16xi32>
          %and3A_296 = arith.constant 63 : i32
          %and3A_297 = vector.broadcast %and3A_296 : i32 to vector<16xi32>
          %and3A_298 = arith.andi %add3A_295, %and3A_297 : vector<16xi32>
          %gather3A_299 = tpu.vector_load_idx %arg9[%and3A_298] : memref<64xf32, #tpu.memory_space<vmem>>[vector<16xi32>], vector<16xf32>,
          %gather3A_300 = tpu.vector_load_idx %arg7[%add3A_195, %and3A_298] : memref<512x64xf32, #tpu.memory_space<vmem>>[vector<16xi32>, vector<16xi32>], vector<16xf32>,
          %sub3A_301 = arith.subf %gather3A_300, %gather3A_299 : vector<16xf32>
          %mul3A_302 = arith.mulf %sub3A_301, %sub3A_301 : vector<16xf32>
          %add3A_303 = arith.addf %add3A_277, %mul3A_302 : vector<16xf32>
          %gather3A_304 = tpu.vector_load_idx %arg7[%add3A_201, %and3A_298] : memref<512x64xf32, #tpu.memory_space<vmem>>[vector<16xi32>, vector<16xi32>], vector<16xf32>,
          %sub3A_305 = arith.subf %gather3A_304, %gather3A_299 : vector<16xf32>
          %mul3A_306 = arith.mulf %sub3A_305, %sub3A_305 : vector<16xf32>
          %add3A_307 = arith.addf %add3A_281, %mul3A_306 : vector<16xf32>
          %gather3A_308 = tpu.vector_load_idx %arg7[%add3A_207, %and3A_298] : memref<512x64xf32, #tpu.memory_space<vmem>>[vector<16xi32>, vector<16xi32>], vector<16xf32>,
          %sub3A_309 = arith.subf %gather3A_308, %gather3A_299 : vector<16xf32>
          %mul3A_310 = arith.mulf %sub3A_309, %sub3A_309 : vector<16xf32>
          %add3A_311 = arith.addf %add3A_285, %mul3A_310 : vector<16xf32>
          %gather3A_312 = tpu.vector_load_idx %arg7[%add3A_213, %and3A_298] : memref<512x64xf32, #tpu.memory_space<vmem>>[vector<16xi32>, vector<16xi32>], vector<16xf32>,
          %sub3A_313 = arith.subf %gather3A_312, %gather3A_299 : vector<16xf32>
          %mul3A_314 = arith.mulf %sub3A_313, %sub3A_313 : vector<16xf32>
          %add3A_315 = arith.addf %add3A_289, %mul3A_314 : vector<16xf32>
          %mul3A_316 = arith.constant 8 : i32
          %mul3A_317 = arith.muli %scan3A_260, %mul3A_316 : i32
          %add3A_318 = arith.constant 2 : i32
          %add3A_319 = arith.addi %mul3A_317, %add3A_318 : i32
          %add3A_320 = vector.broadcast %add3A_319 : i32 to vector<16xi32>
          %add3A_321 = arith.addi %iota3A, %add3A_320 : vector<16xi32>
          %and3A_322 = arith.constant 63 : i32
          %and3A_323 = vector.broadcast %and3A_322 : i32 to vector<16xi32>
          %and3A_324 = arith.andi %add3A_321, %and3A_323 : vector<16xi32>
          %gather3A_325 = tpu.vector_load_idx %arg9[%and3A_324] : memref<64xf32, #tpu.memory_space<vmem>>[vector<16xi32>], vector<16xf32>,
          %gather3A_326 = tpu.vector_load_idx %arg7[%add3A_195, %and3A_324] : memref<512x64xf32, #tpu.memory_space<vmem>>[vector<16xi32>, vector<16xi32>], vector<16xf32>,
          %sub3A_327 = arith.subf %gather3A_326, %gather3A_325 : vector<16xf32>
          %mul3A_328 = arith.mulf %sub3A_327, %sub3A_327 : vector<16xf32>
          %add3A_329 = arith.addf %add3A_303, %mul3A_328 : vector<16xf32>
          %gather3A_330 = tpu.vector_load_idx %arg7[%add3A_201, %and3A_324] : memref<512x64xf32, #tpu.memory_space<vmem>>[vector<16xi32>, vector<16xi32>], vector<16xf32>,
          %sub3A_331 = arith.subf %gather3A_330, %gather3A_325 : vector<16xf32>
          %mul3A_332 = arith.mulf %sub3A_331, %sub3A_331 : vector<16xf32>
          %add3A_333 = arith.addf %add3A_307, %mul3A_332 : vector<16xf32>
          %gather3A_334 = tpu.vector_load_idx %arg7[%add3A_207, %and3A_324] : memref<512x64xf32, #tpu.memory_space<vmem>>[vector<16xi32>, vector<16xi32>], vector<16xf32>,
          %sub3A_335 = arith.subf %gather3A_334, %gather3A_325 : vector<16xf32>
          %mul3A_336 = arith.mulf %sub3A_335, %sub3A_335 : vector<16xf32>
          %add3A_337 = arith.addf %add3A_311, %mul3A_336 : vector<16xf32>
          %gather3A_338 = tpu.vector_load_idx %arg7[%add3A_213, %and3A_324] : memref<512x64xf32, #tpu.memory_space<vmem>>[vector<16xi32>, vector<16xi32>], vector<16xf32>,
          %sub3A_339 = arith.subf %gather3A_338, %gather3A_325 : vector<16xf32>
          %mul3A_340 = arith.mulf %sub3A_339, %sub3A_339 : vector<16xf32>
          %add3A_341 = arith.addf %add3A_315, %mul3A_340 : vector<16xf32>
          %mul3A_342 = arith.constant 8 : i32
          %mul3A_343 = arith.muli %scan3A_260, %mul3A_342 : i32
          %add3A_344 = arith.constant 3 : i32
          %add3A_345 = arith.addi %mul3A_343, %add3A_344 : i32
          %add3A_346 = vector.broadcast %add3A_345 : i32 to vector<16xi32>
          %add3A_347 = arith.addi %iota3A, %add3A_346 : vector<16xi32>
          %and3A_348 = arith.constant 63 : i32
          %and3A_349 = vector.broadcast %and3A_348 : i32 to vector<16xi32>
          %and3A_350 = arith.andi %add3A_347, %and3A_349 : vector<16xi32>
          %gather3A_351 = tpu.vector_load_idx %arg9[%and3A_350] : memref<64xf32, #tpu.memory_space<vmem>>[vector<16xi32>], vector<16xf32>,
          %gather3A_352 = tpu.vector_load_idx %arg7[%add3A_195, %and3A_350] : memref<512x64xf32, #tpu.memory_space<vmem>>[vector<16xi32>, vector<16xi32>], vector<16xf32>,
          %sub3A_353 = arith.subf %gather3A_352, %gather3A_351 : vector<16xf32>
          %mul3A_354 = arith.mulf %sub3A_353, %sub3A_353 : vector<16xf32>
          %add3A_355 = arith.addf %add3A_329, %mul3A_354 : vector<16xf32>
          %gather3A_356 = tpu.vector_load_idx %arg7[%add3A_201, %and3A_350] : memref<512x64xf32, #tpu.memory_space<vmem>>[vector<16xi32>, vector<16xi32>], vector<16xf32>,
          %sub3A_357 = arith.subf %gather3A_356, %gather3A_351 : vector<16xf32>
          %mul3A_358 = arith.mulf %sub3A_357, %sub3A_357 : vector<16xf32>
          %add3A_359 = arith.addf %add3A_333, %mul3A_358 : vector<16xf32>
          %gather3A_360 = tpu.vector_load_idx %arg7[%add3A_207, %and3A_350] : memref<512x64xf32, #tpu.memory_space<vmem>>[vector<16xi32>, vector<16xi32>], vector<16xf32>,
          %sub3A_361 = arith.subf %gather3A_360, %gather3A_351 : vector<16xf32>
          %mul3A_362 = arith.mulf %sub3A_361, %sub3A_361 : vector<16xf32>
          %add3A_363 = arith.addf %add3A_337, %mul3A_362 : vector<16xf32>
          %gather3A_364 = tpu.vector_load_idx %arg7[%add3A_213, %and3A_350] : memref<512x64xf32, #tpu.memory_space<vmem>>[vector<16xi32>, vector<16xi32>], vector<16xf32>,
          %sub3A_365 = arith.subf %gather3A_364, %gather3A_351 : vector<16xf32>
          %mul3A_366 = arith.mulf %sub3A_365, %sub3A_365 : vector<16xf32>
          %add3A_367 = arith.addf %add3A_341, %mul3A_366 : vector<16xf32>
          %mul3A_368 = arith.constant 8 : i32
          %mul3A_369 = arith.muli %scan3A_260, %mul3A_368 : i32
          %add3A_370 = arith.constant 4 : i32
          %add3A_371 = arith.addi %mul3A_369, %add3A_370 : i32
          %add3A_372 = vector.broadcast %add3A_371 : i32 to vector<16xi32>
          %add3A_373 = arith.addi %iota3A, %add3A_372 : vector<16xi32>
          %and3A_374 = arith.constant 63 : i32
          %and3A_375 = vector.broadcast %and3A_374 : i32 to vector<16xi32>
          %and3A_376 = arith.andi %add3A_373, %and3A_375 : vector<16xi32>
          %gather3A_377 = tpu.vector_load_idx %arg9[%and3A_376] : memref<64xf32, #tpu.memory_space<vmem>>[vector<16xi32>], vector<16xf32>,
          %gather3A_378 = tpu.vector_load_idx %arg7[%add3A_195, %and3A_376] : memref<512x64xf32, #tpu.memory_space<vmem>>[vector<16xi32>, vector<16xi32>], vector<16xf32>,
          %sub3A_379 = arith.subf %gather3A_378, %gather3A_377 : vector<16xf32>
          %mul3A_380 = arith.mulf %sub3A_379, %sub3A_379 : vector<16xf32>
          %add3A_381 = arith.addf %add3A_355, %mul3A_380 : vector<16xf32>
          %gather3A_382 = tpu.vector_load_idx %arg7[%add3A_201, %and3A_376] : memref<512x64xf32, #tpu.memory_space<vmem>>[vector<16xi32>, vector<16xi32>], vector<16xf32>,
          %sub3A_383 = arith.subf %gather3A_382, %gather3A_377 : vector<16xf32>
          %mul3A_384 = arith.mulf %sub3A_383, %sub3A_383 : vector<16xf32>
          %add3A_385 = arith.addf %add3A_359, %mul3A_384 : vector<16xf32>
          %gather3A_386 = tpu.vector_load_idx %arg7[%add3A_207, %and3A_376] : memref<512x64xf32, #tpu.memory_space<vmem>>[vector<16xi32>, vector<16xi32>], vector<16xf32>,
          %sub3A_387 = arith.subf %gather3A_386, %gather3A_377 : vector<16xf32>
          %mul3A_388 = arith.mulf %sub3A_387, %sub3A_387 : vector<16xf32>
          %add3A_389 = arith.addf %add3A_363, %mul3A_388 : vector<16xf32>
          %gather3A_390 = tpu.vector_load_idx %arg7[%add3A_213, %and3A_376] : memref<512x64xf32, #tpu.memory_space<vmem>>[vector<16xi32>, vector<16xi32>], vector<16xf32>,
          %sub3A_391 = arith.subf %gather3A_390, %gather3A_377 : vector<16xf32>
          %mul3A_392 = arith.mulf %sub3A_391, %sub3A_391 : vector<16xf32>
          %add3A_393 = arith.addf %add3A_367, %mul3A_392 : vector<16xf32>
          %mul3A_394 = arith.constant 8 : i32
          %mul3A_395 = arith.muli %scan3A_260, %mul3A_394 : i32
          %add3A_396 = arith.constant 5 : i32
          %add3A_397 = arith.addi %mul3A_395, %add3A_396 : i32
          %add3A_398 = vector.broadcast %add3A_397 : i32 to vector<16xi32>
          %add3A_399 = arith.addi %iota3A, %add3A_398 : vector<16xi32>
          %and3A_400 = arith.constant 63 : i32
          %and3A_401 = vector.broadcast %and3A_400 : i32 to vector<16xi32>
          %and3A_402 = arith.andi %add3A_399, %and3A_401 : vector<16xi32>
          %gather3A_403 = tpu.vector_load_idx %arg9[%and3A_402] : memref<64xf32, #tpu.memory_space<vmem>>[vector<16xi32>], vector<16xf32>,
          %gather3A_404 = tpu.vector_load_idx %arg7[%add3A_195, %and3A_402] : memref<512x64xf32, #tpu.memory_space<vmem>>[vector<16xi32>, vector<16xi32>], vector<16xf32>,
          %sub3A_405 = arith.subf %gather3A_404, %gather3A_403 : vector<16xf32>
          %mul3A_406 = arith.mulf %sub3A_405, %sub3A_405 : vector<16xf32>
          %add3A_407 = arith.addf %add3A_381, %mul3A_406 : vector<16xf32>
          %gather3A_408 = tpu.vector_load_idx %arg7[%add3A_201, %and3A_402] : memref<512x64xf32, #tpu.memory_space<vmem>>[vector<16xi32>, vector<16xi32>], vector<16xf32>,
          %sub3A_409 = arith.subf %gather3A_408, %gather3A_403 : vector<16xf32>
          %mul3A_410 = arith.mulf %sub3A_409, %sub3A_409 : vector<16xf32>
          %add3A_411 = arith.addf %add3A_385, %mul3A_410 : vector<16xf32>
          %gather3A_412 = tpu.vector_load_idx %arg7[%add3A_207, %and3A_402] : memref<512x64xf32, #tpu.memory_space<vmem>>[vector<16xi32>, vector<16xi32>], vector<16xf32>,
          %sub3A_413 = arith.subf %gather3A_412, %gather3A_403 : vector<16xf32>
          %mul3A_414 = arith.mulf %sub3A_413, %sub3A_413 : vector<16xf32>
          %add3A_415 = arith.addf %add3A_389, %mul3A_414 : vector<16xf32>
          %gather3A_416 = tpu.vector_load_idx %arg7[%add3A_213, %and3A_402] : memref<512x64xf32, #tpu.memory_space<vmem>>[vector<16xi32>, vector<16xi32>], vector<16xf32>,
          %sub3A_417 = arith.subf %gather3A_416, %gather3A_403 : vector<16xf32>
          %mul3A_418 = arith.mulf %sub3A_417, %sub3A_417 : vector<16xf32>
          %add3A_419 = arith.addf %add3A_393, %mul3A_418 : vector<16xf32>
          %mul3A_420 = arith.constant 8 : i32
          %mul3A_421 = arith.muli %scan3A_260, %mul3A_420 : i32
          %add3A_422 = arith.constant 6 : i32
          %add3A_423 = arith.addi %mul3A_421, %add3A_422 : i32
          %add3A_424 = vector.broadcast %add3A_423 : i32 to vector<16xi32>
          %add3A_425 = arith.addi %iota3A, %add3A_424 : vector<16xi32>
          %and3A_426 = arith.constant 63 : i32
          %and3A_427 = vector.broadcast %and3A_426 : i32 to vector<16xi32>
          %and3A_428 = arith.andi %add3A_425, %and3A_427 : vector<16xi32>
          %gather3A_429 = tpu.vector_load_idx %arg9[%and3A_428] : memref<64xf32, #tpu.memory_space<vmem>>[vector<16xi32>], vector<16xf32>,
          %gather3A_430 = tpu.vector_load_idx %arg7[%add3A_195, %and3A_428] : memref<512x64xf32, #tpu.memory_space<vmem>>[vector<16xi32>, vector<16xi32>], vector<16xf32>,
          %sub3A_431 = arith.subf %gather3A_430, %gather3A_429 : vector<16xf32>
          %mul3A_432 = arith.mulf %sub3A_431, %sub3A_431 : vector<16xf32>
          %add3A_433 = arith.addf %add3A_407, %mul3A_432 : vector<16xf32>
          %gather3A_434 = tpu.vector_load_idx %arg7[%add3A_201, %and3A_428] : memref<512x64xf32, #tpu.memory_space<vmem>>[vector<16xi32>, vector<16xi32>], vector<16xf32>,
          %sub3A_435 = arith.subf %gather3A_434, %gather3A_429 : vector<16xf32>
          %mul3A_436 = arith.mulf %sub3A_435, %sub3A_435 : vector<16xf32>
          %add3A_437 = arith.addf %add3A_411, %mul3A_436 : vector<16xf32>
          %gather3A_438 = tpu.vector_load_idx %arg7[%add3A_207, %and3A_428] : memref<512x64xf32, #tpu.memory_space<vmem>>[vector<16xi32>, vector<16xi32>], vector<16xf32>,
          %sub3A_439 = arith.subf %gather3A_438, %gather3A_429 : vector<16xf32>
          %mul3A_440 = arith.mulf %sub3A_439, %sub3A_439 : vector<16xf32>
          %add3A_441 = arith.addf %add3A_415, %mul3A_440 : vector<16xf32>
          %gather3A_442 = tpu.vector_load_idx %arg7[%add3A_213, %and3A_428] : memref<512x64xf32, #tpu.memory_space<vmem>>[vector<16xi32>, vector<16xi32>], vector<16xf32>,
          %sub3A_443 = arith.subf %gather3A_442, %gather3A_429 : vector<16xf32>
          %mul3A_444 = arith.mulf %sub3A_443, %sub3A_443 : vector<16xf32>
          %add3A_445 = arith.addf %add3A_419, %mul3A_444 : vector<16xf32>
          %mul3A_446 = arith.constant 8 : i32
          %mul3A_447 = arith.muli %scan3A_260, %mul3A_446 : i32
          %add3A_448 = arith.constant 7 : i32
          %add3A_449 = arith.addi %mul3A_447, %add3A_448 : i32
          %add3A_450 = vector.broadcast %add3A_449 : i32 to vector<16xi32>
          %add3A_451 = arith.addi %iota3A, %add3A_450 : vector<16xi32>
          %and3A_452 = arith.constant 63 : i32
          %and3A_453 = vector.broadcast %and3A_452 : i32 to vector<16xi32>
          %and3A_454 = arith.andi %add3A_451, %and3A_453 : vector<16xi32>
          %gather3A_455 = tpu.vector_load_idx %arg9[%and3A_454] : memref<64xf32, #tpu.memory_space<vmem>>[vector<16xi32>], vector<16xf32>,
          %gather3A_456 = tpu.vector_load_idx %arg7[%add3A_195, %and3A_454] : memref<512x64xf32, #tpu.memory_space<vmem>>[vector<16xi32>, vector<16xi32>], vector<16xf32>,
          %sub3A_457 = arith.subf %gather3A_456, %gather3A_455 : vector<16xf32>
          %mul3A_458 = arith.mulf %sub3A_457, %sub3A_457 : vector<16xf32>
          %add3A_459 = arith.addf %add3A_433, %mul3A_458 : vector<16xf32>
          %gather3A_460 = tpu.vector_load_idx %arg7[%add3A_201, %and3A_454] : memref<512x64xf32, #tpu.memory_space<vmem>>[vector<16xi32>, vector<16xi32>], vector<16xf32>,
          %sub3A_461 = arith.subf %gather3A_460, %gather3A_455 : vector<16xf32>
          %mul3A_462 = arith.mulf %sub3A_461, %sub3A_461 : vector<16xf32>
          %add3A_463 = arith.addf %add3A_437, %mul3A_462 : vector<16xf32>
          %gather3A_464 = tpu.vector_load_idx %arg7[%add3A_207, %and3A_454] : memref<512x64xf32, #tpu.memory_space<vmem>>[vector<16xi32>, vector<16xi32>], vector<16xf32>,
          %sub3A_465 = arith.subf %gather3A_464, %gather3A_455 : vector<16xf32>
          %mul3A_466 = arith.mulf %sub3A_465, %sub3A_465 : vector<16xf32>
          %add3A_467 = arith.addf %add3A_441, %mul3A_466 : vector<16xf32>
          %gather3A_468 = tpu.vector_load_idx %arg7[%add3A_213, %and3A_454] : memref<512x64xf32, #tpu.memory_space<vmem>>[vector<16xi32>, vector<16xi32>], vector<16xf32>,
          %sub3A_469 = arith.subf %gather3A_468, %gather3A_455 : vector<16xf32>
          %mul3A_470 = arith.mulf %sub3A_469, %sub3A_469 : vector<16xf32>
          %add3A_471 = arith.addf %add3A_445, %mul3A_470 : vector<16xf32>
          scf.yield %add3A_459, %add3A_463, %add3A_467, %add3A_471 : vector<16xf32>, vector<16xf32>, vector<16xf32>, vector<16xf32>
        }
        %scan3A_219 = arith.constant 8 : i32
        %add3A_220 = vector.broadcast %add3A_161 : i32 to vector<16xi32>
        %add3A_221 = arith.addi %add3A_195, %add3A_220 : vector<16xi32>
        %lt3A_222 = arith.cmpf olt, %scan3A_218#0, %scan3A_174 : vector<16xf32>
        %lt3A_223 = arith.cmpf olt, %scan3A_218#0, %scan3A_176 : vector<16xf32>
        %select_n3A_224 = arith.select %lt3A_223, %scan3A_218#0, %scan3A_176 : vector<16xi1>, vector<16xf32>
        %select_n3A_225 = arith.select %lt3A_222, %scan3A_174, %select_n3A_224 : vector<16xi1>, vector<16xf32>
        %select_n3A_226 = arith.select %lt3A_223, %add3A_221, %scan3A_177 : vector<16xi1>, vector<16xi32>
        %select_n3A_227 = arith.select %lt3A_222, %scan3A_175, %select_n3A_226 : vector<16xi1>, vector<16xi32>
        %select_n3A_228 = arith.select %lt3A_222, %scan3A_218#0, %scan3A_174 : vector<16xi1>, vector<16xf32>
        %select_n3A_229 = arith.select %lt3A_222, %add3A_221, %scan3A_175 : vector<16xi1>, vector<16xi32>
        %add3A_230 = vector.broadcast %add3A_161 : i32 to vector<16xi32>
        %add3A_231 = arith.addi %add3A_201, %add3A_230 : vector<16xi32>
        %lt3A_232 = arith.cmpf olt, %scan3A_218#1, %scan3A_178 : vector<16xf32>
        %lt3A_233 = arith.cmpf olt, %scan3A_218#1, %scan3A_180 : vector<16xf32>
        %select_n3A_234 = arith.select %lt3A_233, %scan3A_218#1, %scan3A_180 : vector<16xi1>, vector<16xf32>
        %select_n3A_235 = arith.select %lt3A_232, %scan3A_178, %select_n3A_234 : vector<16xi1>, vector<16xf32>
        %select_n3A_236 = arith.select %lt3A_233, %add3A_231, %scan3A_181 : vector<16xi1>, vector<16xi32>
        %select_n3A_237 = arith.select %lt3A_232, %scan3A_179, %select_n3A_236 : vector<16xi1>, vector<16xi32>
        %select_n3A_238 = arith.select %lt3A_232, %scan3A_218#1, %scan3A_178 : vector<16xi1>, vector<16xf32>
        %select_n3A_239 = arith.select %lt3A_232, %add3A_231, %scan3A_179 : vector<16xi1>, vector<16xi32>
        %add3A_240 = vector.broadcast %add3A_161 : i32 to vector<16xi32>
        %add3A_241 = arith.addi %add3A_207, %add3A_240 : vector<16xi32>
        %lt3A_242 = arith.cmpf olt, %scan3A_218#2, %scan3A_182 : vector<16xf32>
        %lt3A_243 = arith.cmpf olt, %scan3A_218#2, %scan3A_184 : vector<16xf32>
        %select_n3A_244 = arith.select %lt3A_243, %scan3A_218#2, %scan3A_184 : vector<16xi1>, vector<16xf32>
        %select_n3A_245 = arith.select %lt3A_242, %scan3A_182, %select_n3A_244 : vector<16xi1>, vector<16xf32>
        %select_n3A_246 = arith.select %lt3A_243, %add3A_241, %scan3A_185 : vector<16xi1>, vector<16xi32>
        %select_n3A_247 = arith.select %lt3A_242, %scan3A_183, %select_n3A_246 : vector<16xi1>, vector<16xi32>
        %select_n3A_248 = arith.select %lt3A_242, %scan3A_218#2, %scan3A_182 : vector<16xi1>, vector<16xf32>
        %select_n3A_249 = arith.select %lt3A_242, %add3A_241, %scan3A_183 : vector<16xi1>, vector<16xi32>
        %add3A_250 = vector.broadcast %add3A_161 : i32 to vector<16xi32>
        %add3A_251 = arith.addi %add3A_213, %add3A_250 : vector<16xi32>
        %lt3A_252 = arith.cmpf olt, %scan3A_218#3, %scan3A_186 : vector<16xf32>
        %lt3A_253 = arith.cmpf olt, %scan3A_218#3, %scan3A_188 : vector<16xf32>
        %select_n3A_254 = arith.select %lt3A_253, %scan3A_218#3, %scan3A_188 : vector<16xi1>, vector<16xf32>
        %select_n3A_255 = arith.select %lt3A_252, %scan3A_186, %select_n3A_254 : vector<16xi1>, vector<16xf32>
        %select_n3A_256 = arith.select %lt3A_253, %add3A_251, %scan3A_189 : vector<16xi1>, vector<16xi32>
        %select_n3A_257 = arith.select %lt3A_252, %scan3A_187, %select_n3A_256 : vector<16xi1>, vector<16xi32>
        %select_n3A_258 = arith.select %lt3A_252, %scan3A_218#3, %scan3A_186 : vector<16xi1>, vector<16xf32>
        %select_n3A_259 = arith.select %lt3A_252, %add3A_251, %scan3A_187 : vector<16xi1>, vector<16xi32>
        scf.yield %select_n3A_228, %select_n3A_229, %select_n3A_225, %select_n3A_227, %select_n3A_238, %select_n3A_239, %select_n3A_235, %select_n3A_237, %select_n3A_248, %select_n3A_249, %select_n3A_245, %select_n3A_247, %select_n3A_258, %select_n3A_259, %select_n3A_255, %select_n3A_257 : vector<16xf32>, vector<16xi32>, vector<16xf32>, vector<16xi32>, vector<16xf32>, vector<16xi32>, vector<16xf32>, vector<16xi32>, vector<16xf32>, vector<16xi32>, vector<16xf32>, vector<16xi32>, vector<16xf32>, vector<16xi32>, vector<16xf32>, vector<16xi32>
      }
      %scan3A_167 = arith.constant 8 : i32
      %lt3A_168 = arith.constant 11 : i32
      %lt3A_169 = arith.cmpi slt, %scan3A_110, %lt3A_168 : i32
      %convert_element_type3A_170 = arith.extui %lt3A_169 : i1 to i32
      %cond3A_171 = arith.constant 0 : i32
      %cond3A_172 = arith.cmpi ne, %convert_element_type3A_170, %cond3A_171 : i32
      scf.if %cond3A_172 {
        %add3A_173 = arith.constant 3 : i32
        %add3A_174 = arith.addi %mul3A_128, %add3A_173 : i32
        %mul3A_175 = arith.constant 512 : i32
        %mul3A_176 = arith.muli %add3A_174, %mul3A_175 : i32
        %add3A_177 = arith.addi %mul3A_32, %mul3A_176 : i32
        %dma_start3A_178 = arith.constant 0 : i32
        %dma_start3A_179 = tpu.memref_slice %arg2[%select_n3A, %add3A_177, %dma_start3A_178] : memref<4x100000x128xf32, #tpu.memory_space<hbm>> -> memref<1x512x64xf32, #tpu.memory_space<hbm>>
        %dma_start3A_180 = tpu.memref_squeeze %dma_start3A_179 : memref<1x512x64xf32, #tpu.memory_space<hbm>> -> memref<512x64xf32, #tpu.memory_space<hbm>>
        %dma_start3A_181 = arith.constant 0 : i32
        %dma_start3A_182 = tpu.memref_slice %arg2[%select_n3A, %add3A_177, %dma_start3A_181] : memref<4x100000x128xf32, #tpu.memory_space<hbm>> -> memref<1x512x64xf32, #tpu.memory_space<hbm>>
        %dma_start3A_183 = tpu.memref_squeeze %dma_start3A_182 : memref<1x512x64xf32, #tpu.memory_space<hbm>> -> memref<512x64xf32, #tpu.memory_space<hbm>>
        tpu.enqueue_dma source(%dma_start3A_183 : memref<512x64xf32, #tpu.memory_space<hbm>>) target(%arg7 : memref<512x64xf32, #tpu.memory_space<vmem>>) target_semaphore(%arg13 : memref<!tpu.dma_semaphore, #tpu.memory_space<semaphore_mem>>)
      } else {
      }
      scf.yield %scan3A_166#0, %scan3A_166#1, %scan3A_166#2, %scan3A_166#3, %scan3A_166#4, %scan3A_166#5, %scan3A_166#6, %scan3A_166#7, %scan3A_166#8, %scan3A_166#9, %scan3A_166#10, %scan3A_166#11, %scan3A_166#12, %scan3A_166#13, %scan3A_166#14, %scan3A_166#15 : vector<16xf32>, vector<16xi32>, vector<16xf32>, vector<16xi32>, vector<16xf32>, vector<16xi32>, vector<16xf32>, vector<16xi32>, vector<16xf32>, vector<16xi32>, vector<16xf32>, vector<16xi32>, vector<16xf32>, vector<16xi32>, vector<16xf32>, vector<16xi32>
    }
    %scan3A_64 = arith.constant 12 : i32
    %dma_wait3A = arith.constant 0 : i32
    %dma_wait3A_65 = arith.constant 0 : i32
    %dma_wait3A_66 = arith.constant 0 : i32
    %dma_wait3A_67 = tpu.memref_slice %arg2[%dma_wait3A, %dma_wait3A_65, %dma_wait3A_66] : memref<4x100000x128xf32, #tpu.memory_space<hbm>> -> memref<1x212x64xf32, #tpu.memory_space<hbm>>
    %dma_wait3A_68 = tpu.memref_squeeze %dma_wait3A_67 : memref<1x212x64xf32, #tpu.memory_space<hbm>> -> memref<212x64xf32, #tpu.memory_space<hbm>>
    %dma_wait3A_69 = arith.constant 0 : i32
    %dma_wait3A_70 = arith.constant 0 : i32
    %dma_wait3A_71 = tpu.memref_slice %arg2[%dma_wait3A, %dma_wait3A_69, %dma_wait3A_70] : memref<4x100000x128xf32, #tpu.memory_space<hbm>> -> memref<1x212x64xf32, #tpu.memory_space<hbm>>
    %dma_wait3A_72 = tpu.memref_squeeze %dma_wait3A_71 : memref<1x212x64xf32, #tpu.memory_space<hbm>> -> memref<212x64xf32, #tpu.memory_space<hbm>>
    tpu.wait_dma2 semaphore(%arg14 : memref<!tpu.dma_semaphore, #tpu.memory_space<semaphore_mem>>) src(%dma_wait3A_72 : memref<212x64xf32, #tpu.memory_space<hbm>>) dst(%arg8 : memref<212x64xf32, #tpu.memory_space<vmem>>)
    %scan3A_73 = arith.constant 0 : i32
    %scan3A_74 = arith.constant 14 : i32
    %scan3A_75 = arith.addi %scan3A_73, %scan3A_74 : i32
    %scan3A_76 = arith.constant 1 : i32
    %scan3A_77:4 = scf.for %scan3A_110 = %scan3A_73 to %scan3A_75 step %scan3A_76 iter_args(%scan3A_111 = %scan3A_63#0, %scan3A_112 = %scan3A_63#1, %scan3A_113 = %scan3A_63#2, %scan3A_114 = %scan3A_63#3) -> (vector<16xf32>, vector<16xi32>, vector<16xf32>, vector<16xi32>)  : i32 {
      %mul3A_115 = arith.constant 16 : i32
      %mul3A_116 = arith.muli %scan3A_110, %mul3A_115 : i32
      %add3A_117 = vector.broadcast %mul3A_116 : i32 to vector<16xi32>
      %add3A_118 = arith.addi %iota3A, %add3A_117 : vector<16xi32>
      %min3A = arith.constant 211 : i32
      %min3A_119 = vector.broadcast %min3A : i32 to vector<16xi32>
      %min3A_120 = arith.minsi %add3A_118, %min3A_119 : vector<16xi32>
      %scan3A_121 = arith.constant 0 : i32
      %scan3A_122 = arith.constant 8 : i32
      %scan3A_123 = arith.addi %scan3A_121, %scan3A_122 : i32
      %scan3A_124 = arith.constant 1 : i32
      %scan3A_125 = scf.for %scan3A_151 = %scan3A_121 to %scan3A_123 step %scan3A_124 iter_args(%scan3A_152 = %broadcast_in_dim3A_58) -> (vector<16xf32>)  : i32 {
        %mul3A_153 = arith.constant 8 : i32
        %mul3A_154 = arith.muli %scan3A_151, %mul3A_153 : i32
        %add3A_155 = arith.constant 0 : i32
        %add3A_156 = arith.addi %mul3A_154, %add3A_155 : i32
        %add3A_157 = vector.broadcast %add3A_156 : i32 to vector<16xi32>
        %add3A_158 = arith.addi %iota3A, %add3A_157 : vector<16xi32>
        %and3A_159 = arith.constant 63 : i32
        %and3A_160 = vector.broadcast %and3A_159 : i32 to vector<16xi32>
        %and3A_161 = arith.andi %add3A_158, %and3A_160 : vector<16xi32>
        %gather3A = tpu.vector_load_idx %arg9[%and3A_161] : memref<64xf32, #tpu.memory_space<vmem>>[vector<16xi32>], vector<16xf32>,
        %gather3A_162 = tpu.vector_load_idx %arg8[%min3A_120, %and3A_161] : memref<212x64xf32, #tpu.memory_space<vmem>>[vector<16xi32>, vector<16xi32>], vector<16xf32>,
        %sub3A_163 = arith.subf %gather3A_162, %gather3A : vector<16xf32>
        %mul3A_164 = arith.mulf %sub3A_163, %sub3A_163 : vector<16xf32>
        %add3A_165 = arith.addf %scan3A_152, %mul3A_164 : vector<16xf32>
        %mul3A_166 = arith.constant 8 : i32
        %mul3A_167 = arith.muli %scan3A_151, %mul3A_166 : i32
        %add3A_168 = arith.constant 1 : i32
        %add3A_169 = arith.addi %mul3A_167, %add3A_168 : i32
        %add3A_170 = vector.broadcast %add3A_169 : i32 to vector<16xi32>
        %add3A_171 = arith.addi %iota3A, %add3A_170 : vector<16xi32>
        %and3A_172 = arith.constant 63 : i32
        %and3A_173 = vector.broadcast %and3A_172 : i32 to vector<16xi32>
        %and3A_174 = arith.andi %add3A_171, %and3A_173 : vector<16xi32>
        %gather3A_175 = tpu.vector_load_idx %arg9[%and3A_174] : memref<64xf32, #tpu.memory_space<vmem>>[vector<16xi32>], vector<16xf32>,
        %gather3A_176 = tpu.vector_load_idx %arg8[%min3A_120, %and3A_174] : memref<212x64xf32, #tpu.memory_space<vmem>>[vector<16xi32>, vector<16xi32>], vector<16xf32>,
        %sub3A_177 = arith.subf %gather3A_176, %gather3A_175 : vector<16xf32>
        %mul3A_178 = arith.mulf %sub3A_177, %sub3A_177 : vector<16xf32>
        %add3A_179 = arith.addf %add3A_165, %mul3A_178 : vector<16xf32>
        %mul3A_180 = arith.constant 8 : i32
        %mul3A_181 = arith.muli %scan3A_151, %mul3A_180 : i32
        %add3A_182 = arith.constant 2 : i32
        %add3A_183 = arith.addi %mul3A_181, %add3A_182 : i32
        %add3A_184 = vector.broadcast %add3A_183 : i32 to vector<16xi32>
        %add3A_185 = arith.addi %iota3A, %add3A_184 : vector<16xi32>
        %and3A_186 = arith.constant 63 : i32
        %and3A_187 = vector.broadcast %and3A_186 : i32 to vector<16xi32>
        %and3A_188 = arith.andi %add3A_185, %and3A_187 : vector<16xi32>
        %gather3A_189 = tpu.vector_load_idx %arg9[%and3A_188] : memref<64xf32, #tpu.memory_space<vmem>>[vector<16xi32>], vector<16xf32>,
        %gather3A_190 = tpu.vector_load_idx %arg8[%min3A_120, %and3A_188] : memref<212x64xf32, #tpu.memory_space<vmem>>[vector<16xi32>, vector<16xi32>], vector<16xf32>,
        %sub3A_191 = arith.subf %gather3A_190, %gather3A_189 : vector<16xf32>
        %mul3A_192 = arith.mulf %sub3A_191, %sub3A_191 : vector<16xf32>
        %add3A_193 = arith.addf %add3A_179, %mul3A_192 : vector<16xf32>
        %mul3A_194 = arith.constant 8 : i32
        %mul3A_195 = arith.muli %scan3A_151, %mul3A_194 : i32
        %add3A_196 = arith.constant 3 : i32
        %add3A_197 = arith.addi %mul3A_195, %add3A_196 : i32
        %add3A_198 = vector.broadcast %add3A_197 : i32 to vector<16xi32>
        %add3A_199 = arith.addi %iota3A, %add3A_198 : vector<16xi32>
        %and3A_200 = arith.constant 63 : i32
        %and3A_201 = vector.broadcast %and3A_200 : i32 to vector<16xi32>
        %and3A_202 = arith.andi %add3A_199, %and3A_201 : vector<16xi32>
        %gather3A_203 = tpu.vector_load_idx %arg9[%and3A_202] : memref<64xf32, #tpu.memory_space<vmem>>[vector<16xi32>], vector<16xf32>,
        %gather3A_204 = tpu.vector_load_idx %arg8[%min3A_120, %and3A_202] : memref<212x64xf32, #tpu.memory_space<vmem>>[vector<16xi32>, vector<16xi32>], vector<16xf32>,
        %sub3A_205 = arith.subf %gather3A_204, %gather3A_203 : vector<16xf32>
        %mul3A_206 = arith.mulf %sub3A_205, %sub3A_205 : vector<16xf32>
        %add3A_207 = arith.addf %add3A_193, %mul3A_206 : vector<16xf32>
        %mul3A_208 = arith.constant 8 : i32
        %mul3A_209 = arith.muli %scan3A_151, %mul3A_208 : i32
        %add3A_210 = arith.constant 4 : i32
        %add3A_211 = arith.addi %mul3A_209, %add3A_210 : i32
        %add3A_212 = vector.broadcast %add3A_211 : i32 to vector<16xi32>
        %add3A_213 = arith.addi %iota3A, %add3A_212 : vector<16xi32>
        %and3A_214 = arith.constant 63 : i32
        %and3A_215 = vector.broadcast %and3A_214 : i32 to vector<16xi32>
        %and3A_216 = arith.andi %add3A_213, %and3A_215 : vector<16xi32>
        %gather3A_217 = tpu.vector_load_idx %arg9[%and3A_216] : memref<64xf32, #tpu.memory_space<vmem>>[vector<16xi32>], vector<16xf32>,
        %gather3A_218 = tpu.vector_load_idx %arg8[%min3A_120, %and3A_216] : memref<212x64xf32, #tpu.memory_space<vmem>>[vector<16xi32>, vector<16xi32>], vector<16xf32>,
        %sub3A_219 = arith.subf %gather3A_218, %gather3A_217 : vector<16xf32>
        %mul3A_220 = arith.mulf %sub3A_219, %sub3A_219 : vector<16xf32>
        %add3A_221 = arith.addf %add3A_207, %mul3A_220 : vector<16xf32>
        %mul3A_222 = arith.constant 8 : i32
        %mul3A_223 = arith.muli %scan3A_151, %mul3A_222 : i32
        %add3A_224 = arith.constant 5 : i32
        %add3A_225 = arith.addi %mul3A_223, %add3A_224 : i32
        %add3A_226 = vector.broadcast %add3A_225 : i32 to vector<16xi32>
        %add3A_227 = arith.addi %iota3A, %add3A_226 : vector<16xi32>
        %and3A_228 = arith.constant 63 : i32
        %and3A_229 = vector.broadcast %and3A_228 : i32 to vector<16xi32>
        %and3A_230 = arith.andi %add3A_227, %and3A_229 : vector<16xi32>
        %gather3A_231 = tpu.vector_load_idx %arg9[%and3A_230] : memref<64xf32, #tpu.memory_space<vmem>>[vector<16xi32>], vector<16xf32>,
        %gather3A_232 = tpu.vector_load_idx %arg8[%min3A_120, %and3A_230] : memref<212x64xf32, #tpu.memory_space<vmem>>[vector<16xi32>, vector<16xi32>], vector<16xf32>,
        %sub3A_233 = arith.subf %gather3A_232, %gather3A_231 : vector<16xf32>
        %mul3A_234 = arith.mulf %sub3A_233, %sub3A_233 : vector<16xf32>
        %add3A_235 = arith.addf %add3A_221, %mul3A_234 : vector<16xf32>
        %mul3A_236 = arith.constant 8 : i32
        %mul3A_237 = arith.muli %scan3A_151, %mul3A_236 : i32
        %add3A_238 = arith.constant 6 : i32
        %add3A_239 = arith.addi %mul3A_237, %add3A_238 : i32
        %add3A_240 = vector.broadcast %add3A_239 : i32 to vector<16xi32>
        %add3A_241 = arith.addi %iota3A, %add3A_240 : vector<16xi32>
        %and3A_242 = arith.constant 63 : i32
        %and3A_243 = vector.broadcast %and3A_242 : i32 to vector<16xi32>
        %and3A_244 = arith.andi %add3A_241, %and3A_243 : vector<16xi32>
        %gather3A_245 = tpu.vector_load_idx %arg9[%and3A_244] : memref<64xf32, #tpu.memory_space<vmem>>[vector<16xi32>], vector<16xf32>,
        %gather3A_246 = tpu.vector_load_idx %arg8[%min3A_120, %and3A_244] : memref<212x64xf32, #tpu.memory_space<vmem>>[vector<16xi32>, vector<16xi32>], vector<16xf32>,
        %sub3A_247 = arith.subf %gather3A_246, %gather3A_245 : vector<16xf32>
        %mul3A_248 = arith.mulf %sub3A_247, %sub3A_247 : vector<16xf32>
        %add3A_249 = arith.addf %add3A_235, %mul3A_248 : vector<16xf32>
        %mul3A_250 = arith.constant 8 : i32
        %mul3A_251 = arith.muli %scan3A_151, %mul3A_250 : i32
        %add3A_252 = arith.constant 7 : i32
        %add3A_253 = arith.addi %mul3A_251, %add3A_252 : i32
        %add3A_254 = vector.broadcast %add3A_253 : i32 to vector<16xi32>
        %add3A_255 = arith.addi %iota3A, %add3A_254 : vector<16xi32>
        %and3A_256 = arith.constant 63 : i32
        %and3A_257 = vector.broadcast %and3A_256 : i32 to vector<16xi32>
        %and3A_258 = arith.andi %add3A_255, %and3A_257 : vector<16xi32>
        %gather3A_259 = tpu.vector_load_idx %arg9[%and3A_258] : memref<64xf32, #tpu.memory_space<vmem>>[vector<16xi32>], vector<16xf32>,
        %gather3A_260 = tpu.vector_load_idx %arg8[%min3A_120, %and3A_258] : memref<212x64xf32, #tpu.memory_space<vmem>>[vector<16xi32>, vector<16xi32>], vector<16xf32>,
        %sub3A_261 = arith.subf %gather3A_260, %gather3A_259 : vector<16xf32>
        %mul3A_262 = arith.mulf %sub3A_261, %sub3A_261 : vector<16xf32>
        %add3A_263 = arith.addf %add3A_249, %mul3A_262 : vector<16xf32>
        scf.yield %add3A_263 : vector<16xf32>
      }
      %scan3A_126 = arith.constant 8 : i32
      %mul3A_127 = arith.constant 16 : i32
      %mul3A_128 = arith.muli %scan3A_110, %mul3A_127 : i32
      %sub3A_129 = arith.constant 212 : i32
      %sub3A_130 = arith.subi %sub3A_129, %mul3A_128 : i32
      %lt3A_131 = vector.broadcast %sub3A_130 : i32 to vector<16xi32>
      %lt3A_132 = arith.cmpi slt, %iota3A, %lt3A_131 : vector<16xi32>
      %jit3A_133 = arith.constant 0x7F800000 : f32
      %broadcast_in_dim3A_134 = vector.broadcast %jit3A_133 : f32 to vector<16xf32>
      %select_n3A_135 = arith.select %lt3A_132, %scan3A_125, %broadcast_in_dim3A_134 : vector<16xi1>, vector<16xf32>
      %add3A_136 = arith.constant 12288 : i32
      %add3A_137 = arith.addi %mul3A_32, %add3A_136 : i32
      %mul3A_138 = arith.constant 16 : i32
      %mul3A_139 = arith.muli %scan3A_110, %mul3A_138 : i32
      %add3A_140 = arith.addi %add3A_137, %mul3A_139 : i32
      %add3A_141 = vector.broadcast %add3A_140 : i32 to vector<16xi32>
      %add3A_142 = arith.addi %add3A_141, %iota3A : vector<16xi32>
      %lt3A_143 = arith.cmpf olt, %select_n3A_135, %scan3A_111 : vector<16xf32>
      %lt3A_144 = arith.cmpf olt, %select_n3A_135, %scan3A_113 : vector<16xf32>
      %select_n3A_145 = arith.select %lt3A_144, %select_n3A_135, %scan3A_113 : vector<16xi1>, vector<16xf32>
      %select_n3A_146 = arith.select %lt3A_143, %scan3A_111, %select_n3A_145 : vector<16xi1>, vector<16xf32>
      %select_n3A_147 = arith.select %lt3A_144, %add3A_142, %scan3A_114 : vector<16xi1>, vector<16xi32>
      %select_n3A_148 = arith.select %lt3A_143, %scan3A_112, %select_n3A_147 : vector<16xi1>, vector<16xi32>
      %select_n3A_149 = arith.select %lt3A_143, %select_n3A_135, %scan3A_111 : vector<16xi1>, vector<16xf32>
      %select_n3A_150 = arith.select %lt3A_143, %add3A_142, %scan3A_112 : vector<16xi1>, vector<16xi32>
      scf.yield %select_n3A_149, %select_n3A_150, %select_n3A_146, %select_n3A_148 : vector<16xf32>, vector<16xi32>, vector<16xf32>, vector<16xi32>
    }
    %scan3A_78 = arith.constant 14 : i32
    %swap3A = arith.constant 0 : index
    %swap3A_79 = tpu.vector_load %arg10[%swap3A] {strides = array<i32>} : memref<128xf32, #tpu.memory_space<vmem>>, vector<16xf32>,
    tpu.vector_store %arg10[%swap3A], %scan3A_77#0 {strides = array<i32>} : memref<128xf32, #tpu.memory_space<vmem>>, vector<16xf32>,
    %swap3A_80 = arith.constant 64 : index
    %swap3A_81 = tpu.vector_load %arg10[%swap3A_80] {strides = array<i32>} : memref<128xf32, #tpu.memory_space<vmem>>, vector<16xf32>,
    tpu.vector_store %arg10[%swap3A_80], %scan3A_77#2 {strides = array<i32>} : memref<128xf32, #tpu.memory_space<vmem>>, vector<16xf32>,
    %swap3A_82 = arith.constant 0 : index
    %swap3A_83 = tpu.vector_load %arg11[%swap3A_82] {strides = array<i32>} : memref<128xi32, #tpu.memory_space<vmem>>, vector<16xi32>,
    tpu.vector_store %arg11[%swap3A_82], %scan3A_77#1 {strides = array<i32>} : memref<128xi32, #tpu.memory_space<vmem>>, vector<16xi32>,
    %swap3A_84 = arith.constant 64 : index
    %swap3A_85 = tpu.vector_load %arg11[%swap3A_84] {strides = array<i32>} : memref<128xi32, #tpu.memory_space<vmem>>, vector<16xi32>,
    tpu.vector_store %arg11[%swap3A_84], %scan3A_77#3 {strides = array<i32>} : memref<128xi32, #tpu.memory_space<vmem>>, vector<16xi32>,
    %swap3A_86 = arith.constant 16 : index
    %swap3A_87 = tpu.vector_load %arg10[%swap3A_86] {strides = array<i32>} : memref<128xf32, #tpu.memory_space<vmem>>, vector<16xf32>,
    tpu.vector_store %arg10[%swap3A_86], %scan3A_63#4 {strides = array<i32>} : memref<128xf32, #tpu.memory_space<vmem>>, vector<16xf32>,
    %swap3A_88 = arith.constant 80 : index
    %swap3A_89 = tpu.vector_load %arg10[%swap3A_88] {strides = array<i32>} : memref<128xf32, #tpu.memory_space<vmem>>, vector<16xf32>,
    tpu.vector_store %arg10[%swap3A_88], %scan3A_63#6 {strides = array<i32>} : memref<128xf32, #tpu.memory_space<vmem>>, vector<16xf32>,
    %swap3A_90 = arith.constant 16 : index
    %swap3A_91 = tpu.vector_load %arg11[%swap3A_90] {strides = array<i32>} : memref<128xi32, #tpu.memory_space<vmem>>, vector<16xi32>,
    tpu.vector_store %arg11[%swap3A_90], %scan3A_63#5 {strides = array<i32>} : memref<128xi32, #tpu.memory_space<vmem>>, vector<16xi32>,
    %swap3A_92 = arith.constant 80 : index
    %swap3A_93 = tpu.vector_load %arg11[%swap3A_92] {strides = array<i32>} : memref<128xi32, #tpu.memory_space<vmem>>, vector<16xi32>,
    tpu.vector_store %arg11[%swap3A_92], %scan3A_63#7 {strides = array<i32>} : memref<128xi32, #tpu.memory_space<vmem>>, vector<16xi32>,
    %swap3A_94 = arith.constant 32 : index
    %swap3A_95 = tpu.vector_load %arg10[%swap3A_94] {strides = array<i32>} : memref<128xf32, #tpu.memory_space<vmem>>, vector<16xf32>,
    tpu.vector_store %arg10[%swap3A_94], %scan3A_63#8 {strides = array<i32>} : memref<128xf32, #tpu.memory_space<vmem>>, vector<16xf32>,
    %swap3A_96 = arith.constant 96 : index
    %swap3A_97 = tpu.vector_load %arg10[%swap3A_96] {strides = array<i32>} : memref<128xf32, #tpu.memory_space<vmem>>, vector<16xf32>,
    tpu.vector_store %arg10[%swap3A_96], %scan3A_63#10 {strides = array<i32>} : memref<128xf32, #tpu.memory_space<vmem>>, vector<16xf32>,
    %swap3A_98 = arith.constant 32 : index
    %swap3A_99 = tpu.vector_load %arg11[%swap3A_98] {strides = array<i32>} : memref<128xi32, #tpu.memory_space<vmem>>, vector<16xi32>,
    tpu.vector_store %arg11[%swap3A_98], %scan3A_63#9 {strides = array<i32>} : memref<128xi32, #tpu.memory_space<vmem>>, vector<16xi32>,
    %swap3A_100 = arith.constant 96 : index
    %swap3A_101 = tpu.vector_load %arg11[%swap3A_100] {strides = array<i32>} : memref<128xi32, #tpu.memory_space<vmem>>, vector<16xi32>,
    tpu.vector_store %arg11[%swap3A_100], %scan3A_63#11 {strides = array<i32>} : memref<128xi32, #tpu.memory_space<vmem>>, vector<16xi32>,
    %swap3A_102 = arith.constant 48 : index
    %swap3A_103 = tpu.vector_load %arg10[%swap3A_102] {strides = array<i32>} : memref<128xf32, #tpu.memory_space<vmem>>, vector<16xf32>,
    tpu.vector_store %arg10[%swap3A_102], %scan3A_63#12 {strides = array<i32>} : memref<128xf32, #tpu.memory_space<vmem>>, vector<16xf32>,
    %swap3A_104 = arith.constant 112 : index
    %swap3A_105 = tpu.vector_load %arg10[%swap3A_104] {strides = array<i32>} : memref<128xf32, #tpu.memory_space<vmem>>, vector<16xf32>,
    tpu.vector_store %arg10[%swap3A_104], %scan3A_63#14 {strides = array<i32>} : memref<128xf32, #tpu.memory_space<vmem>>, vector<16xf32>,
    %swap3A_106 = arith.constant 48 : index
    %swap3A_107 = tpu.vector_load %arg11[%swap3A_106] {strides = array<i32>} : memref<128xi32, #tpu.memory_space<vmem>>, vector<16xi32>,
    tpu.vector_store %arg11[%swap3A_106], %scan3A_63#13 {strides = array<i32>} : memref<128xi32, #tpu.memory_space<vmem>>, vector<16xi32>,
    %swap3A_108 = arith.constant 112 : index
    %swap3A_109 = tpu.vector_load %arg11[%swap3A_108] {strides = array<i32>} : memref<128xi32, #tpu.memory_space<vmem>>, vector<16xi32>,
    tpu.vector_store %arg11[%swap3A_108], %scan3A_63#15 {strides = array<i32>} : memref<128xi32, #tpu.memory_space<vmem>>, vector<16xi32>,
    "tpu.region"() ({
      %run_scoped3A = tpu.sem_alloc : memref<!tpu.dma_semaphore, #tpu.memory_space<semaphore_mem>>
      %dma_start3A_110 = arith.constant 0 : i32
      %dma_start3A_111 = tpu.memref_slice %arg4[%add3A, %dma_start3A_110] : memref<32x128xf32, #tpu.memory_space<hbm>> -> memref<1x128xf32, #tpu.memory_space<hbm>>
      %dma_start3A_112 = tpu.memref_squeeze %dma_start3A_111 : memref<1x128xf32, #tpu.memory_space<hbm>> -> memref<128xf32, #tpu.memory_space<hbm>>
      %dma_start3A_113 = arith.constant 0 : i32
      %dma_start3A_114 = tpu.memref_slice %arg4[%add3A, %dma_start3A_113] : memref<32x128xf32, #tpu.memory_space<hbm>> -> memref<1x128xf32, #tpu.memory_space<hbm>>
      %dma_start3A_115 = tpu.memref_squeeze %dma_start3A_114 : memref<1x128xf32, #tpu.memory_space<hbm>> -> memref<128xf32, #tpu.memory_space<hbm>>
      tpu.enqueue_dma source(%arg10 : memref<128xf32, #tpu.memory_space<vmem>>) target(%dma_start3A_115 : memref<128xf32, #tpu.memory_space<hbm>>) target_semaphore(%run_scoped3A : memref<!tpu.dma_semaphore, #tpu.memory_space<semaphore_mem>>)
      %dma_wait3A_116 = arith.constant 0 : i32
      %dma_wait3A_117 = tpu.memref_slice %arg4[%add3A, %dma_wait3A_116] : memref<32x128xf32, #tpu.memory_space<hbm>> -> memref<1x128xf32, #tpu.memory_space<hbm>>
      %dma_wait3A_118 = tpu.memref_squeeze %dma_wait3A_117 : memref<1x128xf32, #tpu.memory_space<hbm>> -> memref<128xf32, #tpu.memory_space<hbm>>
      %dma_wait3A_119 = arith.constant 0 : i32
      %dma_wait3A_120 = tpu.memref_slice %arg4[%add3A, %dma_wait3A_119] : memref<32x128xf32, #tpu.memory_space<hbm>> -> memref<1x128xf32, #tpu.memory_space<hbm>>
      %dma_wait3A_121 = tpu.memref_squeeze %dma_wait3A_120 : memref<1x128xf32, #tpu.memory_space<hbm>> -> memref<128xf32, #tpu.memory_space<hbm>>
      tpu.wait_dma2 semaphore(%run_scoped3A : memref<!tpu.dma_semaphore, #tpu.memory_space<semaphore_mem>>) src(%arg10 : memref<128xf32, #tpu.memory_space<vmem>>) dst(%dma_wait3A_121 : memref<128xf32, #tpu.memory_space<hbm>>)
      tpu.yield
    }) : () -> ()
    "tpu.region"() ({
      %run_scoped3A = tpu.sem_alloc : memref<!tpu.dma_semaphore, #tpu.memory_space<semaphore_mem>>
      %dma_start3A_110 = arith.constant 0 : i32
      %dma_start3A_111 = tpu.memref_slice %arg5[%add3A, %dma_start3A_110] : memref<32x128xi32, #tpu.memory_space<hbm>> -> memref<1x128xi32, #tpu.memory_space<hbm>>
      %dma_start3A_112 = tpu.memref_squeeze %dma_start3A_111 : memref<1x128xi32, #tpu.memory_space<hbm>> -> memref<128xi32, #tpu.memory_space<hbm>>
      %dma_start3A_113 = arith.constant 0 : i32
      %dma_start3A_114 = tpu.memref_slice %arg5[%add3A, %dma_start3A_113] : memref<32x128xi32, #tpu.memory_space<hbm>> -> memref<1x128xi32, #tpu.memory_space<hbm>>
      %dma_start3A_115 = tpu.memref_squeeze %dma_start3A_114 : memref<1x128xi32, #tpu.memory_space<hbm>> -> memref<128xi32, #tpu.memory_space<hbm>>
      tpu.enqueue_dma source(%arg11 : memref<128xi32, #tpu.memory_space<vmem>>) target(%dma_start3A_115 : memref<128xi32, #tpu.memory_space<hbm>>) target_semaphore(%run_scoped3A : memref<!tpu.dma_semaphore, #tpu.memory_space<semaphore_mem>>)
      %dma_wait3A_116 = arith.constant 0 : i32
      %dma_wait3A_117 = tpu.memref_slice %arg5[%add3A, %dma_wait3A_116] : memref<32x128xi32, #tpu.memory_space<hbm>> -> memref<1x128xi32, #tpu.memory_space<hbm>>
      %dma_wait3A_118 = tpu.memref_squeeze %dma_wait3A_117 : memref<1x128xi32, #tpu.memory_space<hbm>> -> memref<128xi32, #tpu.memory_space<hbm>>
      %dma_wait3A_119 = arith.constant 0 : i32
      %dma_wait3A_120 = tpu.memref_slice %arg5[%add3A, %dma_wait3A_119] : memref<32x128xi32, #tpu.memory_space<hbm>> -> memref<1x128xi32, #tpu.memory_space<hbm>>
      %dma_wait3A_121 = tpu.memref_squeeze %dma_wait3A_120 : memref<1x128xi32, #tpu.memory_space<hbm>> -> memref<128xi32, #tpu.memory_space<hbm>>
      tpu.wait_dma2 semaphore(%run_scoped3A : memref<!tpu.dma_semaphore, #tpu.memory_space<semaphore_mem>>) src(%arg11 : memref<128xi32, #tpu.memory_space<vmem>>) dst(%dma_wait3A_121 : memref<128xi32, #tpu.memory_space<hbm>>)
      tpu.yield
    }) : () -> ()
    return
  }
}

module attributes {stable_mosaic.version = 14 : i64} {
  func.func @_proj_body(%arg0: memref<256x256xf32, #tpu.memory_space<vmem>>, %arg1: memref<256x512xf32, #tpu.memory_space<vmem>>, %arg2: memref<512x64xf32, #tpu.memory_space<vmem>>, %arg3: memref<4x64xf32, #tpu.memory_space<vmem>>) attributes {dimension_semantics = [], scalar_prefetch = 0 : i64, scratch_operands = 0 : i64, tpu.core_type = #tpu.core_type<tc>} {
    %iota3A = tpu.iota {dimensions = array<i32: 1>} : vector<4x256xi32>
    %iota3A_0 = tpu.iota {dimensions = array<i32: 0>} : vector<4x256xi32>
    %mul3A = arith.constant 64 : i32
    %mul3A_1 = vector.broadcast %mul3A : i32 to vector<4x256xi32>
    %mul3A_2 = arith.muli %iota3A_0, %mul3A_1 : vector<4x256xi32>
    %eq3A = arith.cmpi eq, %iota3A, %mul3A_2 : vector<4x256xi32>
    %convert_element_type3A = arith.extui %eq3A : vector<4x256xi1> to vector<4x256xi32>
    %convert_element_type3A_3 = arith.sitofp %convert_element_type3A : vector<4x256xi32> to vector<4x256xf32>
    %get3A = arith.constant 0 : index
    %get3A_4 = arith.constant 0 : index
    %get3A_5 = vector.load %arg0[%get3A, %get3A_4] : memref<256x256xf32, #tpu.memory_space<vmem>>, vector<256x256xf32>
    %dot_general3A = arith.constant dense<0.000000e+00> : vector<4x256xf32>
    %dot_general3A_6 = tpu.matmul %convert_element_type3A_3, %get3A_5, %dot_general3A {dimension_numbers = #tpu.dot_dimension_numbers<[1], [0], [0], [1], [0, 0, 1, 1], [], []>, transpose_lhs_hint = false} : vector<4x256xf32>, vector<256x256xf32>, vector<4x256xf32> -> vector<4x256xf32>
    %get3A_7 = arith.constant 0 : index
    %get3A_8 = arith.constant 0 : index
    %get3A_9 = vector.load %arg1[%get3A_7, %get3A_8] : memref<256x512xf32, #tpu.memory_space<vmem>>, vector<256x512xf32>
    %dot_general3A_10 = arith.constant dense<0.000000e+00> : vector<4x512xf32>
    %dot_general3A_11 = tpu.matmul %dot_general3A_6, %get3A_9, %dot_general3A_10 {dimension_numbers = #tpu.dot_dimension_numbers<[1], [0], [0], [1], [0, 0, 1, 1], [], []>, transpose_lhs_hint = false} : vector<4x256xf32>, vector<256x512xf32>, vector<4x512xf32> -> vector<4x512xf32>
    %get3A_12 = arith.constant 0 : index
    %get3A_13 = arith.constant 0 : index
    %get3A_14 = vector.load %arg2[%get3A_12, %get3A_13] : memref<512x64xf32, #tpu.memory_space<vmem>>, vector<512x64xf32>
    %dot_general3A_15 = arith.constant dense<0.000000e+00> : vector<4x64xf32>
    %dot_general3A_16 = tpu.matmul %dot_general3A_11, %get3A_14, %dot_general3A_15 {dimension_numbers = #tpu.dot_dimension_numbers<[1], [0], [0], [1], [0, 0, 1, 1], [], []>, transpose_lhs_hint = false} : vector<4x512xf32>, vector<512x64xf32>, vector<4x64xf32> -> vector<4x64xf32>
    %swap3A = arith.constant 0 : index
    %swap3A_17 = arith.constant 0 : index
    %swap3A_18 = vector.load %arg3[%swap3A, %swap3A_17] : memref<4x64xf32, #tpu.memory_space<vmem>>, vector<4x64xf32>
    tpu.vector_store %arg3[%swap3A, %swap3A_17], %dot_general3A_16 {strides = array<i32>} : memref<4x64xf32, #tpu.memory_space<vmem>>, vector<4x64xf32>,
    return
  }
}

module attributes {stable_mosaic.version = 14 : i64} {
  func.func @_attn_body(%arg0: memref<256x256xf32, #tpu.memory_space<vmem>>, %arg1: memref<256x512xf32, #tpu.memory_space<vmem>>, %arg2: memref<32x128xf32, #tpu.memory_space<vmem>>, %arg3: memref<32x128xi32, #tpu.memory_space<vmem>>, %arg4: memref<4x100000x128xf32, #tpu.memory_space<hbm>>, %arg5: memref<64x512xf32, #tpu.memory_space<vmem>>, %arg6: memref<64x512xf32, #tpu.memory_space<vmem>>, %arg7: memref<512x256xf32, #tpu.memory_space<vmem>>, %arg8: memref<1x256xf32, #tpu.memory_space<vmem>>, %arg9: memref<256x256xf32, #tpu.memory_space<vmem>>, %arg10: memref<4x2x128xf32, #tpu.memory_space<vmem>>, %arg11: memref<!tpu.dma_semaphore, #tpu.memory_space<semaphore_mem>>) attributes {dimension_semantics = [], scalar_prefetch = 0 : i64, scratch_operands = 2 : i64, tpu.core_type = #tpu.core_type<tc>} {
    %get3A = arith.constant 0 : index
    %get3A_0 = arith.constant 0 : index
    %get3A_1 = vector.load %arg2[%get3A, %get3A_0] : memref<32x128xf32, #tpu.memory_space<vmem>>, vector<32x128xf32>
    %reshape3A = vector.shape_cast %get3A_1 : vector<32x128xf32> to vector<4x1024xf32>
    %get3A_2 = arith.constant 0 : index
    %get3A_3 = arith.constant 0 : index
    %get3A_4 = vector.load %arg3[%get3A_2, %get3A_3] : memref<32x128xi32, #tpu.memory_space<vmem>>, vector<32x128xi32>
    %reshape3A_5 = vector.shape_cast %get3A_4 : vector<32x128xi32> to vector<4x1024xi32>
    %convert_element_type3A = arith.sitofp %reshape3A_5 : vector<4x1024xi32> to vector<4x1024xf32>
    %reduce_min3A = arith.constant dense<0x7F800000> : vector<4xf32>
    %reduce_min3A_6 = vector.multi_reduction <minimumf>, %reshape3A, %reduce_min3A [1] : vector<4x1024xf32> to vector<4xf32>
    %broadcast_in_dim3A = vector.shape_cast %reduce_min3A_6 : vector<4xf32> to vector<4x1xf32>
    %eq3A = vector.broadcast %broadcast_in_dim3A : vector<4x1xf32> to vector<4x1024xf32>
    %eq3A_7 = arith.cmpf oeq, %reshape3A, %eq3A : vector<4x1024xf32>
    %jit3A = arith.constant 3.000000e+38 : f32
    %broadcast_in_dim3A_8 = vector.broadcast %jit3A : f32 to vector<4x1024xf32>
    %select_n3A = arith.select %eq3A_7, %convert_element_type3A, %broadcast_in_dim3A_8 : vector<4x1024xi1>, vector<4x1024xf32>
    %reduce_min3A_9 = arith.constant dense<0x7F800000> : vector<4xf32>
    %reduce_min3A_10 = vector.multi_reduction <minimumf>, %select_n3A, %reduce_min3A_9 [1] : vector<4x1024xf32> to vector<4xf32>
    %broadcast_in_dim3A_11 = vector.shape_cast %reduce_min3A_10 : vector<4xf32> to vector<4x1xf32>
    %eq3A_12 = vector.broadcast %broadcast_in_dim3A_11 : vector<4x1xf32> to vector<4x1024xf32>
    %eq3A_13 = arith.cmpf oeq, %convert_element_type3A, %eq3A_12 : vector<4x1024xf32>
    %jit3A_14 = arith.constant 3.000000e+38 : f32
    %broadcast_in_dim3A_15 = vector.broadcast %jit3A_14 : f32 to vector<4x1024xf32>
    %select_n3A_16 = arith.select %eq3A_13, %broadcast_in_dim3A_15, %reshape3A : vector<4x1024xi1>, vector<4x1024xf32>
    %reduce_min3A_17 = arith.constant dense<0x7F800000> : vector<4xf32>
    %reduce_min3A_18 = vector.multi_reduction <minimumf>, %select_n3A_16, %reduce_min3A_17 [1] : vector<4x1024xf32> to vector<4xf32>
    %broadcast_in_dim3A_19 = vector.shape_cast %reduce_min3A_18 : vector<4xf32> to vector<4x1xf32>
    %eq3A_20 = vector.broadcast %broadcast_in_dim3A_19 : vector<4x1xf32> to vector<4x1024xf32>
    %eq3A_21 = arith.cmpf oeq, %select_n3A_16, %eq3A_20 : vector<4x1024xf32>
    %jit3A_22 = arith.constant 3.000000e+38 : f32
    %broadcast_in_dim3A_23 = vector.broadcast %jit3A_22 : f32 to vector<4x1024xf32>
    %select_n3A_24 = arith.select %eq3A_21, %convert_element_type3A, %broadcast_in_dim3A_23 : vector<4x1024xi1>, vector<4x1024xf32>
    %reduce_min3A_25 = arith.constant dense<0x7F800000> : vector<4xf32>
    %reduce_min3A_26 = vector.multi_reduction <minimumf>, %select_n3A_24, %reduce_min3A_25 [1] : vector<4x1024xf32> to vector<4xf32>
    %broadcast_in_dim3A_27 = vector.shape_cast %reduce_min3A_26 : vector<4xf32> to vector<4x1xf32>
    %concatenate3A = tpu.concatenate %broadcast_in_dim3A_11, %broadcast_in_dim3A_27 in 1 : vector<4x1xf32>, vector<4x1xf32> -> vector<4x2xf32>
    %convert_element_type3A_28 = arith.fptosi %concatenate3A : vector<4x2xf32> to vector<4x2xi32>
    %slice3A = vector.extract_strided_slice %convert_element_type3A_28 {offsets = [0, 0], sizes = [1, 1], strides = [1, 1]} : vector<4x2xi32> to vector<1x1xi32>
    %squeeze3A = vector.extract %slice3A[0, 0] : i32 from vector<1x1xi32>
    %dma_start3A = arith.constant 0 : i32
    %dma_start3A_29 = arith.constant 0 : i32
    %dma_start3A_30 = arith.constant 0 : i32
    %dma_start3A_31 = arith.constant 0 : i32
    %dma_start3A_32 = tpu.memref_slice %arg10[%dma_start3A_29, %dma_start3A_30, %dma_start3A_31] : memref<4x2x128xf32, #tpu.memory_space<vmem>> -> memref<1x1x128xf32, #tpu.memory_space<vmem>>
    %dma_start3A_33 = tpu.memref_squeeze %dma_start3A_32 : memref<1x1x128xf32, #tpu.memory_space<vmem>> -> memref<1x128xf32, #tpu.memory_space<vmem>>
    %dma_start3A_34 = arith.constant 0 : i32
    %dma_start3A_35 = tpu.memref_slice %arg4[%dma_start3A, %squeeze3A, %dma_start3A_34] : memref<4x100000x128xf32, #tpu.memory_space<hbm>> -> memref<1x1x128xf32, #tpu.memory_space<hbm>>
    %dma_start3A_36 = tpu.memref_squeeze %dma_start3A_35 : memref<1x1x128xf32, #tpu.memory_space<hbm>> -> memref<1x128xf32, #tpu.memory_space<hbm>>
    tpu.enqueue_dma source(%dma_start3A_36 : memref<1x128xf32, #tpu.memory_space<hbm>>) target(%dma_start3A_33 : memref<1x128xf32, #tpu.memory_space<vmem>>) target_semaphore(%arg11 : memref<!tpu.dma_semaphore, #tpu.memory_space<semaphore_mem>>)
    %slice3A_37 = vector.extract_strided_slice %convert_element_type3A_28 {offsets = [0, 1], sizes = [1, 1], strides = [1, 1]} : vector<4x2xi32> to vector<1x1xi32>
    %squeeze3A_38 = vector.extract %slice3A_37[0, 0] : i32 from vector<1x1xi32>
    %dma_start3A_39 = arith.constant 0 : i32
    %dma_start3A_40 = arith.constant 0 : i32
    %dma_start3A_41 = arith.constant 1 : i32
    %dma_start3A_42 = arith.constant 0 : i32
    %dma_start3A_43 = tpu.memref_slice %arg10[%dma_start3A_40, %dma_start3A_41, %dma_start3A_42] : memref<4x2x128xf32, #tpu.memory_space<vmem>> -> memref<1x1x128xf32, #tpu.memory_space<vmem>>
    %dma_start3A_44 = tpu.memref_squeeze %dma_start3A_43 : memref<1x1x128xf32, #tpu.memory_space<vmem>> -> memref<1x128xf32, #tpu.memory_space<vmem>>
    %dma_start3A_45 = arith.constant 0 : i32
    %dma_start3A_46 = tpu.memref_slice %arg4[%dma_start3A_39, %squeeze3A_38, %dma_start3A_45] : memref<4x100000x128xf32, #tpu.memory_space<hbm>> -> memref<1x1x128xf32, #tpu.memory_space<hbm>>
    %dma_start3A_47 = tpu.memref_squeeze %dma_start3A_46 : memref<1x1x128xf32, #tpu.memory_space<hbm>> -> memref<1x128xf32, #tpu.memory_space<hbm>>
    tpu.enqueue_dma source(%dma_start3A_47 : memref<1x128xf32, #tpu.memory_space<hbm>>) target(%dma_start3A_44 : memref<1x128xf32, #tpu.memory_space<vmem>>) target_semaphore(%arg11 : memref<!tpu.dma_semaphore, #tpu.memory_space<semaphore_mem>>)
    %slice3A_48 = vector.extract_strided_slice %convert_element_type3A_28 {offsets = [1, 0], sizes = [1, 1], strides = [1, 1]} : vector<4x2xi32> to vector<1x1xi32>
    %squeeze3A_49 = vector.extract %slice3A_48[0, 0] : i32 from vector<1x1xi32>
    %dma_start3A_50 = arith.constant 1 : i32
    %dma_start3A_51 = arith.constant 1 : i32
    %dma_start3A_52 = arith.constant 0 : i32
    %dma_start3A_53 = arith.constant 0 : i32
    %dma_start3A_54 = tpu.memref_slice %arg10[%dma_start3A_51, %dma_start3A_52, %dma_start3A_53] : memref<4x2x128xf32, #tpu.memory_space<vmem>> -> memref<1x1x128xf32, #tpu.memory_space<vmem>>
    %dma_start3A_55 = tpu.memref_squeeze %dma_start3A_54 : memref<1x1x128xf32, #tpu.memory_space<vmem>> -> memref<1x128xf32, #tpu.memory_space<vmem>>
    %dma_start3A_56 = arith.constant 0 : i32
    %dma_start3A_57 = tpu.memref_slice %arg4[%dma_start3A_50, %squeeze3A_49, %dma_start3A_56] : memref<4x100000x128xf32, #tpu.memory_space<hbm>> -> memref<1x1x128xf32, #tpu.memory_space<hbm>>
    %dma_start3A_58 = tpu.memref_squeeze %dma_start3A_57 : memref<1x1x128xf32, #tpu.memory_space<hbm>> -> memref<1x128xf32, #tpu.memory_space<hbm>>
    tpu.enqueue_dma source(%dma_start3A_58 : memref<1x128xf32, #tpu.memory_space<hbm>>) target(%dma_start3A_55 : memref<1x128xf32, #tpu.memory_space<vmem>>) target_semaphore(%arg11 : memref<!tpu.dma_semaphore, #tpu.memory_space<semaphore_mem>>)
    %slice3A_59 = vector.extract_strided_slice %convert_element_type3A_28 {offsets = [1, 1], sizes = [1, 1], strides = [1, 1]} : vector<4x2xi32> to vector<1x1xi32>
    %squeeze3A_60 = vector.extract %slice3A_59[0, 0] : i32 from vector<1x1xi32>
    %dma_start3A_61 = arith.constant 1 : i32
    %dma_start3A_62 = arith.constant 1 : i32
    %dma_start3A_63 = arith.constant 1 : i32
    %dma_start3A_64 = arith.constant 0 : i32
    %dma_start3A_65 = tpu.memref_slice %arg10[%dma_start3A_62, %dma_start3A_63, %dma_start3A_64] : memref<4x2x128xf32, #tpu.memory_space<vmem>> -> memref<1x1x128xf32, #tpu.memory_space<vmem>>
    %dma_start3A_66 = tpu.memref_squeeze %dma_start3A_65 : memref<1x1x128xf32, #tpu.memory_space<vmem>> -> memref<1x128xf32, #tpu.memory_space<vmem>>
    %dma_start3A_67 = arith.constant 0 : i32
    %dma_start3A_68 = tpu.memref_slice %arg4[%dma_start3A_61, %squeeze3A_60, %dma_start3A_67] : memref<4x100000x128xf32, #tpu.memory_space<hbm>> -> memref<1x1x128xf32, #tpu.memory_space<hbm>>
    %dma_start3A_69 = tpu.memref_squeeze %dma_start3A_68 : memref<1x1x128xf32, #tpu.memory_space<hbm>> -> memref<1x128xf32, #tpu.memory_space<hbm>>
    tpu.enqueue_dma source(%dma_start3A_69 : memref<1x128xf32, #tpu.memory_space<hbm>>) target(%dma_start3A_66 : memref<1x128xf32, #tpu.memory_space<vmem>>) target_semaphore(%arg11 : memref<!tpu.dma_semaphore, #tpu.memory_space<semaphore_mem>>)
    %slice3A_70 = vector.extract_strided_slice %convert_element_type3A_28 {offsets = [2, 0], sizes = [1, 1], strides = [1, 1]} : vector<4x2xi32> to vector<1x1xi32>
    %squeeze3A_71 = vector.extract %slice3A_70[0, 0] : i32 from vector<1x1xi32>
    %dma_start3A_72 = arith.constant 2 : i32
    %dma_start3A_73 = arith.constant 2 : i32
    %dma_start3A_74 = arith.constant 0 : i32
    %dma_start3A_75 = arith.constant 0 : i32
    %dma_start3A_76 = tpu.memref_slice %arg10[%dma_start3A_73, %dma_start3A_74, %dma_start3A_75] : memref<4x2x128xf32, #tpu.memory_space<vmem>> -> memref<1x1x128xf32, #tpu.memory_space<vmem>>
    %dma_start3A_77 = tpu.memref_squeeze %dma_start3A_76 : memref<1x1x128xf32, #tpu.memory_space<vmem>> -> memref<1x128xf32, #tpu.memory_space<vmem>>
    %dma_start3A_78 = arith.constant 0 : i32
    %dma_start3A_79 = tpu.memref_slice %arg4[%dma_start3A_72, %squeeze3A_71, %dma_start3A_78] : memref<4x100000x128xf32, #tpu.memory_space<hbm>> -> memref<1x1x128xf32, #tpu.memory_space<hbm>>
    %dma_start3A_80 = tpu.memref_squeeze %dma_start3A_79 : memref<1x1x128xf32, #tpu.memory_space<hbm>> -> memref<1x128xf32, #tpu.memory_space<hbm>>
    tpu.enqueue_dma source(%dma_start3A_80 : memref<1x128xf32, #tpu.memory_space<hbm>>) target(%dma_start3A_77 : memref<1x128xf32, #tpu.memory_space<vmem>>) target_semaphore(%arg11 : memref<!tpu.dma_semaphore, #tpu.memory_space<semaphore_mem>>)
    %slice3A_81 = vector.extract_strided_slice %convert_element_type3A_28 {offsets = [2, 1], sizes = [1, 1], strides = [1, 1]} : vector<4x2xi32> to vector<1x1xi32>
    %squeeze3A_82 = vector.extract %slice3A_81[0, 0] : i32 from vector<1x1xi32>
    %dma_start3A_83 = arith.constant 2 : i32
    %dma_start3A_84 = arith.constant 2 : i32
    %dma_start3A_85 = arith.constant 1 : i32
    %dma_start3A_86 = arith.constant 0 : i32
    %dma_start3A_87 = tpu.memref_slice %arg10[%dma_start3A_84, %dma_start3A_85, %dma_start3A_86] : memref<4x2x128xf32, #tpu.memory_space<vmem>> -> memref<1x1x128xf32, #tpu.memory_space<vmem>>
    %dma_start3A_88 = tpu.memref_squeeze %dma_start3A_87 : memref<1x1x128xf32, #tpu.memory_space<vmem>> -> memref<1x128xf32, #tpu.memory_space<vmem>>
    %dma_start3A_89 = arith.constant 0 : i32
    %dma_start3A_90 = tpu.memref_slice %arg4[%dma_start3A_83, %squeeze3A_82, %dma_start3A_89] : memref<4x100000x128xf32, #tpu.memory_space<hbm>> -> memref<1x1x128xf32, #tpu.memory_space<hbm>>
    %dma_start3A_91 = tpu.memref_squeeze %dma_start3A_90 : memref<1x1x128xf32, #tpu.memory_space<hbm>> -> memref<1x128xf32, #tpu.memory_space<hbm>>
    tpu.enqueue_dma source(%dma_start3A_91 : memref<1x128xf32, #tpu.memory_space<hbm>>) target(%dma_start3A_88 : memref<1x128xf32, #tpu.memory_space<vmem>>) target_semaphore(%arg11 : memref<!tpu.dma_semaphore, #tpu.memory_space<semaphore_mem>>)
    %slice3A_92 = vector.extract_strided_slice %convert_element_type3A_28 {offsets = [3, 0], sizes = [1, 1], strides = [1, 1]} : vector<4x2xi32> to vector<1x1xi32>
    %squeeze3A_93 = vector.extract %slice3A_92[0, 0] : i32 from vector<1x1xi32>
    %dma_start3A_94 = arith.constant 3 : i32
    %dma_start3A_95 = arith.constant 3 : i32
    %dma_start3A_96 = arith.constant 0 : i32
    %dma_start3A_97 = arith.constant 0 : i32
    %dma_start3A_98 = tpu.memref_slice %arg10[%dma_start3A_95, %dma_start3A_96, %dma_start3A_97] : memref<4x2x128xf32, #tpu.memory_space<vmem>> -> memref<1x1x128xf32, #tpu.memory_space<vmem>>
    %dma_start3A_99 = tpu.memref_squeeze %dma_start3A_98 : memref<1x1x128xf32, #tpu.memory_space<vmem>> -> memref<1x128xf32, #tpu.memory_space<vmem>>
    %dma_start3A_100 = arith.constant 0 : i32
    %dma_start3A_101 = tpu.memref_slice %arg4[%dma_start3A_94, %squeeze3A_93, %dma_start3A_100] : memref<4x100000x128xf32, #tpu.memory_space<hbm>> -> memref<1x1x128xf32, #tpu.memory_space<hbm>>
    %dma_start3A_102 = tpu.memref_squeeze %dma_start3A_101 : memref<1x1x128xf32, #tpu.memory_space<hbm>> -> memref<1x128xf32, #tpu.memory_space<hbm>>
    tpu.enqueue_dma source(%dma_start3A_102 : memref<1x128xf32, #tpu.memory_space<hbm>>) target(%dma_start3A_99 : memref<1x128xf32, #tpu.memory_space<vmem>>) target_semaphore(%arg11 : memref<!tpu.dma_semaphore, #tpu.memory_space<semaphore_mem>>)
    %slice3A_103 = vector.extract_strided_slice %convert_element_type3A_28 {offsets = [3, 1], sizes = [1, 1], strides = [1, 1]} : vector<4x2xi32> to vector<1x1xi32>
    %squeeze3A_104 = vector.extract %slice3A_103[0, 0] : i32 from vector<1x1xi32>
    %dma_start3A_105 = arith.constant 3 : i32
    %dma_start3A_106 = arith.constant 3 : i32
    %dma_start3A_107 = arith.constant 1 : i32
    %dma_start3A_108 = arith.constant 0 : i32
    %dma_start3A_109 = tpu.memref_slice %arg10[%dma_start3A_106, %dma_start3A_107, %dma_start3A_108] : memref<4x2x128xf32, #tpu.memory_space<vmem>> -> memref<1x1x128xf32, #tpu.memory_space<vmem>>
    %dma_start3A_110 = tpu.memref_squeeze %dma_start3A_109 : memref<1x1x128xf32, #tpu.memory_space<vmem>> -> memref<1x128xf32, #tpu.memory_space<vmem>>
    %dma_start3A_111 = arith.constant 0 : i32
    %dma_start3A_112 = tpu.memref_slice %arg4[%dma_start3A_105, %squeeze3A_104, %dma_start3A_111] : memref<4x100000x128xf32, #tpu.memory_space<hbm>> -> memref<1x1x128xf32, #tpu.memory_space<hbm>>
    %dma_start3A_113 = tpu.memref_squeeze %dma_start3A_112 : memref<1x1x128xf32, #tpu.memory_space<hbm>> -> memref<1x128xf32, #tpu.memory_space<hbm>>
    tpu.enqueue_dma source(%dma_start3A_113 : memref<1x128xf32, #tpu.memory_space<hbm>>) target(%dma_start3A_110 : memref<1x128xf32, #tpu.memory_space<vmem>>) target_semaphore(%arg11 : memref<!tpu.dma_semaphore, #tpu.memory_space<semaphore_mem>>)
    %dma_wait3A = arith.constant 0 : i32
    %dma_wait3A_114 = arith.constant 0 : i32
    %dma_wait3A_115 = arith.constant 0 : i32
    %dma_wait3A_116 = arith.constant 0 : i32
    %dma_wait3A_117 = tpu.memref_slice %arg10[%dma_wait3A_114, %dma_wait3A_115, %dma_wait3A_116] : memref<4x2x128xf32, #tpu.memory_space<vmem>> -> memref<1x1x128xf32, #tpu.memory_space<vmem>>
    %dma_wait3A_118 = tpu.memref_squeeze %dma_wait3A_117 : memref<1x1x128xf32, #tpu.memory_space<vmem>> -> memref<1x128xf32, #tpu.memory_space<vmem>>
    %dma_wait3A_119 = arith.constant 0 : i32
    %dma_wait3A_120 = arith.constant 0 : i32
    %dma_wait3A_121 = tpu.memref_slice %arg4[%dma_wait3A, %dma_wait3A_119, %dma_wait3A_120] : memref<4x100000x128xf32, #tpu.memory_space<hbm>> -> memref<1x1x128xf32, #tpu.memory_space<hbm>>
    %dma_wait3A_122 = tpu.memref_squeeze %dma_wait3A_121 : memref<1x1x128xf32, #tpu.memory_space<hbm>> -> memref<1x128xf32, #tpu.memory_space<hbm>>
    tpu.wait_dma2 semaphore(%arg11 : memref<!tpu.dma_semaphore, #tpu.memory_space<semaphore_mem>>) src(%dma_wait3A_122 : memref<1x128xf32, #tpu.memory_space<hbm>>) dst(%dma_wait3A_118 : memref<1x128xf32, #tpu.memory_space<vmem>>)
    %dma_wait3A_123 = arith.constant 0 : i32
    %dma_wait3A_124 = arith.constant 0 : i32
    %dma_wait3A_125 = arith.constant 0 : i32
    %dma_wait3A_126 = arith.constant 0 : i32
    %dma_wait3A_127 = tpu.memref_slice %arg10[%dma_wait3A_124, %dma_wait3A_125, %dma_wait3A_126] : memref<4x2x128xf32, #tpu.memory_space<vmem>> -> memref<1x1x128xf32, #tpu.memory_space<vmem>>
    %dma_wait3A_128 = tpu.memref_squeeze %dma_wait3A_127 : memref<1x1x128xf32, #tpu.memory_space<vmem>> -> memref<1x128xf32, #tpu.memory_space<vmem>>
    %dma_wait3A_129 = arith.constant 0 : i32
    %dma_wait3A_130 = arith.constant 0 : i32
    %dma_wait3A_131 = tpu.memref_slice %arg4[%dma_wait3A_123, %dma_wait3A_129, %dma_wait3A_130] : memref<4x100000x128xf32, #tpu.memory_space<hbm>> -> memref<1x1x128xf32, #tpu.memory_space<hbm>>
    %dma_wait3A_132 = tpu.memref_squeeze %dma_wait3A_131 : memref<1x1x128xf32, #tpu.memory_space<hbm>> -> memref<1x128xf32, #tpu.memory_space<hbm>>
    tpu.wait_dma2 semaphore(%arg11 : memref<!tpu.dma_semaphore, #tpu.memory_space<semaphore_mem>>) src(%dma_wait3A_132 : memref<1x128xf32, #tpu.memory_space<hbm>>) dst(%dma_wait3A_128 : memref<1x128xf32, #tpu.memory_space<vmem>>)
    %dma_wait3A_133 = arith.constant 0 : i32
    %dma_wait3A_134 = arith.constant 0 : i32
    %dma_wait3A_135 = arith.constant 0 : i32
    %dma_wait3A_136 = arith.constant 0 : i32
    %dma_wait3A_137 = tpu.memref_slice %arg10[%dma_wait3A_134, %dma_wait3A_135, %dma_wait3A_136] : memref<4x2x128xf32, #tpu.memory_space<vmem>> -> memref<1x1x128xf32, #tpu.memory_space<vmem>>
    %dma_wait3A_138 = tpu.memref_squeeze %dma_wait3A_137 : memref<1x1x128xf32, #tpu.memory_space<vmem>> -> memref<1x128xf32, #tpu.memory_space<vmem>>
    %dma_wait3A_139 = arith.constant 0 : i32
    %dma_wait3A_140 = arith.constant 0 : i32
    %dma_wait3A_141 = tpu.memref_slice %arg4[%dma_wait3A_133, %dma_wait3A_139, %dma_wait3A_140] : memref<4x100000x128xf32, #tpu.memory_space<hbm>> -> memref<1x1x128xf32, #tpu.memory_space<hbm>>
    %dma_wait3A_142 = tpu.memref_squeeze %dma_wait3A_141 : memref<1x1x128xf32, #tpu.memory_space<hbm>> -> memref<1x128xf32, #tpu.memory_space<hbm>>
    tpu.wait_dma2 semaphore(%arg11 : memref<!tpu.dma_semaphore, #tpu.memory_space<semaphore_mem>>) src(%dma_wait3A_142 : memref<1x128xf32, #tpu.memory_space<hbm>>) dst(%dma_wait3A_138 : memref<1x128xf32, #tpu.memory_space<vmem>>)
    %dma_wait3A_143 = arith.constant 0 : i32
    %dma_wait3A_144 = arith.constant 0 : i32
    %dma_wait3A_145 = arith.constant 0 : i32
    %dma_wait3A_146 = arith.constant 0 : i32
    %dma_wait3A_147 = tpu.memref_slice %arg10[%dma_wait3A_144, %dma_wait3A_145, %dma_wait3A_146] : memref<4x2x128xf32, #tpu.memory_space<vmem>> -> memref<1x1x128xf32, #tpu.memory_space<vmem>>
    %dma_wait3A_148 = tpu.memref_squeeze %dma_wait3A_147 : memref<1x1x128xf32, #tpu.memory_space<vmem>> -> memref<1x128xf32, #tpu.memory_space<vmem>>
    %dma_wait3A_149 = arith.constant 0 : i32
    %dma_wait3A_150 = arith.constant 0 : i32
    %dma_wait3A_151 = tpu.memref_slice %arg4[%dma_wait3A_143, %dma_wait3A_149, %dma_wait3A_150] : memref<4x100000x128xf32, #tpu.memory_space<hbm>> -> memref<1x1x128xf32, #tpu.memory_space<hbm>>
    %dma_wait3A_152 = tpu.memref_squeeze %dma_wait3A_151 : memref<1x1x128xf32, #tpu.memory_space<hbm>> -> memref<1x128xf32, #tpu.memory_space<hbm>>
    tpu.wait_dma2 semaphore(%arg11 : memref<!tpu.dma_semaphore, #tpu.memory_space<semaphore_mem>>) src(%dma_wait3A_152 : memref<1x128xf32, #tpu.memory_space<hbm>>) dst(%dma_wait3A_148 : memref<1x128xf32, #tpu.memory_space<vmem>>)
    %dma_wait3A_153 = arith.constant 0 : i32
    %dma_wait3A_154 = arith.constant 0 : i32
    %dma_wait3A_155 = arith.constant 0 : i32
    %dma_wait3A_156 = arith.constant 0 : i32
    %dma_wait3A_157 = tpu.memref_slice %arg10[%dma_wait3A_154, %dma_wait3A_155, %dma_wait3A_156] : memref<4x2x128xf32, #tpu.memory_space<vmem>> -> memref<1x1x128xf32, #tpu.memory_space<vmem>>
    %dma_wait3A_158 = tpu.memref_squeeze %dma_wait3A_157 : memref<1x1x128xf32, #tpu.memory_space<vmem>> -> memref<1x128xf32, #tpu.memory_space<vmem>>
    %dma_wait3A_159 = arith.constant 0 : i32
    %dma_wait3A_160 = arith.constant 0 : i32
    %dma_wait3A_161 = tpu.memref_slice %arg4[%dma_wait3A_153, %dma_wait3A_159, %dma_wait3A_160] : memref<4x100000x128xf32, #tpu.memory_space<hbm>> -> memref<1x1x128xf32, #tpu.memory_space<hbm>>
    %dma_wait3A_162 = tpu.memref_squeeze %dma_wait3A_161 : memref<1x1x128xf32, #tpu.memory_space<hbm>> -> memref<1x128xf32, #tpu.memory_space<hbm>>
    tpu.wait_dma2 semaphore(%arg11 : memref<!tpu.dma_semaphore, #tpu.memory_space<semaphore_mem>>) src(%dma_wait3A_162 : memref<1x128xf32, #tpu.memory_space<hbm>>) dst(%dma_wait3A_158 : memref<1x128xf32, #tpu.memory_space<vmem>>)
    %dma_wait3A_163 = arith.constant 0 : i32
    %dma_wait3A_164 = arith.constant 0 : i32
    %dma_wait3A_165 = arith.constant 0 : i32
    %dma_wait3A_166 = arith.constant 0 : i32
    %dma_wait3A_167 = tpu.memref_slice %arg10[%dma_wait3A_164, %dma_wait3A_165, %dma_wait3A_166] : memref<4x2x128xf32, #tpu.memory_space<vmem>> -> memref<1x1x128xf32, #tpu.memory_space<vmem>>
    %dma_wait3A_168 = tpu.memref_squeeze %dma_wait3A_167 : memref<1x1x128xf32, #tpu.memory_space<vmem>> -> memref<1x128xf32, #tpu.memory_space<vmem>>
    %dma_wait3A_169 = arith.constant 0 : i32
    %dma_wait3A_170 = arith.constant 0 : i32
    %dma_wait3A_171 = tpu.memref_slice %arg4[%dma_wait3A_163, %dma_wait3A_169, %dma_wait3A_170] : memref<4x100000x128xf32, #tpu.memory_space<hbm>> -> memref<1x1x128xf32, #tpu.memory_space<hbm>>
    %dma_wait3A_172 = tpu.memref_squeeze %dma_wait3A_171 : memref<1x1x128xf32, #tpu.memory_space<hbm>> -> memref<1x128xf32, #tpu.memory_space<hbm>>
    tpu.wait_dma2 semaphore(%arg11 : memref<!tpu.dma_semaphore, #tpu.memory_space<semaphore_mem>>) src(%dma_wait3A_172 : memref<1x128xf32, #tpu.memory_space<hbm>>) dst(%dma_wait3A_168 : memref<1x128xf32, #tpu.memory_space<vmem>>)
    %dma_wait3A_173 = arith.constant 0 : i32
    %dma_wait3A_174 = arith.constant 0 : i32
    %dma_wait3A_175 = arith.constant 0 : i32
    %dma_wait3A_176 = arith.constant 0 : i32
    %dma_wait3A_177 = tpu.memref_slice %arg10[%dma_wait3A_174, %dma_wait3A_175, %dma_wait3A_176] : memref<4x2x128xf32, #tpu.memory_space<vmem>> -> memref<1x1x128xf32, #tpu.memory_space<vmem>>
    %dma_wait3A_178 = tpu.memref_squeeze %dma_wait3A_177 : memref<1x1x128xf32, #tpu.memory_space<vmem>> -> memref<1x128xf32, #tpu.memory_space<vmem>>
    %dma_wait3A_179 = arith.constant 0 : i32
    %dma_wait3A_180 = arith.constant 0 : i32
    %dma_wait3A_181 = tpu.memref_slice %arg4[%dma_wait3A_173, %dma_wait3A_179, %dma_wait3A_180] : memref<4x100000x128xf32, #tpu.memory_space<hbm>> -> memref<1x1x128xf32, #tpu.memory_space<hbm>>
    %dma_wait3A_182 = tpu.memref_squeeze %dma_wait3A_181 : memref<1x1x128xf32, #tpu.memory_space<hbm>> -> memref<1x128xf32, #tpu.memory_space<hbm>>
    tpu.wait_dma2 semaphore(%arg11 : memref<!tpu.dma_semaphore, #tpu.memory_space<semaphore_mem>>) src(%dma_wait3A_182 : memref<1x128xf32, #tpu.memory_space<hbm>>) dst(%dma_wait3A_178 : memref<1x128xf32, #tpu.memory_space<vmem>>)
    %dma_wait3A_183 = arith.constant 0 : i32
    %dma_wait3A_184 = arith.constant 0 : i32
    %dma_wait3A_185 = arith.constant 0 : i32
    %dma_wait3A_186 = arith.constant 0 : i32
    %dma_wait3A_187 = tpu.memref_slice %arg10[%dma_wait3A_184, %dma_wait3A_185, %dma_wait3A_186] : memref<4x2x128xf32, #tpu.memory_space<vmem>> -> memref<1x1x128xf32, #tpu.memory_space<vmem>>
    %dma_wait3A_188 = tpu.memref_squeeze %dma_wait3A_187 : memref<1x1x128xf32, #tpu.memory_space<vmem>> -> memref<1x128xf32, #tpu.memory_space<vmem>>
    %dma_wait3A_189 = arith.constant 0 : i32
    %dma_wait3A_190 = arith.constant 0 : i32
    %dma_wait3A_191 = tpu.memref_slice %arg4[%dma_wait3A_183, %dma_wait3A_189, %dma_wait3A_190] : memref<4x100000x128xf32, #tpu.memory_space<hbm>> -> memref<1x1x128xf32, #tpu.memory_space<hbm>>
    %dma_wait3A_192 = tpu.memref_squeeze %dma_wait3A_191 : memref<1x1x128xf32, #tpu.memory_space<hbm>> -> memref<1x128xf32, #tpu.memory_space<hbm>>
    tpu.wait_dma2 semaphore(%arg11 : memref<!tpu.dma_semaphore, #tpu.memory_space<semaphore_mem>>) src(%dma_wait3A_192 : memref<1x128xf32, #tpu.memory_space<hbm>>) dst(%dma_wait3A_188 : memref<1x128xf32, #tpu.memory_space<vmem>>)
    %get3A_193 = arith.constant 0 : index
    %get3A_194 = arith.constant 0 : index
    %get3A_195 = arith.constant 0 : index
    %get3A_196 = vector.load %arg10[%get3A_193, %get3A_194, %get3A_195] : memref<4x2x128xf32, #tpu.memory_space<vmem>>, vector<4x2x128xf32>
    %slice3A_197 = vector.extract_strided_slice %get3A_196 {offsets = [0, 0, 0], sizes = [4, 2, 64], strides = [1, 1, 1]} : vector<4x2x128xf32> to vector<4x2x64xf32>
    %reshape3A_198 = vector.shape_cast %slice3A_197 : vector<4x2x64xf32> to vector<8x64xf32>
    %slice3A_199 = vector.extract_strided_slice %get3A_196 {offsets = [0, 0, 64], sizes = [4, 2, 64], strides = [1, 1, 1]} : vector<4x2x128xf32> to vector<4x2x64xf32>
    %reshape3A_200 = vector.shape_cast %slice3A_199 : vector<4x2x64xf32> to vector<8x64xf32>
    %get3A_201 = arith.constant 0 : index
    %get3A_202 = arith.constant 0 : index
    %get3A_203 = vector.load %arg5[%get3A_201, %get3A_202] : memref<64x512xf32, #tpu.memory_space<vmem>>, vector<64x512xf32>
    %dot_general3A = arith.constant dense<0.000000e+00> : vector<8x512xf32>
    %dot_general3A_204 = tpu.matmul %reshape3A_200, %get3A_203, %dot_general3A {dimension_numbers = #tpu.dot_dimension_numbers<[1], [0], [0], [1], [0, 0, 1, 1], [], []>, transpose_lhs_hint = false} : vector<8x64xf32>, vector<64x512xf32>, vector<8x512xf32> -> vector<8x512xf32>
    %reshape3A_205 = vector.shape_cast %dot_general3A_204 : vector<8x512xf32> to vector<4x2x512xf32>
    %get3A_206 = arith.constant 0 : index
    %get3A_207 = arith.constant 0 : index
    %get3A_208 = vector.load %arg6[%get3A_206, %get3A_207] : memref<64x512xf32, #tpu.memory_space<vmem>>, vector<64x512xf32>
    %dot_general3A_209 = arith.constant dense<0.000000e+00> : vector<8x512xf32>
    %dot_general3A_210 = tpu.matmul %reshape3A_198, %get3A_208, %dot_general3A_209 {dimension_numbers = #tpu.dot_dimension_numbers<[1], [0], [0], [1], [0, 0, 1, 1], [], []>, transpose_lhs_hint = false} : vector<8x64xf32>, vector<64x512xf32>, vector<8x512xf32> -> vector<8x512xf32>
    %reshape3A_211 = vector.shape_cast %dot_general3A_210 : vector<8x512xf32> to vector<4x2x512xf32>
    %get3A_212 = arith.constant 0 : index
    %get3A_213 = arith.constant 0 : index
    %get3A_214 = vector.load %arg0[%get3A_212, %get3A_213] : memref<256x256xf32, #tpu.memory_space<vmem>>, vector<256x256xf32>
    %get3A_215 = arith.constant 0 : index
    %get3A_216 = arith.constant 0 : index
    %get3A_217 = vector.load %arg1[%get3A_215, %get3A_216] : memref<256x512xf32, #tpu.memory_space<vmem>>, vector<256x512xf32>
    %dot_general3A_218 = arith.constant dense<0.000000e+00> : vector<256x512xf32>
    %dot_general3A_219 = tpu.matmul %get3A_214, %get3A_217, %dot_general3A_218 {dimension_numbers = #tpu.dot_dimension_numbers<[1], [0], [0], [1], [0, 0, 1, 1], [], []>, transpose_lhs_hint = false} : vector<256x256xf32>, vector<256x512xf32>, vector<256x512xf32> -> vector<256x512xf32>
    %reshape3A_220 = vector.shape_cast %dot_general3A_219 : vector<256x512xf32> to vector<4x64x512xf32>
    %iota3A = tpu.iota {dimensions = array<i32: 0>} : vector<512x8xi32>
    %jit3A_221 = arith.constant 64 : i32
    %div3A = vector.broadcast %jit3A_221 : i32 to vector<512x8xi32>
    %div3A_222 = arith.divsi %iota3A, %div3A : vector<512x8xi32>
    %sign3A = arith.constant 0 : i32
    %sign3A_223 = vector.broadcast %sign3A : i32 to vector<512x8xi32>
    %sign3A_224 = arith.cmpi sgt, %iota3A, %sign3A_223 : vector<512x8xi32>
    %sign3A_225 = arith.extui %sign3A_224 : vector<512x8xi1> to vector<512x8xi32>
    %sign3A_226 = arith.constant 0 : i32
    %sign3A_227 = vector.broadcast %sign3A_226 : i32 to vector<512x8xi32>
    %sign3A_228 = arith.cmpi slt, %iota3A, %sign3A_227 : vector<512x8xi32>
    %sign3A_229 = arith.extui %sign3A_228 : vector<512x8xi1> to vector<512x8xi32>
    %sign3A_230 = arith.subi %sign3A_225, %sign3A_229 : vector<512x8xi32>
    %sign3A_231 = arith.constant 0 : i32
    %sign3A_232 = arith.cmpi sgt, %jit3A_221, %sign3A_231 : i32
    %sign3A_233 = arith.extui %sign3A_232 : i1 to i32
    %sign3A_234 = arith.constant 0 : i32
    %sign3A_235 = arith.cmpi slt, %jit3A_221, %sign3A_234 : i32
    %sign3A_236 = arith.extui %sign3A_235 : i1 to i32
    %sign3A_237 = arith.subi %sign3A_233, %sign3A_236 : i32
    %ne3A = vector.broadcast %sign3A_237 : i32 to vector<512x8xi32>
    %ne3A_238 = arith.cmpi ne, %sign3A_230, %ne3A : vector<512x8xi32>
    %rem3A = vector.broadcast %jit3A_221 : i32 to vector<512x8xi32>
    %rem3A_239 = arith.remsi %iota3A, %rem3A : vector<512x8xi32>
    %ne3A_240 = arith.constant 0 : i32
    %ne3A_241 = vector.broadcast %ne3A_240 : i32 to vector<512x8xi32>
    %ne3A_242 = arith.cmpi ne, %rem3A_239, %ne3A_241 : vector<512x8xi32>
    %and3A = arith.andi %ne3A_238, %ne3A_242 : vector<512x8xi1>
    %sub3A = arith.constant 1 : i32
    %sub3A_243 = vector.broadcast %sub3A : i32 to vector<512x8xi32>
    %sub3A_244 = arith.subi %div3A_222, %sub3A_243 : vector<512x8xi32>
    %select_n3A_245 = arith.select %and3A, %sub3A_244, %div3A_222 : vector<512x8xi1>, vector<512x8xi32>
    %iota3A_246 = tpu.iota {dimensions = array<i32: 1>} : vector<512x8xi32>
    %eq3A_247 = arith.cmpi eq, %select_n3A_245, %iota3A_246 : vector<512x8xi32>
    %convert_element_type3A_248 = arith.extui %eq3A_247 : vector<512x8xi1> to vector<512x8xi32>
    %convert_element_type3A_249 = arith.sitofp %convert_element_type3A_248 : vector<512x8xi32> to vector<512x8xf32>
    %slice3A_250 = vector.extract_strided_slice %reshape3A_205 {offsets = [0, 0, 0], sizes = [4, 1, 512], strides = [1, 1, 1]} : vector<4x2x512xf32> to vector<4x1x512xf32>
    %squeeze3A_251 = vector.shape_cast %slice3A_250 : vector<4x1x512xf32> to vector<4x512xf32>
    %broadcast_in_dim3A_252 = vector.shape_cast %squeeze3A_251 : vector<4x512xf32> to vector<4x1x512xf32>
    %mul3A = vector.broadcast %broadcast_in_dim3A_252 : vector<4x1x512xf32> to vector<4x64x512xf32>
    %mul3A_253 = arith.mulf %reshape3A_220, %mul3A : vector<4x64x512xf32>
    %reshape3A_254 = vector.shape_cast %mul3A_253 : vector<4x64x512xf32> to vector<256x512xf32>
    %dot_general3A_255 = arith.constant dense<0.000000e+00> : vector<256x8xf32>
    %dot_general3A_256 = tpu.matmul %reshape3A_254, %convert_element_type3A_249, %dot_general3A_255 {dimension_numbers = #tpu.dot_dimension_numbers<[1], [0], [0], [1], [0, 0, 1, 1], [], []>, transpose_lhs_hint = false} : vector<256x512xf32>, vector<512x8xf32>, vector<256x8xf32> -> vector<256x8xf32>
    %mul3A_257 = arith.constant 1.250000e-01 : f32
    %mul3A_258 = vector.broadcast %mul3A_257 : f32 to vector<256x8xf32>
    %mul3A_259 = arith.mulf %dot_general3A_256, %mul3A_258 : vector<256x8xf32>
    %slice3A_260 = vector.extract_strided_slice %reshape3A_205 {offsets = [0, 1, 0], sizes = [4, 1, 512], strides = [1, 1, 1]} : vector<4x2x512xf32> to vector<4x1x512xf32>
    %squeeze3A_261 = vector.shape_cast %slice3A_260 : vector<4x1x512xf32> to vector<4x512xf32>
    %broadcast_in_dim3A_262 = vector.shape_cast %squeeze3A_261 : vector<4x512xf32> to vector<4x1x512xf32>
    %mul3A_263 = vector.broadcast %broadcast_in_dim3A_262 : vector<4x1x512xf32> to vector<4x64x512xf32>
    %mul3A_264 = arith.mulf %reshape3A_220, %mul3A_263 : vector<4x64x512xf32>
    %reshape3A_265 = vector.shape_cast %mul3A_264 : vector<4x64x512xf32> to vector<256x512xf32>
    %dot_general3A_266 = arith.constant dense<0.000000e+00> : vector<256x8xf32>
    %dot_general3A_267 = tpu.matmul %reshape3A_265, %convert_element_type3A_249, %dot_general3A_266 {dimension_numbers = #tpu.dot_dimension_numbers<[1], [0], [0], [1], [0, 0, 1, 1], [], []>, transpose_lhs_hint = false} : vector<256x512xf32>, vector<512x8xf32>, vector<256x8xf32> -> vector<256x8xf32>
    %mul3A_268 = arith.constant 1.250000e-01 : f32
    %mul3A_269 = vector.broadcast %mul3A_268 : f32 to vector<256x8xf32>
    %mul3A_270 = arith.mulf %dot_general3A_267, %mul3A_269 : vector<256x8xf32>
    %max3A = arith.maximumf %mul3A_259, %mul3A_270 : vector<256x8xf32>
    %sub3A_271 = arith.subf %mul3A_259, %max3A : vector<256x8xf32>
    %exp3A = math.exp %sub3A_271 : vector<256x8xf32>
    %sub3A_272 = arith.subf %mul3A_270, %max3A : vector<256x8xf32>
    %exp3A_273 = math.exp %sub3A_272 : vector<256x8xf32>
    %add3A = arith.addf %exp3A, %exp3A_273 : vector<256x8xf32>
    %div3A_274 = arith.divf %exp3A, %add3A : vector<256x8xf32>
    %transpose3A = tpu.transpose %convert_element_type3A_249, [1, 0] : vector<512x8xf32> -> vector<8x512xf32>
    %dot_general3A_275 = arith.constant dense<0.000000e+00> : vector<256x512xf32>
    %dot_general3A_276 = tpu.matmul %div3A_274, %transpose3A, %dot_general3A_275 {dimension_numbers = #tpu.dot_dimension_numbers<[1], [0], [0], [1], [0, 0, 1, 1], [], []>, transpose_lhs_hint = false} : vector<256x8xf32>, vector<8x512xf32>, vector<256x512xf32> -> vector<256x512xf32>
    %reshape3A_277 = vector.shape_cast %dot_general3A_276 : vector<256x512xf32> to vector<4x64x512xf32>
    %div3A_278 = arith.divf %exp3A_273, %add3A : vector<256x8xf32>
    %transpose3A_279 = tpu.transpose %convert_element_type3A_249, [1, 0] : vector<512x8xf32> -> vector<8x512xf32>
    %dot_general3A_280 = arith.constant dense<0.000000e+00> : vector<256x512xf32>
    %dot_general3A_281 = tpu.matmul %div3A_278, %transpose3A_279, %dot_general3A_280 {dimension_numbers = #tpu.dot_dimension_numbers<[1], [0], [0], [1], [0, 0, 1, 1], [], []>, transpose_lhs_hint = false} : vector<256x8xf32>, vector<8x512xf32>, vector<256x512xf32> -> vector<256x512xf32>
    %reshape3A_282 = vector.shape_cast %dot_general3A_281 : vector<256x512xf32> to vector<4x64x512xf32>
    %slice3A_283 = vector.extract_strided_slice %reshape3A_211 {offsets = [0, 0, 0], sizes = [4, 1, 512], strides = [1, 1, 1]} : vector<4x2x512xf32> to vector<4x1x512xf32>
    %squeeze3A_284 = vector.shape_cast %slice3A_283 : vector<4x1x512xf32> to vector<4x512xf32>
    %broadcast_in_dim3A_285 = vector.shape_cast %squeeze3A_284 : vector<4x512xf32> to vector<4x1x512xf32>
    %mul3A_286 = vector.broadcast %broadcast_in_dim3A_285 : vector<4x1x512xf32> to vector<4x64x512xf32>
    %mul3A_287 = arith.mulf %reshape3A_277, %mul3A_286 : vector<4x64x512xf32>
    %slice3A_288 = vector.extract_strided_slice %reshape3A_211 {offsets = [0, 1, 0], sizes = [4, 1, 512], strides = [1, 1, 1]} : vector<4x2x512xf32> to vector<4x1x512xf32>
    %squeeze3A_289 = vector.shape_cast %slice3A_288 : vector<4x1x512xf32> to vector<4x512xf32>
    %broadcast_in_dim3A_290 = vector.shape_cast %squeeze3A_289 : vector<4x512xf32> to vector<4x1x512xf32>
    %mul3A_291 = vector.broadcast %broadcast_in_dim3A_290 : vector<4x1x512xf32> to vector<4x64x512xf32>
    %mul3A_292 = arith.mulf %reshape3A_282, %mul3A_291 : vector<4x64x512xf32>
    %add3A_293 = arith.addf %mul3A_287, %mul3A_292 : vector<4x64x512xf32>
    %reshape3A_294 = vector.shape_cast %add3A_293 : vector<4x64x512xf32> to vector<256x512xf32>
    %get3A_295 = arith.constant 0 : index
    %get3A_296 = arith.constant 0 : index
    %get3A_297 = vector.load %arg7[%get3A_295, %get3A_296] : memref<512x256xf32, #tpu.memory_space<vmem>>, vector<512x256xf32>
    %dot_general3A_298 = arith.constant dense<0.000000e+00> : vector<256x256xf32>
    %dot_general3A_299 = tpu.matmul %reshape3A_294, %get3A_297, %dot_general3A_298 {dimension_numbers = #tpu.dot_dimension_numbers<[1], [0], [0], [1], [0, 0, 1, 1], [], []>, transpose_lhs_hint = false} : vector<256x512xf32>, vector<512x256xf32>, vector<256x256xf32> -> vector<256x256xf32>
    %get3A_300 = arith.constant 0 : index
    %get3A_301 = arith.constant 0 : index
    %get3A_302 = vector.load %arg8[%get3A_300, %get3A_301] : memref<1x256xf32, #tpu.memory_space<vmem>>, vector<1x256xf32>
    %add3A_303 = vector.broadcast %get3A_302 : vector<1x256xf32> to vector<256x256xf32>
    %add3A_304 = arith.addf %dot_general3A_299, %add3A_303 : vector<256x256xf32>
    %swap3A = arith.constant 0 : index
    %swap3A_305 = arith.constant 0 : index
    %swap3A_306 = vector.load %arg9[%swap3A, %swap3A_305] : memref<256x256xf32, #tpu.memory_space<vmem>>, vector<256x256xf32>
    tpu.vector_store %arg9[%swap3A, %swap3A_305], %add3A_304 {strides = array<i32>} : memref<256x256xf32, #tpu.memory_space<vmem>>, vector<256x256xf32>,
    return
  }
}

</mosaic_0001>

<sc_bundles>
// kernel: kernel.5.cloned.1.call-start
scs
__scs_entry_jumppad:
0x0: {  	(pc) =	sbr.rel $0x88, $3  }
0x1: {  	(tag) =	ssettag $0x0;
	lr =	simm.s32 $0x1  }
0x2: {  	[smem:$0x3F99] =	sst lr;
	_ =	strace $0xD0000000  }
0x3: {  	_ = 	snop  }
0x4: {  	_ = 	snop  }
0x5: {  	_ = 	snop  }
0x6: {  	_ = 	snop  }
0x7: {  	_ = 	snop  }
__scs_overlays_trampoline_lowered:
0x8: {  	[smem:$0x3FA8] =	sst s0  }
0x9: {  	[smem:$0x3FA9] =	sst s1  }
0xa: {  	[smem:$0x3FAA] =	sst s2  }
0xb: {  	[smem:$0x3FAB] =	sst s3  }
0xc: {  	[smem:$0x3FAC] =	sst s4  }
0xd: {  	[smem:$0x3FAD] =	sst s5  }
0xe: {  	[smem:$0x3FAE] =	sst s6  }
0xf: {  	[smem:$0x3FAF] =	sst s7  }
0x10: {  	[smem:$0x3FB0] =	sst s8  }
0x11: {  	[smem:$0x3FB1] =	sst s9;
	s0 =	simm.s32 @!p0 $0x0  }
0x12: {  	s1 =	sld [smem:$0x3F97];
	s0 =	simm.s32 @p0 $0x1  }
0x13: {  	[smem:$0x3FB2] =	sst s0;
	s0 =	simm.s32 @!p1 $0x0  }
0x14: {  	s2 =	sld [smem:$0x3F96];
	s0 =	simm.s32 @p1 $0x1  }
0x15: {  	[smem:$0x3FB3] =	sst s0;
	s0 =	simm.s32 @!p2 $0x0  }
0x16: {  	s3 =	sld [smem:$0x3FDB];
	s0 =	simm.s32 @p2 $0x1  }
0x17: {  	s4 =	simm.s32 $0x1BF5;
	[smem:$0x3FB5] =	sst s0  }
0x18: {  	s0 =	sld [smem:$0x3F98];
	_ =	swait.ge [sflag:s4], $0x0  }
0x19: {  	s7 =	sld [smem:$0x3F99]  }
0x1a: {  	s8 =	sadd.s32 $0xFFFFE003, lr  }
0x1b: {  	s9 =	sadd.s32 $0xFFFFFEF7, lr;
	s5 =	simm.s32 $0xFFFFFFFF;
	p2 =	slt.u32 s8, $0xFFFFF086  }
0x1c: {  	p1 =	slt.u32 s9, $0xF7A;
	s5 =	simm.s32 @!p2 $0x0  }
0x1d: {  	s5 =	simm.s32 @p1 $0x1;
	p0 =	seq.s32 s7, s2  }
0x1e: {  	s7 =	smul.u32 @!p0 $0xF7A, s2;
	p2 =	seq.s32 @!p0 s5, $0x0  }
0x1f: {  	s9 =	smul.u32 $0xF7A, s1;
	s8 =	simm.s32 @!p0 $0x1BF5;
	p2 =	por !p2, p0  }
0x20: {  	[sflag:s8] =	ssyncset.s32 @!p0 $0xFFFFF086;
	s6 =	sadd.s32 @!p0 s3, s7;
	s7 =	simm.s32 @!p0 $0x108  }
0x21: {  	s3 =	sadd.s32 s3, s9;
	s6 =	sadd.s32 @!p0 $0x88, s6;
	s7 =	simm.s32 @p2 $0x1082  }
0x22: {  	[simem:s7], [sflag:s8] =	dma.local @!p0 [hbm:s6], $0xF7A  }
0x23: {  	s9 =	sor.u32 $0xD0000000, s2;
	s6 =	simm.s32 $0x108;
	_ =	swait.ge @!p0 [sflag:s8], $0x0  }
0x24: {  	s3 =	sadd.s32 $0x88, s3;
	s6 =	simm.s32 @!p1 $0x1082;
	[sflag:s4] =	ssyncset.s32 $0xFFFFF086  }
0x25: {  	[simem:s6], [sflag:s4] =	dma.local [hbm:s3], $0xF7A  }
0x26: {  	[smem:$0x3F99] =	sst s1;
	(tag) =	ssettag s2;
	_ =	strace s9  }
0x27: {  	s1 =	sld [smem:$0x3FA9]  }
0x28: {  	s2 =	sld [smem:$0x3FAA]  }
0x29: {  	s4 =	sld [smem:$0x3FAC]  }
0x2a: {  	p0 =	seq.s32 s5, $0x0;
	s5 =	sld [smem:$0x3FAD]  }
0x2b: {  	s6 =	sld [smem:$0x3FAE]  }
0x2c: {  	s7 =	sld [smem:$0x3FAF]  }
0x2d: {  	s3 =	simm.s32 $0x108;
	s8 =	sld [smem:$0x3FB0]  }
0x2e: {  	s3 =	simm.s32 @!p0 $0x1082;
	s9 =	sld [smem:$0x3FB1]  }
0x2f: {  	lr =	sadd.s32 s0, s3;
	s0 =	sld [smem:$0x3FA8]  }
0x30: {  	s3 =	sld [smem:$0x3FAB]  }
0x31: {  	[smem:$0x3FB4] =	sst s10  }
0x32: {  	s10 =	sld [smem:$0x3FB2];
	_ =	sdelay $0x3  }
0x33: {  	p0 =	seq.s32 s10, $0x1;
	s10 =	sld [smem:$0x3FB4];
	_ =	sdelay $0x3  }
0x34: {  	[smem:$0x3FB4] =	sst s10  }
0x35: {  	s10 =	sld [smem:$0x3FB3];
	_ =	sdelay $0x3  }
0x36: {  	p1 =	seq.s32 s10, $0x1;
	s10 =	sld [smem:$0x3FB4];
	_ =	sdelay $0x3  }
0x37: {  	[smem:$0x3FB4] =	sst s10  }
0x38: {  	s10 =	sld [smem:$0x3FB5]  }
0x39: {  	_ = 	snop;
	(pc) =	sbr.ind lr, $3  }
0x3a: {  	_ = 	snop  }
0x3b: {  	_ = 	snop  }
0x3c: {  	p2 =	seq.s32 s10, $0x1;
	s10 =	sld [smem:$0x3FB4]  }
0x3d: {  	_ =	shalt  }
0x3e: {  	_ =	shalt  }
0x3f: {  	_ =	shalt  }
0x40: {  	_ =	shalt  }
0x41: {  	_ =	shalt  }
0x42: {  	_ =	shalt  }
0x43: {  	_ =	shalt  }
0x44: {  	_ =	shalt  }
0x45: {  	_ =	shalt  }
0x46: {  	_ =	shalt  }
0x47: {  	_ =	shalt  }
0x48: {  	_ =	shalt  }
0x49: {  	_ =	shalt  }
0x4a: {  	_ =	shalt  }
0x4b: {  	_ =	shalt  }
0x4c: {  	_ =	shalt  }
0x4d: {  	_ =	shalt  }
0x4e: {  	_ =	shalt  }
0x4f: {  	_ =	shalt  }
0x50: {  	_ =	shalt  }
0x51: {  	_ =	shalt  }
0x52: {  	_ =	shalt  }
0x53: {  	_ =	shalt  }
0x54: {  	_ =	shalt  }
0x55: {  	_ =	shalt  }
0x56: {  	_ =	shalt  }
0x57: {  	_ =	shalt  }
0x58: {  	_ =	shalt  }
0x59: {  	_ =	shalt  }
0x5a: {  	_ =	shalt  }
0x5b: {  	_ =	shalt  }
0x5c: {  	_ =	shalt  }
0x5d: {  	_ =	shalt  }
0x5e: {  	_ =	shalt  }
0x5f: {  	_ =	shalt  }
0x60: {  	_ =	shalt  }
0x61: {  	_ =	shalt  }
0x62: {  	_ =	shalt  }
0x63: {  	_ =	shalt  }
0x64: {  	_ =	shalt  }
0x65: {  	_ =	shalt  }
0x66: {  	_ =	shalt  }
0x67: {  	_ =	shalt  }
0x68: {  	_ =	shalt  }
0x69: {  	_ =	shalt  }
0x6a: {  	_ =	shalt  }
0x6b: {  	_ =	shalt  }
0x6c: {  	_ =	shalt  }
0x6d: {  	_ =	shalt  }
0x6e: {  	_ =	shalt  }
0x6f: {  	_ =	shalt  }
0x70: {  	_ =	shalt  }
0x71: {  	_ =	shalt  }
0x72: {  	_ =	shalt  }
0x73: {  	_ =	shalt  }
0x74: {  	_ =	shalt  }
0x75: {  	_ =	shalt  }
0x76: {  	_ =	shalt  }
0x77: {  	_ =	shalt  }
0x78: {  	_ =	shalt  }
0x79: {  	_ =	shalt  }
0x7a: {  	_ =	shalt  }
0x7b: {  	_ =	shalt  }
0x7c: {  	_ =	shalt  }
0x7d: {  	_ =	shalt  }
0x7e: {  	_ =	shalt  }
0x7f: {  	_ =	shalt  }
0x80: {  	_ =	shalt  }
0x81: {  	_ =	shalt  }
0x82: {  	_ =	shalt  }
0x83: {  	_ =	shalt  }
0x84: {  	_ =	shalt  }
0x85: {  	_ =	shalt  }
0x86: {  	_ =	shalt  }
0x87: {  	_ =	shalt  }
.Lfunc_end0:
.L_simem_size_0:
called_computation_lowered:
.L_overlay_start_0:
0x88: {  	s2 =	sld [smem:$0x3FD9]  }
0x89: {  	s3 =	sld [smem:$0x3FFE];
	_ =	sdelay $0x1  }
0x8a: {  	s1 =	srdreg.scid  }
0x8b: {  	s0 =	sand.u32 $0x1, s1  }
0x8c: {  	s17 =	sshll.u32 s0, $0xA;
	s2 =	sadd.s32 s3, s2  }
0x8d: {  	s2 =	sadd.s32 s2, s17  }
0x8e: {  	[smem:$0x3FC0] =	sst s2  }
0x8f: {  	_ = 	snop  }
0x90: {  	s2 =	sld [smem:$0x3FC8]  }
0x91: {  	s18 =	sld [smem:$0x3FD0];
	(tm) =	ssettm $0x1  }
0x92: {  	s4 =	sld [smem:$0x3FFB];
	_ =	sdelay $0x3  }
0x93: {  	_ =	strace s4  }
0x94: {  	s4 =	sld [smem:$0x3FFC];
	_ =	sdelay $0x3  }
0x95: {  	_ =	strace s4  }
0x96: {  	s4 =	sld [smem:$0x3FFD];
	_ =	sdelay $0x3  }
0x97: {  	_ =	strace s4  }
0x98: {  	_ =	strace $0x8FFFFFFF  }
0x99: {  	s19 =	sld [smem:$0x3FDB];
	_ =	sdelay $0x1  }
0x9a: {  	s5 =	simm.s32 $_scs_section_size  }
0x9b: {  	s6 =	simm.s32 $_size__tile_overlayer_lowered;
	s7 =	simm.s32 $_tile_overlayer_lowered  }
0x9c: {  	s22 =	simm.s32 $0x1BFF;
	s21 =	sshll.u32 s7, $0x1;
	s4 =	sadd.s32 s5, s19  }
0x9d: {  	s8 =	simm.s32 $0x0;
	s20 =	sshll.u32 s6, $0x1;
	s6 =	sadd.s32 s21, s4  }
0x9e: {  	[timem:s8], [sflag:s22] =	dma.local [hbm:s6], s20  }
0x9f: {  	_ =	swait.ge [sflag:s22], s20  }
0xa0: {  	s5 =	ssub.s32 $0x0, s20;
	[sflag:s22] =	ssyncset.done $0x0  }
0xa1: {  	[sflag:s22] =	ssyncadd.s32 s5;
	_ =	sdelay $0x1  }
0xa2: {  	s23 =	simm.s32 $0x1B8B  }
0xa3: {  	_ =	swait.ge [sflag:s23], $0x1  }
0xa4: {  	[sflag:s23] =	ssyncset.done $0x0  }
0xa5: {  	s25 =	simm.s32 $0x1B8E;
	s24 =	sld [smem:$0x3FFE];
	[sflag:s23] =	ssyncadd.s32 $0xFFFFFFFF  }
0xa6: {  	s26 =	simm.s32 $execute0_lowered;
	[smem:$0x3FD2] =	sst s25  }
0xa7: {  	s6 =	sshll.u32 s26, $0x1;
	_ =	strace $0x80000046;
	[dreg:$0x1] =	wrdreg $0xFFFFFFFF  }
0xa8: {  	s28 =	simm.s32 $_size_execute0_lowered;
	s4 =	sadd.s32 s4, s6;
	[dreg:$0x0] =	wrdreg $0x0  }
0xa9: {  	s6 =	sshll.u32 s28, $0x1;
	[dreg:$0x2] =	wrdreg s4  }
0xaa: {  	[dreg:$0x3] =	wrdreg s6  }
0xab: {  	[dreg:$0x4] =	wrdreg $0xC0  }
0xac: {  	_ =	task [dreg:s8], $0x5FFFF  }
0xad: {  	[dreg:$0x1] =	wrdreg $0xFFFFFFFF  }
0xae: {  	[dreg:$0x0] =	wrdreg $0x60  }
0xaf: {  	[dreg:$0x2] =	wrdreg s2  }
0xb0: {  	[dreg:$0x3] =	wrdreg s24  }
0xb1: {  	[dreg:$0x4] =	wrdreg s18  }
0xb2: {  	[dreg:$0x5] =	wrdreg $0x9  }
0xb3: {  	_ =	task.clear_ibuf [dreg:s8], $0x6FFFF;
	_ =	strace $0x90000046  }
0xb4: {  	s29 =	simm.s32 $0x9;
	_ =	strace $0x80000048  }
0xb5: {  	_ =	swait.ge [sflag:s29], $0x1  }
0xb6: {  	[sflag:s29] =	ssyncadd.s32 $0xFFFFFFFF  }
0xb7: {  	_ =	strace $0x90000048  }
0xb8: {  	_ =	sfence  }
0xb9: {  	s30 =	sld [smem:$0x0];
	_ =	sdelay $0x2  }
0xba: {  	s31 =	sshll.u32 s1, $0xD;
	s1 =	sshrl.u32 s1, $0x2  }
0xbb: {  	s3 =	sand.u32 $0x4000, s31;
	s1 =	sadd.s32 s1, s30  }
0xbc: {  	s0 =	sor.u32 s3, s0;
	s1 =	sshll.u32 s1, $0x11  }
0xbd: {  	s0 =	sor.u32 s1, s0  }
0xbe: {  	s0 =	sadd.s32 $0x8F2B, s0  }
0xbf: {  	[sflag:s0] =	ssyncadd.remote.s32 $0x1  }
0xc0: {  	_ =	sfence.sel $0xFFFF  }
0xc1: {  	[dreg:$0x0] =	wrdreg $0xFFFFFFFF;
	(pc) =	sbr.abs _section_cstart, $3  }
0xc2: {  	[dreg:$0x1] =	wrdreg $0xFFFFFFFF  }
0xc3: {  	_ =	task.clear_ibuf [dreg:s8], $0x2FFFF;
	_ =	strace $0x9FFFFFFF  }
0xc4: {  	(tm) =	ssettm $0x7FFFFFFF  }
0xc5: {  	_ =	shalt  }
tec
execute0_lowered:
.L_overlay_start_1:
0x0: {  	(tag) =	ssettag $0x1  }
0x1: {  	s1 =	rddreg [dreg:$0x0];
	s4 =	stileid.u32  }
0x2: {  	s0 =	srdreg.scid;
	s2 =	rddreg [dreg:$0x1]  }
0x3: {  	s8 =	rddreg [dreg:$0x2];
	s17 =	simm.s32 $0x13500;
	s18 =	simm.s32 $0x4  }
0x4: {  	s19 =	simm.s32 $0x40;
	s20 =	simm.s32 $0x80;
	s21 =	simm.s32 $0x8000  }
0x5: {  	s22 =	simm.s32 $0x10000;
	s23 =	simm.s32 $0x1;
	s24 =	simm.s32 $0x2  }
0x6: {  	s25 =	simm.s32 $0x3;
	s0 =	sand.u32 $0x1, s0;
	s3 =	sshll.u32 s4, $0x1  }
0x7: {  	s29 =	simm.s32 $0x0;
	s9 =	sshrl.u32 s4, $0x2;
	s6 =	sor.u32 s0, s3  }
0x8: {  	s3 =	simm.s32 $0x0;
	s5 =	smul.u32 $0xC35000, s9;
	s9 =	sshll.u32 s9, $0x3  }
0x9: {  	s0 =	ssub.s32 $0x2, s0;
	s7 =	sand.u32 $0x7, s6;
	[smem:$0x7FF] =	sst s3  }
0xa: {  	s14 =	sshll.u32 s6, $0x4;
	s9 =	sadd.s32 s9, s2;
	s4 =	smul.u32 $0x30D4, s7  }
0xb: {  	s11 =	sshrl.u32 s0, $0x1;
	_ =	strace $0x80000047;
	s7 =	smul.u32 $0x186A00, s7  }
0xc: {  	s2 =	sadd.s32 s14, s2;
	s0 =	ssub.s32 s0, s11;
	s9 =	sadd.s32 $0x1C00, s9  }
0xd: {  	s14 =	sadd.s32 s8, s14;
	s6 =	sadd.s32 $0x3000, s4;
	s7 =	sadd.s32 s5, s7  }
0xe: {  	[dreg:$0x4] =	wrdreg s9;
	s10 =	sshll.u32 s6, $0x7;
	s7 =	sshrl.u32 s7, $0x3  }
0xf: {  	s15 =	sadd.s32 $0x1E00, s2;
	s10 =	sadd.s32 s5, s10;
	s7 =	sadd.s32 s1, s7  }
0x10: {  	s16 =	smax.u32 s0, $0x1;
	s10 =	sshrl.u32 s10, $0x3;
	s30 =	sadd.s32 $0x2000, s7  }
0x11: {  	v0 =	vlaneseq.u32;
	s11 =	sadd.s32 $0x400, s4;
	[dreg:$0x5] =	wrdreg s30;
	s31 =	sadd.s32 s1, s10  }
0x12: {  	v1 =	vand.u32 $0x7, v0;
	s12 =	sadd.s32 $0x200, s4;
	s13 =	sadd.s32 $0x600, s4;
	[dreg:$0x6] =	wrdreg s31  }
.LBB2_1:
0x13: {  	s0 =	rddreg [dreg:$0x4]  }
0x14: {  	[tilespmem:s17], [sflag:$0x4] =	stream.linear.gather [hbm4b:s0+s3], $0x40, $0x38;
	[tilespmem:$0x13640] =	vst v63  }
0x15: {  	_ =	swait.ge [sflag:s18], $0x40  }
0x16: {  	[sflag:s18] =	ssyncset.done $0x0  }
0x17: {  	v47 =	vimm.f32 $+Inf;
	[sflag:s18] =	ssyncadd.s32 $0xFFFFFFC0  }
0x18: {  	v46 =	vimm.s32 $0x0;
	v40 =	vimm.s32 $0x0;
	v43 =	vimm.f32 $+Inf;
	[tilespmem:s3], [sflag:$0x1] =	stream.strided.gather [hbm4b:s7+s19], $0x8000, s20, s19, $0x38;
	[tilespmem:$0x13640] =	vst v63  }
0x19: {  	v14 =	vimm.s32 $0x0;
	v39 =	vimm.f32 $+Inf;
	v41 =	vimm.s32 $0x0;
	s28 =	rddreg [dreg:$0x5]  }
0x1a: {  	v45 =	vimm.f32 $+Inf;
	v42 =	vimm.s32 $0x0;
	v44 =	vimm.f32 $+Inf;
	[tilespmem:s21], [sflag:$0x2] =	stream.strided.gather [hbm4b:s28+s19], $0x8000, s20, s19, $0x38;
	[tilespmem:$0x13640] =	vst v63  }
0x1b: {  	v48 =	vimm.s32 $0x0;
	v51 =	vimm.f32 $+Inf;
	v49 =	vimm.s32 $0x0;
	s30 =	simm.s32 $0x0;
	s31 =	rddreg [dreg:$0x6]  }
0x1c: {  	v50 =	vimm.f32 $+Inf;
	v52 =	vimm.s32 $0x0;
	v17 =	vimm.f32 $+Inf;
	[tilespmem:s22], [sflag:$0x3] =	stream.strided.gather [hbm4b:s31+s19], $0x3500, s20, s19, $0x38;
	[tilespmem:$0x13640] =	vst v63  }
.LBB2_2:
0x1d: {  	s31 =	sshll.u32 s30, $0xA  }
0x1e: {  	_ =	swait.ge [sflag:s23], $0x8000;
	s0 =	sadd.s32 s4, s31  }
0x1f: {  	[sflag:s23] =	ssyncset.done $0x0;
	v2 =	vmov s0  }
0x20: {  	s2 =	simm.s32 $0x0;
	[sflag:s23] =	ssyncadd.s32 $0xFFFF8000;
	[tilespmem:$0x1FFF0] =	vst v2  }
.LBB2_3:
0x21: {  	s26 =	simm.s32 $0x0;
	s28 =	simm.s32 $0x2  }
0x22: {  	s0 =	sshll.u32 s2, $0x6;
	v20 =	vadd.s32 s26, v0;
	v36 =	vadd.s32 s28, v0  }
0x23: {  	s10 =	simm.s32 $0x1;
	v3 =	vor.u32 s0, v0;
	v31 =	vand.u32 $0x38, v20;
	v36 =	vand.u32 $0x3F, v36  }
0x24: {  	v22 =	vadd.s32 s10, v0;
	v23 =	vshll.u32 v3, $0x6;
	v7 =	vor.u32 v1, v31  }
0x25: {  	s10 =	simm.s32 $0x5;
	v34 =	vand.u32 $0x3F, v22;
	v62 =	vor.u32 v23, v36  }
0x26: {  	s26 =	simm.s32 $0x3;
	v61 =	vadd.s32 s10, v0;
	v63 =	vor.u32 v23, v34  }
0x27: {  	[tilespmem:$0x1FF30] =	vst v46;
	s8 =	sor.u32 $0x20, s0;
	v22 =	vadd.s32 s26, v0;
	v24 =	vor.u32 v1, v23;
	v46 =	vand.u32 $0x3F, v61  }
0x28: {  	[tilespmem:$0x1FF50] =	vst v44;
	v2 =	vor.u32 s8, v0;
	v35 =	vand.u32 $0x3F, v22;
	v30 =	vor.u32 v24, v31;
	v44 =	vld.idx.msk [tilespmem:v36+s17+$0x0], $0xffff  }
0x29: {  	[tilespmem:$0x1FF20] =	vst v47;
	v25 =	vshll.u32 v2, $0x6;
	v37 =	vor.u32 v23, v35;
	v47 =	vld.idx.msk [tilespmem:v7+s17+$0x0], $0xffff  }
0x2a: {  	[tilespmem:$0x1FF40] =	vst v45;
	s26 =	simm.s32 $0x6;
	v9 =	vor.u32 v25, v35;
	v45 =	vld.idx.msk [tilespmem:v62+s3+$0x0], $0xffff  }
0x2b: {  	[tilespmem:$0x1FED0] =	vst v52;
	v5 =	vadd.s32 s26, v0;
	v4 =	vor.u32 v25, v46;
	v52 =	vld.idx.msk [tilespmem:v63+s3+$0x0], $0xffff  }
0x2c: {  	[tilespmem:$0x1FF90] =	vst v40;
	s9 =	sor.u32 $0x30, s0;
	v26 =	vor.u32 v1, v25;
	v40 =	vand.u32 $0x3F, v5;
	v22 =	vld.idx.msk [tilespmem:v46+s17+$0x0], $0xffff  }
0x2d: {  	[tilespmem:$0x1FFC0] =	vst v2;
	v2 =	vor.u32 s9, v0;
	s9 =	simm.s32 $0x4;
	v32 =	vor.u32 v26, v31;
	v38 =	vld.idx.msk [tilespmem:v30+s3+$0x0], $0xffff  }
0x2e: {  	[tilespmem:$0x1FF70] =	vst v42;
	v10 =	vadd.s32 s9, v0;
	v37 =	vld.idx.msk [tilespmem:v37+s3+$0x0], $0xffff  }
0x2f: {  	[tilespmem:$0x1FF80] =	vst v41;
	s0 =	sor.u32 $0x10, s0;
	v42 =	vand.u32 $0x3F, v10;
	v41 =	vld.idx.msk [tilespmem:v9+s3+$0x0], $0xffff  }
0x30: {  	[tilespmem:$0x1FFD0] =	vst v2;
	v27 =	vshll.u32 v2, $0x6;
	v2 =	vor.u32 s0, v0;
	v12 =	vor.u32 v25, v40;
	v57 =	vld.idx.msk [tilespmem:v4+s3+$0x0], $0xffff  }
0x31: {  	v29 =	vshll.u32 v2, $0x6;
	v5 =	vor.u32 v27, v36;
	v60 =	vld.idx.msk [tilespmem:v40+s17+$0x0], $0xffff  }
0x32: {  	v28 =	vor.u32 v1, v27;
	v61 =	vor.u32 v27, v46;
	v30 =	vor.u32 v1, v29;
	v32 =	vld.idx.msk [tilespmem:v32+s3+$0x0], $0xffff  }
0x33: {  	[tilespmem:$0x1FEE0] =	vst v51;
	v33 =	vor.u32 v28, v31;
	v8 =	vor.u32 v30, v31;
	v31 =	vld.idx.msk [tilespmem:v34+s17+$0x0], $0xffff  }
0x34: {  	[tilespmem:$0x1FEF0] =	vst v50;
	v50 =	vld.idx.msk [tilespmem:v42+s17+$0x0], $0xffff  }
0x35: {  	[tilespmem:$0x1FF00] =	vst v49;
	v54 =	vor.u32 v29, v40;
	v12 =	vld.idx.msk [tilespmem:v12+s3+$0x0], $0xffff  }
0x36: {  	[tilespmem:$0x1FF10] =	vst v48;
	v6 =	vor.u32 v29, v35;
	v5 =	vld.idx.msk [tilespmem:v5+s3+$0x0], $0xffff  }
0x37: {  	[tilespmem:$0x1FF60] =	vst v43;
	v7 =	vor.u32 v23, v46;
	v61 =	vld.idx.msk [tilespmem:v61+s3+$0x0], $0xffff  }
0x38: {  	[tilespmem:$0x1FFA0] =	vst v39;
	v53 =	vimm.f32 $0.0e+00;
	v11 =	vld.idx.msk [tilespmem:v33+s3+$0x0], $0xffff  }
0x39: {  	v58 =	vor.u32 v27, v35;
	v56 =	vor.u32 v29, v46;
	v63 =	vor.u32 v29, v36;
	v33 =	vld.idx.msk [tilespmem:v35+s17+$0x0], $0xffff  }
0x3a: {  	v59 =	vor.u32 v29, v34;
	v55 =	vor.u32 v29, v42;
	v4 =	vor.u32 v25, v42;
	v54 =	vld.idx.msk [tilespmem:v54+s3+$0x0], $0xffff  }
0x3b: {  	v62 =	vor.u32 v23, v40;
	v36 =	vor.u32 v25, v36;
	v40 =	vor.u32 v27, v40;
	v49 =	vld.idx.msk [tilespmem:v6+s3+$0x0], $0xffff  }
0x3c: {  	v35 =	vor.u32 v23, v42;
	v51 =	vld.idx.msk [tilespmem:v7+s3+$0x0], $0xffff;
	v45 =	vsub.f32 v45, v44;
	v38 =	vsub.f32 v38, v47  }
0x3d: {  	v48 =	vld.idx.msk [tilespmem:v8+s3+$0x0], $0xffff;
	v8 =	vor.u32 v27, v34;
	v32 =	vsub.f32 v32, v47;
	v9 =	vsub.f32 v52, v31  }
0x3e: {  	v63 =	vld.idx.msk [tilespmem:v63+s3+$0x0], $0xffff;
	v34 =	vor.u32 v25, v34;
	v5 =	vsub.f32 v5, v44;
	v43 =	vsub.f32 v11, v47  }
0x3f: {  	v4 =	vld.idx.msk [tilespmem:v4+s3+$0x0], $0xffff;
	v38 =	vmul.f32 v38, v38;
	v37 =	vsub.f32 v37, v33;
	v39 =	vsub.f32 v54, v60  }
0x40: {  	v11 =	vld.idx.msk [tilespmem:v55+s3+$0x0], $0xffff;
	v55 =	vor.u32 v27, v42;
	v20 =	vsub.f32 v49, v33;
	v49 =	vsub.f32 v12, v60  }
0x41: {  	v62 =	vld.idx.msk [tilespmem:v62+s3+$0x0], $0xffff;
	v41 =	vsub.f32 v41, v33;
	v32 =	vmul.f32 v32, v32;
	v19 =	vmul.f32 v9, v9  }
0x42: {  	v35 =	vld.idx.msk [tilespmem:v35+s3+$0x0], $0xffff;
	v9 =	vmul.f32 v45, v45;
	v43 =	vmul.f32 v43, v43;
	v38 =	vadd.f32 v38, v53  }
0x43: {  	s28 =	simm.s32 $0x7;
	v45 =	vld.idx.msk [tilespmem:v40+s3+$0x0], $0xffff;
	v37 =	vmul.f32 v37, v37;
	v63 =	vsub.f32 v63, v44;
	v42 =	vadd.f32 v32, v53  }
0x44: {  	v4 =	vsub.f32 v4, v50;
	v10 =	vld.idx.msk [tilespmem:v8+s3+$0x0], $0xffff;
	v8 =	vadd.s32 s28, v0;
	v43 =	vadd.f32 v43, v53  }
0x45: {  	v19 =	vadd.f32 v19, v38;
	v38 =	vld.idx.msk [tilespmem:v36+s3+$0x0], $0xffff;
	v47 =	vsub.f32 v48, v47;
	v36 =	vmul.f32 v20, v20  }
0x46: {  	v52 =	vsub.f32 v11, v50;
	v54 =	vand.u32 $0x3F, v8;
	v11 =	vsub.f32 v62, v60  }
0x47: {  	v20 =	vld.idx.msk [tilespmem:v34+s3+$0x0], $0xffff;
	v48 =	vsub.f32 v35, v50;
	v40 =	vor.u32 v27, v54;
	v19 =	vadd.f32 v9, v19  }
0x48: {  	v62 =	vld.idx.msk [tilespmem:v55+s3+$0x0], $0xffff;
	v21 =	vor.u32 v23, v54;
	v12 =	vor.u32 v29, v54;
	v55 =	vor.u32 v25, v54  }
0x49: {  	[tilespmem:$0x1FFB0] =	vst v3;
	v34 =	vsub.f32 v45, v60;
	v32 =	vmul.f32 v52, v52;
	v35 =	vmul.f32 v11, v11  }
0x4a: {  	v7 =	vmul.f32 v48, v48;
	v48 =	vld.idx.msk [tilespmem:v58+s3+$0x0], $0xffff;
	v58 =	vsub.f32 v51, v22;
	v51 =	vsub.f32 v61, v22  }
0x4b: {  	v60 =	vld.idx.msk [tilespmem:v56+s3+$0x0], $0xffff;
	v19 =	vadd.f32 v37, v19;
	v37 =	vmul.f32 v47, v47;
	v34 =	vmul.f32 v34, v34  }
0x4c: {  	[tilespmem:$0x1FFE0] =	vst v2;
	v47 =	vmul.f32 v63, v63;
	v10 =	vsub.f32 v10, v31;
	v52 =	vsub.f32 v38, v44  }
0x4d: {  	v56 =	vld.idx.msk [tilespmem:v59+s3+$0x0], $0xffff;
	v38 =	vmul.f32 v4, v4;
	v44 =	vmul.f32 v41, v41;
	v20 =	vsub.f32 v20, v31  }
0x4e: {  	v46 =	vsub.f32 v62, v50;
	v50 =	vadd.f32 v37, v53;
	v37 =	vld.idx.msk [tilespmem:v54+s17+$0x0], $0xffff;
	v62 =	vmul.f32 v10, v10  }
0x4f: {  	v41 =	vsub.f32 v57, v22;
	v54 =	vmul.f32 v5, v5;
	v57 =	vadd.f32 v7, v19;
	v45 =	vld.idx.msk [tilespmem:v21+s3+$0x0], $0xffff  }
0x50: {  	s0 =	simm.s32 $0xF;
	v59 =	vsub.f32 v60, v22;
	v60 =	vmul.f32 v20, v20;
	v53 =	vadd.f32 v62, v43;
	v43 =	vld.idx.msk [tilespmem:v12+s3+$0x0], $0xffff  }
.LBB2_4:
0x51: {  	s8 =	sadd.s32 $0xFFFFFFF9, s0  }
0x52: {  	s28 =	sadd.s32 $0xFFFFFFFA, s0;
	s9 =	sadd.s32 $0xFFFFFFFB, s0;
	v4 =	vsub.f32 v48, v33;
	v48 =	vmul.f32 v59, v59;
	v39 =	vmul.f32 v39, v39;
	v5 =	vld.idx.msk [tilespmem:v55+s3+$0x0], $0xffff;
	s26 =	smov.u32 s0  }
0x53: {  	v7 =	vadd.s32 s8, v0;
	v10 =	vadd.s32 s28, v0;
	s10 =	sadd.s32 $0xFFFFFFFD, s26;
	s28 =	sadd.s32 $0xFFFFFFFF, s26;
	s8 =	sadd.s32 $0x8, s0;
	v12 =	vadd.f32 v60, v42  }
0x54: {  	p0 =	sne.s32 s0, $0x3F;
	v20 =	vsub.f32 v56, v31;
	v19 =	vadd.s32 s9, v0;
	v7 =	vand.u32 $0x38, v7  }
0x55: {  	v31 =	vmul.f32 v58, v58;
	v21 =	vor.u32 v1, v7;
	v22 =	vor.u32 v24, v7  }
0x56: {  	v55 =	vmul.f32 v41, v41;
	s0 =	sadd.s32 $0xFFFFFFFC, s26;
	v33 =	vor.u32 v26, v7;
	v42 =	vor.u32 v28, v7  }
0x57: {  	v56 =	vmul.f32 v49, v49;
	v10 =	vand.u32 $0x3F, v10;
	v41 =	vadd.s32 s0, v0  }
0x58: {  	v19 =	vand.u32 $0x3F, v19;
	v57 =	vadd.f32 v31, v57;
	v58 =	vand.u32 $0x3F, v41  }
0x59: {  	v52 =	vmul.f32 v52, v52;
	v59 =	vor.u32 v23, v58;
	v60 =	vor.u32 v25, v58;
	v40 =	vld.idx.msk [tilespmem:v40+s3+$0x0], $0xffff  }
0x5a: {  	v61 =	vadd.s32 s10, v0;
	s0 =	sadd.s32 $0xFFFFFFFE, s26;
	v7 =	vor.u32 v30, v7;
	v5 =	vsub.f32 v5, v37;
	v22 =	vld.idx.msk [tilespmem:v22+s3+$0x0], $0xffff  }
0x5b: {  	v62 =	vsub.f32 v45, v37;
	v49 =	vadd.s32 s0, v0;
	v41 =	vor.u32 v27, v58;
	v33 =	vld.idx.msk [tilespmem:v33+s3+$0x0], $0xffff  }
0x5c: {  	v63 =	vor.u32 v29, v58;
	v49 =	vand.u32 $0x3F, v49;
	v5 =	vmul.f32 v5, v5;
	v31 =	vld.idx.msk [tilespmem:v10+s17+$0x0], $0xffff  }
0x5d: {  	v53 =	vadd.f32 v54, v53;
	v9 =	vor.u32 v29, v49;
	v15 =	vor.u32 v25, v49;
	v42 =	vld.idx.msk [tilespmem:v42+s3+$0x0], $0xffff  }
0x5e: {  	v4 =	vmul.f32 v4, v4;
	v54 =	vld.idx.msk [tilespmem:v59+s3+$0x0], $0xffff;
	v59 =	vand.u32 $0x3F, v61;
	v61 =	vor.u32 v23, v49  }
0x5f: {  	v2 =	vmul.f32 v46, v46;
	v11 =	vor.u32 v23, v19;
	v45 =	vld.idx.msk [tilespmem:v19+s17+$0x0], $0xffff;
	v18 =	vor.u32 v23, v59  }
0x60: {  	v6 =	vor.u32 v23, v10;
	v46 =	vor.u32 v29, v10;
	v13 =	vor.u32 v27, v10;
	v21 =	vld.idx.msk [tilespmem:v21+s17+$0x0], $0xffff  }
0x61: {  	v20 =	vmul.f32 v20, v20;
	v12 =	vadd.f32 v52, v12;
	v52 =	vmul.f32 v51, v51;
	v7 =	vld.idx.msk [tilespmem:v7+s3+$0x0], $0xffff  }
0x62: {  	v4 =	vadd.f32 v4, v53;
	v10 =	vor.u32 v25, v10;
	v51 =	vld.idx.msk [tilespmem:v60+s3+$0x0], $0xffff;
	v60 =	vadd.s32 s28, v0  }
0x63: {  	v20 =	vadd.f32 v20, v50;
	v16 =	vor.u32 v27, v49;
	v53 =	vld.idx.msk [tilespmem:v59+s17+$0x0], $0xffff;
	v60 =	vand.u32 $0x3F, v60  }
0x64: {  	v50 =	vor.u32 v29, v19;
	v2 =	vadd.f32 v2, v4;
	v11 =	vld.idx.msk [tilespmem:v11+s3+$0x0], $0xffff;
	v3 =	vor.u32 v23, v60  }
0x65: {  	v20 =	vadd.f32 v47, v20;
	v8 =	vor.u32 v29, v60;
	v4 =	vld.idx.msk [tilespmem:v6+s3+$0x0], $0xffff;
	v6 =	vor.u32 v27, v19  }
0x66: {  	v12 =	vadd.f32 v44, v12;
	v47 =	vsub.f32 v33, v21;
	v19 =	vor.u32 v25, v19;
	v15 =	vld.idx.msk [tilespmem:v15+s3+$0x0], $0xffff  }
0x67: {  	v35 =	vadd.f32 v35, v57;
	v44 =	vmul.f32 v62, v62;
	v42 =	vsub.f32 v42, v21;
	v33 =	vld.idx.msk [tilespmem:v58+s17+$0x0], $0xffff  }
0x68: {  	v20 =	vadd.f32 v36, v20;
	v36 =	vsub.f32 v43, v37;
	v47 =	vmul.f32 v47, v47;
	v16 =	vld.idx.msk [tilespmem:v16+s3+$0x0], $0xffff  }
0x69: {  	v12 =	vadd.f32 v38, v12;
	v57 =	vor.u32 v27, v59;
	v43 =	vmul.f32 v42, v42;
	v58 =	vld.idx.msk [tilespmem:v60+s17+$0x0], $0xffff  }
0x6a: {  	v35 =	vadd.f32 v44, v35;
	v22 =	vsub.f32 v22, v21;
	v42 =	vor.u32 v29, v59;
	v38 =	vld.idx.msk [tilespmem:v63+s3+$0x0], $0xffff  }
0x6b: {  	v2 =	vadd.f32 v52, v2;
	v12 =	vadd.f32 v55, v12;
	v44 =	vor.u32 v25, v60;
	v61 =	vld.idx.msk [tilespmem:v61+s3+$0x0], $0xffff  }
0x6c: {  	v20 =	vadd.f32 v32, v20;
	v32 =	vsub.f32 v40, v37;
	v52 =	vor.u32 v25, v59;
	v9 =	vld.idx.msk [tilespmem:v9+s3+$0x0], $0xffff  }
0x6d: {  	v36 =	vmul.f32 v36, v36;
	v12 =	vadd.f32 v56, v12;
	v4 =	vsub.f32 v4, v31;
	v8 =	vld.idx.msk [tilespmem:v8+s3+$0x0], $0xffff  }
0x6e: {  	v20 =	vadd.f32 v48, v20;
	v37 =	vor.u32 v27, v60;
	v22 =	vmul.f32 v22, v22;
	v13 =	vld.idx.msk [tilespmem:v13+s3+$0x0], $0xffff  }
0x6f: {  	v2 =	vadd.f32 v34, v2;
	v5 =	vadd.f32 v5, v12;
	v12 =	vmul.f32 v32, v32;
	v40 =	vld.idx.msk [tilespmem:v42+s3+$0x0], $0xffff  }
0x70: {  	v20 =	vadd.f32 v39, v20;
	v22 =	vadd.f32 v22, v35;
	v4 =	vmul.f32 v4, v4;
	v3 =	vld.idx.msk [tilespmem:v3+s3+$0x0], $0xffff  }
0x71: {  	v2 =	vadd.f32 v12, v2;
	v11 =	vsub.f32 v11, v45;
	v32 =	vld.idx.msk [tilespmem:v52+s3+$0x0], $0xffff  }
0x72: {  	v20 =	vadd.f32 v36, v20;
	v12 =	vsub.f32 v54, v33;
	v18 =	vld.idx.msk [tilespmem:v18+s3+$0x0], $0xffff  }
0x73: {  	v42 =	vadd.f32 v47, v5;
	v39 =	vsub.f32 v8, v58;
	v8 =	vadd.s32 s26, v0;
	v5 =	vld.idx.msk [tilespmem:v44+s3+$0x0], $0xffff  }
0x74: {  	v2 =	vadd.f32 v43, v2;
	v11 =	vmul.f32 v11, v11;
	v4 =	vadd.f32 v4, v22;
	v22 =	vld.idx.msk [tilespmem:v37+s3+$0x0], $0xffff  }
0x75: {  	v12 =	vmul.f32 v12, v12;
	v8 =	vand.u32 $0x3F, v8;
	v34 =	vsub.f32 v40, v53;
	v6 =	vld.idx.msk [tilespmem:v6+s3+$0x0], $0xffff  }
0x76: {  	v36 =	vsub.f32 v38, v33;
	v40 =	vor.u32 v27, v8;
	v3 =	vsub.f32 v3, v58;
	v37 =	vld.idx.msk [tilespmem:v57+s3+$0x0], $0xffff  }
0x77: {  	v4 =	vadd.f32 v11, v4;
	v43 =	vor.u32 v23, v8;
	v11 =	vld.idx.msk [tilespmem:v19+s3+$0x0], $0xffff;
	v19 =	vsub.f32 v32, v53  }
0x78: {  	v7 =	vsub.f32 v7, v21;
	v18 =	vsub.f32 v18, v53;
	v32 =	vmul.f32 v34, v34;
	v21 =	vld.idx.msk [tilespmem:v50+s3+$0x0], $0xffff  }
0x79: {  	v35 =	vmul.f32 v3, v3;
	v3 =	vor.u32 v29, v8;
	v62 =	vld.idx.msk [tilespmem:v49+s17+$0x0], $0xffff;
	v49 =	vsub.f32 v5, v58  }
0x7a: {  	v36 =	vmul.f32 v36, v36;
	v4 =	vadd.f32 v12, v4;
	v55 =	vor.u32 v25, v8;
	v5 =	vld.idx.msk [tilespmem:v10+s3+$0x0], $0xffff  }
0x7b: {  	v7 =	vmul.f32 v7, v7;
	v12 =	vsub.f32 v22, v58;
	v10 =	vsub.f32 v13, v31;
	v56 =	vld.idx.msk [tilespmem:v46+s3+$0x0], $0xffff  }
0x7c: {  	v6 =	vsub.f32 v6, v45;
	v13 =	vmul.f32 v18, v18;
	v46 =	vsub.f32 v37, v53  }
0x7d: {  	v38 =	vmul.f32 v19, v19;
	v52 =	vsub.f32 v11, v45;
	v11 =	vsub.f32 v51, v33;
	v48 =	vld.idx.msk [tilespmem:v41+s3+$0x0], $0xffff  }
.Ltmp0:
0x7e: {  	v34 =	vmul.f32 v12, v12;
	v10 =	vmul.f32 v10, v10;
	v18 =	vsub.f32 v21, v45;
	v37 =	vld.idx.msk [tilespmem:v8+s17+$0x0], $0xffff;
	(pc) =	sbr.rel @p0 .LBB2_4-.Ltmp0, $4  }
0x7f: {  	v50 =	vadd.f32 v7, v20;
	v44 =	vmul.f32 v11, v11;
	v41 =	vsub.f32 v15, v62;
	v45 =	vld.idx.msk [tilespmem:v43+s3+$0x0], $0xffff  }
0x80: {  	v58 =	vsub.f32 v61, v62;
	v5 =	vsub.f32 v5, v31;
	v47 =	vmul.f32 v18, v18;
	v43 =	vld.idx.msk [tilespmem:v3+s3+$0x0], $0xffff  }
0x81: {  	v54 =	vmul.f32 v6, v6;
	v53 =	vadd.f32 v10, v2;
	v59 =	vsub.f32 v9, v62  }
0x82: {  	s0 =	smov.u32 s8;
	v57 =	vadd.f32 v13, v4;
	v51 =	vsub.f32 v16, v62;
	v60 =	vmul.f32 v5, v5  }
0x83: {  	_ =	sdelay $0x1  }
0x84: {  	v2 =	vsub.f32 v56, v31;
	_ =	sdelay $0x1  }
0x85: {  	v3 =	vld.idx.msk [tilespmem:v55+s3+$0x0], $0xffff;
	v4 =	vmul.f32 v58, v58;
	v2 =	vmul.f32 v2, v2  }
0x86: {  	v5 =	vsub.f32 v48, v33;
	v7 =	vmul.f32 v52, v52;
	v8 =	vadd.f32 v54, v53;
	v12 =	vld.idx.msk [tilespmem:v40+s3+$0x0], $0xffff  }
0x87: {  	v29 =	vmul.f32 v41, v41;
	v40 =	vld [tilespmem:$0x1FFB0];
	v6 =	vadd.f32 v60, v42;
	v2 =	vadd.f32 v2, v50  }
0x88: {  	v41 =	vld [tilespmem:$0x1FF30];
	v10 =	vsub.f32 v45, v37;
	v4 =	vadd.f32 v4, v57;
	v5 =	vmul.f32 v5, v5  }
0x89: {  	v54 =	vld [tilespmem:$0x1FF10];
	v13 =	vsub.f32 v43, v37;
	v2 =	vadd.f32 v47, v2  }
0x8a: {  	v28 =	vmul.f32 v59, v59;
	v55 =	vld [tilespmem:$0x1FF00];
	v6 =	vadd.f32 v7, v6;
	v5 =	vadd.f32 v5, v8  }
0x8b: {  	v9 =	vmul.f32 v46, v46;
	v56 =	vld [tilespmem:$0x1FF40];
	v4 =	vadd.f32 v35, v4;
	v2 =	vadd.f32 v36, v2  }
0x8c: {  	v11 =	vmul.f32 v49, v49;
	v61 =	vld [tilespmem:$0x1FF60];
	v3 =	vsub.f32 v3, v37;
	v6 =	vadd.f32 v44, v6  }
0x8d: {  	v30 =	vmul.f32 v10, v10;
	v33 =	vsub.f32 v12, v37;
	v37 =	vld [tilespmem:$0x1FF20];
	v2 =	vadd.f32 v32, v2  }
0x8e: {  	v31 =	vmul.f32 v51, v51;
	v45 =	vld [tilespmem:$0x1FEF0];
	v5 =	vadd.f32 v9, v5;
	v6 =	vadd.f32 v38, v6  }
0x8f: {  	v4 =	vadd.f32 v30, v4;
	v38 =	vld [tilespmem:$0x1FFF0];
	v32 =	vmul.f32 v39, v39;
	v2 =	vadd.f32 v28, v2  }
0x90: {  	v43 =	vld [tilespmem:$0x1FEE0];
	v35 =	vmul.f32 v13, v13;
	v5 =	vadd.f32 v31, v5;
	v6 =	vadd.f32 v29, v6  }
0x91: {  	v42 =	vld [tilespmem:$0x1FED0];
	v3 =	vmul.f32 v3, v3;
	v36 =	vmul.f32 v33, v33;
	v2 =	vadd.f32 v32, v2  }
0x92: {  	v63 =	vld [tilespmem:$0x1FFA0];
	v5 =	vadd.f32 v34, v5;
	vm0 =	vlt.f32 v4, v37;
	v6 =	vadd.f32 v11, v6  }
0x93: {  	v44 =	vld [tilespmem:$0x1FFE0];
	vm1 =	vlt.f32 v4, v17;
	v8 =	vsel vm0, v4, v37;
	v2 =	vadd.f32 v35, v2  }
0x94: {  	v57 =	vld [tilespmem:$0x1FF50];
	v7 =	vadd.s32 v38, v40;
	v5 =	vadd.f32 v36, v5;
	v3 =	vadd.f32 v3, v6  }
0x95: {  	v58 =	vld [tilespmem:$0x1FF80];
	v6 =	vsel vm0, v7, v41;
	vm11 =	vlt.f32 v2, v43;
	vm2 =	vlt.f32 v2, v45  }
0x96: {  	v46 =	vsel vm1, v42, v6;
	v6 =	vsel vm11, v2, v43;
	v50 =	vsel vm2, v2, v45;
	v2 =	vld [tilespmem:$0x1FFC0]  }
0x97: {  	v59 =	vld [tilespmem:$0x1FF70];
	v47 =	vsel vm1, v17, v8;
	v17 =	vsel vm1, v4, v17  }
0x98: {  	v60 =	vld [tilespmem:$0x1FFD0];
	v4 =	vadd.s32 v38, v44;
	v52 =	vsel vm1, v7, v42;
	vm14 =	vlt.f32 v5, v61  }
0x99: {  	v62 =	vld [tilespmem:$0x1FF90];
	s2 =	sadd.s32 $0x1, s2;
	vm15 =	vlt.f32 v5, v63;
	vm12 =	vlt.f32 v3, v56;
	vm13 =	vlt.f32 v3, v57  }
0x9a: {  	p0 =	sne.s32 s2, $0x8;
	v39 =	vsel vm15, v5, v63;
	v51 =	vsel vm2, v45, v6;
	v6 =	vsel vm11, v4, v54  }
.Ltmp1:
0x9b: {  	v48 =	vsel vm2, v55, v6;
	v6 =	vsel vm12, v3, v56;
	v2 =	vadd.s32 v38, v2;
	(pc) =	sbr.rel @p0 .LBB2_3-.Ltmp1, $4  }
0x9c: {  	v49 =	vsel vm2, v4, v55;
	v45 =	vsel vm13, v57, v6;
	v4 =	vsel vm12, v2, v58  }
0x9d: {  	v6 =	vsel vm14, v5, v61;
	v41 =	vsel vm13, v59, v4;
	v4 =	vadd.s32 v38, v60  }
0x9e: {  	v44 =	vsel vm13, v3, v57;
	v43 =	vsel vm15, v63, v6;
	v7 =	vsel vm14, v4, v62  }
0x9f: {  	v42 =	vsel vm13, v2, v59;
	v40 =	vsel vm15, v14, v7;
	v14 =	vsel vm15, v4, v14  }
0xa0: {  	p0 =	seq.s32 s30, $0xB  }
0xa1: {  	s0 =	sadd.s32 @!p0 s31, s11  }
0xa2: {  	s0 =	sshll.u32 @!p0 s0, $0x7  }
0xa3: {  	s0 =	sadd.s32 @!p0 s5, s0  }
0xa4: {  	s2 =	simm.s32 @!p0 $0x40;
	s0 =	sshrl.u32 @!p0 s0, $0x3  }
0xa5: {  	s8 =	simm.s32 @!p0 $0x80;
	s9 =	simm.s32 @!p0 $0x0;
	s0 =	sadd.s32 @!p0 s1, s0  }
0xa6: {  	[tilespmem:s9], [sflag:$0x1] =	stream.strided.gather @!p0 [hbm4b:s0+s2], $0x8000, s8, s2, $0x38;
	[tilespmem:$0x13640] =	vst v63  }
0xa7: {  	s28 =	sadd.s32 s31, s12;
	_ =	swait.ge [sflag:s24], $0x8000  }
0xa8: {  	v2 =	vmov s28;
	[sflag:s24] =	ssyncset.done $0x0  }
0xa9: {  	s2 =	simm.s32 $0x0;
	[tilespmem:$0x1FEC0] =	vst v2;
	[sflag:s24] =	ssyncadd.s32 $0xFFFF8000  }
.LBB2_7:
0xaa: {  	s0 =	sshll.u32 s2, $0x6;
	s26 =	simm.s32 $0x3;
	s28 =	simm.s32 $0x2  }
0xab: {  	v2 =	vor.u32 s0, v0;
	v6 =	vadd.s32 s26, v0;
	v8 =	vadd.s32 s28, v0  }
0xac: {  	s10 =	simm.s32 $0x1;
	v23 =	vshll.u32 v2, $0x6;
	v6 =	vand.u32 $0x3F, v6;
	v8 =	vand.u32 $0x3F, v8  }
0xad: {  	s8 =	sor.u32 $0x20, s0;
	v56 =	vadd.s32 s10, v0;
	s26 =	simm.s32 $0x6;
	v9 =	vor.u32 v23, v6  }
0xae: {  	s9 =	simm.s32 $0x0;
	s10 =	simm.s32 $0x5;
	v3 =	vor.u32 s8, v0;
	v34 =	vadd.s32 s26, v0;
	v16 =	vor.u32 v23, v8  }
0xaf: {  	[tilespmem:$0x1FE80] =	vst v2;
	v2 =	vadd.s32 s9, v0;
	v13 =	vadd.s32 s10, v0;
	v34 =	vand.u32 $0x3F, v34  }
0xb0: {  	[tilespmem:$0x1FF10] =	vst v48;
	s9 =	sor.u32 $0x30, s0;
	v24 =	vor.u32 v1, v23;
	v2 =	vand.u32 $0x38, v2;
	v13 =	vand.u32 $0x3F, v13  }
0xb1: {  	[tilespmem:$0x1FE90] =	vst v3;
	v25 =	vshll.u32 v3, $0x6;
	v4 =	vor.u32 s9, v0;
	v3 =	vor.u32 v24, v2;
	v15 =	vld.idx.msk [tilespmem:v8+s17+$0x0], $0xffff  }
0xb2: {  	s0 =	sor.u32 $0x10, s0;
	[tilespmem:$0x1FEA0] =	vst v4;
	v27 =	vshll.u32 v4, $0x6;
	v4 =	vand.u32 $0x3F, v56;
	v9 =	vld.idx.msk [tilespmem:v9+s21+$0x0], $0xffff  }
0xb3: {  	[tilespmem:$0x1FF30] =	vst v46;
	v10 =	vor.u32 s0, v0;
	v57 =	vor.u32 v1, v2;
	v16 =	vld.idx.msk [tilespmem:v16+s21+$0x0], $0xffff  }
0xb4: {  	[tilespmem:$0x1FF40] =	vst v45;
	v29 =	vshll.u32 v10, $0x6;
	v11 =	vor.u32 v25, v6;
	v33 =	vor.u32 v25, v13;
	v46 =	vld.idx.msk [tilespmem:v34+s17+$0x0], $0xffff  }
0xb5: {  	v36 =	vor.u32 v23, v13;
	v45 =	vor.u32 v29, v13;
	v48 =	vor.u32 v27, v13;
	v13 =	vld.idx.msk [tilespmem:v13+s17+$0x0], $0xffff  }
0xb6: {  	v3 =	vld.idx.msk [tilespmem:v3+s21+$0x0], $0xffff  }
0xb7: {  	v31 =	vld.idx.msk [tilespmem:v4+s17+$0x0], $0xffff  }
0xb8: {  	s9 =	simm.s32 $0x4;
	v26 =	vor.u32 v1, v25;
	[tilespmem:$0x1FEB0] =	vst v10;
	v61 =	vor.u32 v23, v34;
	v10 =	vld.idx.msk [tilespmem:v57+s17+$0x0], $0xffff  }
0xb9: {  	v12 =	vadd.s32 s9, v0;
	v5 =	vor.u32 v26, v2;
	v11 =	vld.idx.msk [tilespmem:v11+s21+$0x0], $0xffff  }
0xba: {  	[tilespmem:$0x1FF60] =	vst v43;
	v12 =	vand.u32 $0x3F, v12;
	v43 =	vld.idx.msk [tilespmem:v33+s21+$0x0], $0xffff  }
0xbb: {  	v32 =	vor.u32 v23, v4;
	v33 =	vld.idx.msk [tilespmem:v6+s17+$0x0], $0xffff  }
0xbc: {  	[tilespmem:$0x1FEE0] =	vst v51;
	v35 =	vor.u32 v29, v6;
	v51 =	vld.idx.msk [tilespmem:v36+s21+$0x0], $0xffff  }
0xbd: {  	v38 =	vor.u32 v29, v34;
	v54 =	vld.idx.msk [tilespmem:v61+s21+$0x0], $0xffff  }
0xbe: {  	v58 =	vor.u32 v27, v4;
	v5 =	vld.idx.msk [tilespmem:v5+s21+$0x0], $0xffff  }
0xbf: {  	v28 =	vor.u32 v1, v27;
	v63 =	vor.u32 v27, v8;
	v37 =	vld.idx.msk [tilespmem:v12+s17+$0x0], $0xffff  }
0xc0: {  	v30 =	vor.u32 v1, v29;
	v7 =	vor.u32 v28, v2;
	v32 =	vld.idx.msk [tilespmem:v32+s21+$0x0], $0xffff  }
0xc1: {  	[tilespmem:$0x1FEF0] =	vst v50;
	v2 =	vor.u32 v30, v2;
	v35 =	vld.idx.msk [tilespmem:v35+s21+$0x0], $0xffff  }
0xc2: {  	[tilespmem:$0x1FF00] =	vst v49;
	v60 =	vor.u32 v29, v12;
	v38 =	vld.idx.msk [tilespmem:v38+s21+$0x0], $0xffff  }
0xc3: {  	[tilespmem:$0x1FF20] =	vst v47;
	v62 =	vor.u32 v25, v12;
	v53 =	vld.idx.msk [tilespmem:v58+s21+$0x0], $0xffff  }
0xc4: {  	[tilespmem:$0x1FF50] =	vst v44;
	v59 =	vor.u32 v23, v12;
	v50 =	vld.idx.msk [tilespmem:v63+s21+$0x0], $0xffff  }
0xc5: {  	[tilespmem:$0x1FF80] =	vst v41;
	v49 =	vor.u32 v29, v8;
	v8 =	vor.u32 v25, v8;
	v7 =	vld.idx.msk [tilespmem:v7+s21+$0x0], $0xffff  }
0xc6: {  	[tilespmem:$0x1FF90] =	vst v40;
	v41 =	vimm.f32 $0.0e+00;
	v44 =	vor.u32 v27, v6;
	v57 =	vor.u32 v25, v34;
	v2 =	vld.idx.msk [tilespmem:v2+s21+$0x0], $0xffff  }
0xc7: {  	v47 =	vor.u32 v29, v4;
	v34 =	vor.u32 v27, v34;
	v40 =	vld.idx.msk [tilespmem:v60+s21+$0x0], $0xffff;
	v16 =	vsub.f32 v16, v15  }
0xc8: {  	v4 =	vor.u32 v25, v4;
	v36 =	vld.idx.msk [tilespmem:v62+s21+$0x0], $0xffff;
	v3 =	vsub.f32 v3, v10;
	v9 =	vsub.f32 v9, v33  }
0xc9: {  	s28 =	simm.s32 $0x7;
	v12 =	vor.u32 v27, v12;
	v6 =	vld.idx.msk [tilespmem:v59+s21+$0x0], $0xffff;
	v62 =	vsub.f32 v54, v46;
	v63 =	vsub.f32 v11, v33  }
0xca: {  	[tilespmem:$0x1FFA0] =	vst v39;
	v58 =	vadd.s32 s28, v0;
	v8 =	vld.idx.msk [tilespmem:v8+s21+$0x0], $0xffff;
	v5 =	vsub.f32 v5, v10;
	v32 =	vsub.f32 v32, v31  }
0xcb: {  	v59 =	vld.idx.msk [tilespmem:v57+s21+$0x0], $0xffff;
	v39 =	vsub.f32 v38, v46;
	v16 =	vmul.f32 v16, v16;
	v61 =	vsub.f32 v35, v33  }
0xcc: {  	v34 =	vld.idx.msk [tilespmem:v34+s21+$0x0], $0xffff;
	v7 =	vsub.f32 v7, v10;
	v3 =	vmul.f32 v3, v3;
	v9 =	vmul.f32 v9, v9  }
0xcd: {  	[tilespmem:$0x1FED0] =	vst v52;
	v60 =	vsub.f32 v40, v37;
	v2 =	vsub.f32 v2, v10;
	v35 =	vmul.f32 v62, v62  }
0xce: {  	[tilespmem:$0x1FF70] =	vst v42;
	v6 =	vsub.f32 v6, v37;
	v5 =	vmul.f32 v5, v5;
	v32 =	vmul.f32 v32, v32  }
0xcf: {  	v12 =	vld.idx.msk [tilespmem:v12+s21+$0x0], $0xffff;
	v52 =	vsub.f32 v8, v15;
	v7 =	vmul.f32 v7, v7;
	v3 =	vadd.f32 v3, v41  }
0xd0: {  	v10 =	vld.idx.msk [tilespmem:v49+s21+$0x0], $0xffff;
	v2 =	vmul.f32 v2, v2;
	v42 =	vadd.f32 v5, v41;
	v49 =	vsub.f32 v59, v46  }
0xd1: {  	v5 =	vand.u32 $0x3F, v58;
	v34 =	vsub.f32 v34, v46;
	v58 =	vsub.f32 v51, v13  }
0xd2: {  	v6 =	vmul.f32 v6, v6;
	v7 =	vadd.f32 v7, v41;
	v3 =	vadd.f32 v32, v3  }
0xd3: {  	v4 =	vld.idx.msk [tilespmem:v4+s21+$0x0], $0xffff;
	v40 =	vor.u32 v27, v5;
	v54 =	vor.u32 v23, v5;
	v32 =	vmul.f32 v60, v60  }
0xd4: {  	v59 =	vld.idx.msk [tilespmem:v45+s21+$0x0], $0xffff;
	v57 =	vor.u32 v29, v5;
	v60 =	vsub.f32 v50, v15;
	v46 =	vsub.f32 v12, v37  }
0xd5: {  	v55 =	vor.u32 v25, v5;
	v12 =	vld.idx.msk [tilespmem:v48+s21+$0x0], $0xffff;
	v50 =	vadd.f32 v2, v41;
	v3 =	vadd.f32 v16, v3  }
0xd6: {  	v48 =	vld.idx.msk [tilespmem:v44+s21+$0x0], $0xffff;
	v44 =	vmul.f32 v63, v63;
	v10 =	vsub.f32 v10, v15;
	v16 =	vsub.f32 v36, v37  }
0xd7: {  	[tilespmem:$0x1FE70] =	vst v14;
	v34 =	vmul.f32 v34, v34;
	v3 =	vadd.f32 v9, v3;
	v9 =	vsub.f32 v53, v31  }
0xd8: {  	v56 =	vld.idx.msk [tilespmem:v47+s21+$0x0], $0xffff;
	v41 =	vsub.f32 v43, v13;
	v36 =	vmul.f32 v61, v61;
	v47 =	vmul.f32 v10, v10  }
0xd9: {  	v2 =	vsub.f32 v4, v31;
	v38 =	vmul.f32 v16, v16;
	v37 =	vld.idx.msk [tilespmem:v5+s17+$0x0], $0xffff;
	v9 =	vmul.f32 v9, v9  }
0xda: {  	v59 =	vsub.f32 v59, v13;
	v45 =	vld.idx.msk [tilespmem:v54+s21+$0x0], $0xffff;
	v54 =	vmul.f32 v60, v60;
	v51 =	vsub.f32 v12, v13  }
0xdb: {  	s8 =	simm.s32 $0xF;
	v43 =	vld.idx.msk [tilespmem:v57+s21+$0x0], $0xffff;
	v60 =	vmul.f32 v2, v2;
	v57 =	vadd.f32 v6, v3;
	v53 =	vadd.f32 v9, v7  }
.LBB2_8:
0xdc: {  	s0 =	sadd.s32 $0xFFFFFFF9, s8  }
0xdd: {  	s9 =	sadd.s32 $0xFFFFFFFA, s8;
	s10 =	sadd.s32 $0xFFFFFFFB, s8;
	v2 =	vsub.f32 v48, v33;
	v48 =	vmul.f32 v59, v59;
	v39 =	vmul.f32 v39, v39;
	v3 =	vld.idx.msk [tilespmem:v55+s21+$0x0], $0xffff;
	s26 =	smov.u32 s8  }
0xde: {  	v4 =	vadd.s32 s0, v0;
	v5 =	vadd.s32 s9, v0;
	s9 =	sadd.s32 $0xFFFFFFFD, s26;
	s28 =	sadd.s32 $0xFFFFFFFF, s26;
	s0 =	sadd.s32 $0x8, s8;
	v6 =	vadd.f32 v60, v42  }
0xdf: {  	p1 =	sne.s32 s8, $0x3F;
	v8 =	vsub.f32 v56, v31;
	v7 =	vadd.s32 s10, v0;
	v4 =	vand.u32 $0x38, v4  }
0xe0: {  	v11 =	vmul.f32 v58, v58;
	v9 =	vor.u32 v1, v4;
	v10 =	vor.u32 v24, v4  }
0xe1: {  	v15 =	vmul.f32 v41, v41;
	s8 =	sadd.s32 $0xFFFFFFFC, s26;
	v12 =	vor.u32 v26, v4;
	v13 =	vor.u32 v28, v4  }
0xe2: {  	v42 =	vmul.f32 v49, v49;
	v5 =	vand.u32 $0x3F, v5;
	v16 =	vadd.s32 s8, v0  }
0xe3: {  	v7 =	vand.u32 $0x3F, v7;
	v11 =	vadd.f32 v11, v57;
	v16 =	vand.u32 $0x3F, v16  }
0xe4: {  	v52 =	vmul.f32 v52, v52;
	v33 =	vor.u32 v23, v16;
	v55 =	vor.u32 v25, v16;
	v40 =	vld.idx.msk [tilespmem:v40+s21+$0x0], $0xffff  }
0xe5: {  	v56 =	vadd.s32 s9, v0;
	s8 =	sadd.s32 $0xFFFFFFFE, s26;
	v4 =	vor.u32 v30, v4;
	v3 =	vsub.f32 v3, v37;
	v10 =	vld.idx.msk [tilespmem:v10+s21+$0x0], $0xffff  }
0xe6: {  	v57 =	vsub.f32 v45, v37;
	v49 =	vadd.s32 s8, v0;
	v41 =	vor.u32 v27, v16;
	v12 =	vld.idx.msk [tilespmem:v12+s21+$0x0], $0xffff  }
0xe7: {  	v58 =	vor.u32 v29, v16;
	v49 =	vand.u32 $0x3F, v49;
	v3 =	vmul.f32 v3, v3;
	v31 =	vld.idx.msk [tilespmem:v5+s17+$0x0], $0xffff  }
0xe8: {  	v53 =	vadd.f32 v54, v53;
	v59 =	vor.u32 v29, v49;
	v60 =	vor.u32 v25, v49;
	v13 =	vld.idx.msk [tilespmem:v13+s21+$0x0], $0xffff  }
0xe9: {  	v2 =	vmul.f32 v2, v2;
	v56 =	vand.u32 $0x3F, v56;
	v61 =	vor.u32 v23, v49;
	v54 =	vld.idx.msk [tilespmem:v33+s21+$0x0], $0xffff  }
0xea: {  	v63 =	vmul.f32 v46, v46;
	v62 =	vor.u32 v23, v56;
	v33 =	vor.u32 v23, v7;
	v45 =	vld.idx.msk [tilespmem:v7+s17+$0x0], $0xffff  }
0xeb: {  	v19 =	vor.u32 v23, v5;
	v46 =	vor.u32 v29, v5;
	v20 =	vor.u32 v27, v5;
	v9 =	vld.idx.msk [tilespmem:v9+s17+$0x0], $0xffff  }
0xec: {  	v8 =	vmul.f32 v8, v8;
	v6 =	vadd.f32 v52, v6;
	v52 =	vmul.f32 v51, v51;
	v4 =	vld.idx.msk [tilespmem:v4+s21+$0x0], $0xffff  }
0xed: {  	v2 =	vadd.f32 v2, v53;
	v5 =	vor.u32 v25, v5;
	v51 =	vld.idx.msk [tilespmem:v55+s21+$0x0], $0xffff;
	v55 =	vadd.s32 s28, v0  }
0xee: {  	v8 =	vadd.f32 v8, v50;
	v21 =	vor.u32 v27, v49;
	v53 =	vld.idx.msk [tilespmem:v56+s17+$0x0], $0xffff;
	v55 =	vand.u32 $0x3F, v55  }
0xef: {  	v22 =	vor.u32 v29, v7;
	v2 =	vadd.f32 v63, v2;
	v50 =	vld.idx.msk [tilespmem:v33+s21+$0x0], $0xffff;
	v18 =	vor.u32 v23, v55  }
0xf0: {  	v63 =	vor.u32 v27, v7;
	v8 =	vadd.f32 v47, v8;
	v14 =	vor.u32 v29, v55;
	v19 =	vld.idx.msk [tilespmem:v19+s21+$0x0], $0xffff  }
0xf1: {  	v6 =	vadd.f32 v44, v6;
	v7 =	vor.u32 v25, v7;
	v12 =	vsub.f32 v12, v9;
	v47 =	vld.idx.msk [tilespmem:v60+s21+$0x0], $0xffff  }
0xf2: {  	v11 =	vadd.f32 v35, v11;
	v13 =	vsub.f32 v13, v9;
	v33 =	vld.idx.msk [tilespmem:v16+s17+$0x0], $0xffff;
	v16 =	vmul.f32 v57, v57  }
0xf3: {  	v35 =	vsub.f32 v43, v37;
	v8 =	vadd.f32 v36, v8;
	v12 =	vmul.f32 v12, v12;
	v21 =	vld.idx.msk [tilespmem:v21+s21+$0x0], $0xffff  }
0xf4: {  	v6 =	vadd.f32 v38, v6;
	v36 =	vor.u32 v27, v56;
	v13 =	vmul.f32 v13, v13;
	v43 =	vld.idx.msk [tilespmem:v55+s17+$0x0], $0xffff  }
0xf5: {  	v44 =	vor.u32 v29, v56;
	v10 =	vsub.f32 v10, v9;
	v11 =	vadd.f32 v16, v11;
	v38 =	vld.idx.msk [tilespmem:v58+s21+$0x0], $0xffff  }
0xf6: {  	v2 =	vadd.f32 v52, v2;
	v6 =	vadd.f32 v15, v6;
	v57 =	vor.u32 v25, v55;
	v16 =	vld.idx.msk [tilespmem:v61+s21+$0x0], $0xffff  }
0xf7: {  	v15 =	vor.u32 v25, v56;
	v8 =	vadd.f32 v32, v8;
	v32 =	vsub.f32 v40, v37;
	v59 =	vld.idx.msk [tilespmem:v59+s21+$0x0], $0xffff  }
0xf8: {  	v35 =	vmul.f32 v35, v35;
	v6 =	vadd.f32 v42, v6;
	v19 =	vsub.f32 v19, v31;
	v14 =	vld.idx.msk [tilespmem:v14+s21+$0x0], $0xffff  }
0xf9: {  	v8 =	vadd.f32 v48, v8;
	v37 =	vor.u32 v27, v55;
	v10 =	vmul.f32 v10, v10;
	v20 =	vld.idx.msk [tilespmem:v20+s21+$0x0], $0xffff  }
0xfa: {  	v2 =	vadd.f32 v34, v2;
	v3 =	vadd.f32 v3, v6;
	v6 =	vmul.f32 v32, v32;
	v40 =	vld.idx.msk [tilespmem:v44+s21+$0x0], $0xffff  }
0xfb: {  	v8 =	vadd.f32 v39, v8;
	v10 =	vadd.f32 v10, v11;
	v11 =	vmul.f32 v19, v19;
	v18 =	vld.idx.msk [tilespmem:v18+s21+$0x0], $0xffff  }
0xfc: {  	v2 =	vadd.f32 v6, v2;
	v19 =	vsub.f32 v50, v45;
	v15 =	vld.idx.msk [tilespmem:v15+s21+$0x0], $0xffff  }
0xfd: {  	v8 =	vadd.f32 v35, v8;
	v6 =	vsub.f32 v54, v33;
	v32 =	vld.idx.msk [tilespmem:v62+s21+$0x0], $0xffff  }
0xfe: {  	v42 =	vadd.f32 v12, v3;
	v12 =	vadd.s32 s26, v0;
	v39 =	vsub.f32 v14, v43;
	v3 =	vld.idx.msk [tilespmem:v57+s21+$0x0], $0xffff  }
0xff: {  	v2 =	vadd.f32 v13, v2;
	v10 =	vadd.f32 v11, v10;
	v11 =	vmul.f32 v19, v19;
	v13 =	vld.idx.msk [tilespmem:v37+s21+$0x0], $0xffff  }
0x100: {  	v12 =	vand.u32 $0x3F, v12;
	v6 =	vmul.f32 v6, v6;
	v19 =	vsub.f32 v40, v53;
	v14 =	vld.idx.msk [tilespmem:v63+s21+$0x0], $0xffff  }
0x101: {  	v34 =	vsub.f32 v38, v33;
	v40 =	vor.u32 v27, v12;
	v18 =	vsub.f32 v18, v43;
	v37 =	vld.idx.msk [tilespmem:v36+s21+$0x0], $0xffff  }
0x102: {  	v10 =	vadd.f32 v11, v10;
	v11 =	vsub.f32 v15, v53;
	v15 =	vor.u32 v23, v12;
	v7 =	vld.idx.msk [tilespmem:v7+s21+$0x0], $0xffff  }
0x103: {  	v4 =	vsub.f32 v4, v9;
	v9 =	vld.idx.msk [tilespmem:v22+s21+$0x0], $0xffff;
	v22 =	vsub.f32 v32, v53;
	v32 =	vmul.f32 v19, v19  }
0x104: {  	v35 =	vmul.f32 v18, v18;
	v19 =	vld.idx.msk [tilespmem:v49+s17+$0x0], $0xffff;
	v49 =	vsub.f32 v3, v43;
	v3 =	vor.u32 v29, v12  }
0x105: {  	v55 =	vor.u32 v25, v12;
	v6 =	vadd.f32 v6, v10;
	v36 =	vmul.f32 v34, v34;
	v5 =	vld.idx.msk [tilespmem:v5+s21+$0x0], $0xffff  }
0x106: {  	v4 =	vmul.f32 v4, v4;
	v10 =	vsub.f32 v20, v31;
	v13 =	vsub.f32 v13, v43;
	v56 =	vld.idx.msk [tilespmem:v46+s21+$0x0], $0xffff  }
0x107: {  	v14 =	vsub.f32 v14, v45;
	v18 =	vmul.f32 v22, v22;
	v46 =	vsub.f32 v37, v53  }
0x108: {  	v38 =	vmul.f32 v11, v11;
	v52 =	vsub.f32 v7, v45;
	v7 =	vsub.f32 v51, v33;
	v48 =	vld.idx.msk [tilespmem:v41+s21+$0x0], $0xffff  }
.Ltmp2:
0x109: {  	v10 =	vmul.f32 v10, v10;
	v34 =	vmul.f32 v13, v13;
	v9 =	vsub.f32 v9, v45;
	v37 =	vld.idx.msk [tilespmem:v12+s17+$0x0], $0xffff;
	(pc) =	sbr.rel @p1 .LBB2_8-.Ltmp2, $4  }
0x10a: {  	v50 =	vadd.f32 v4, v8;
	v44 =	vmul.f32 v7, v7;
	v41 =	vsub.f32 v47, v19;
	v45 =	vld.idx.msk [tilespmem:v15+s21+$0x0], $0xffff  }
0x10b: {  	v58 =	vsub.f32 v16, v19;
	v4 =	vsub.f32 v5, v31;
	v47 =	vmul.f32 v9, v9;
	v43 =	vld.idx.msk [tilespmem:v3+s21+$0x0], $0xffff  }
0x10c: {  	v53 =	vadd.f32 v10, v2;
	v54 =	vmul.f32 v14, v14;
	v59 =	vsub.f32 v59, v19  }
0x10d: {  	s8 =	smov.u32 s0;
	v57 =	vadd.f32 v18, v6;
	v51 =	vsub.f32 v21, v19;
	v60 =	vmul.f32 v4, v4  }
0x10e: {  	_ =	sdelay $0x1  }
0x10f: {  	v2 =	vsub.f32 v56, v31;
	_ =	sdelay $0x1  }
0x110: {  	v3 =	vld.idx.msk [tilespmem:v55+s21+$0x0], $0xffff;
	v4 =	vmul.f32 v58, v58;
	v2 =	vmul.f32 v2, v2  }
0x111: {  	v5 =	vsub.f32 v48, v33;
	v7 =	vmul.f32 v52, v52;
	v8 =	vadd.f32 v54, v53;
	v12 =	vld.idx.msk [tilespmem:v40+s21+$0x0], $0xffff  }
0x112: {  	v29 =	vmul.f32 v41, v41;
	v40 =	vld [tilespmem:$0x1FE80];
	v6 =	vadd.f32 v60, v42;
	v2 =	vadd.f32 v2, v50  }
0x113: {  	v41 =	vld [tilespmem:$0x1FF30];
	v10 =	vsub.f32 v45, v37;
	v4 =	vadd.f32 v4, v57;
	v5 =	vmul.f32 v5, v5  }
0x114: {  	v54 =	vld [tilespmem:$0x1FF10];
	v13 =	vsub.f32 v43, v37;
	v2 =	vadd.f32 v47, v2  }
0x115: {  	v28 =	vmul.f32 v59, v59;
	v55 =	vld [tilespmem:$0x1FF00];
	v6 =	vadd.f32 v7, v6;
	v5 =	vadd.f32 v5, v8  }
0x116: {  	v9 =	vmul.f32 v46, v46;
	v56 =	vld [tilespmem:$0x1FF40];
	v4 =	vadd.f32 v35, v4;
	v2 =	vadd.f32 v36, v2  }
0x117: {  	v11 =	vmul.f32 v49, v49;
	v61 =	vld [tilespmem:$0x1FF60];
	v3 =	vsub.f32 v3, v37;
	v6 =	vadd.f32 v44, v6  }
0x118: {  	v30 =	vmul.f32 v10, v10;
	v33 =	vsub.f32 v12, v37;
	v37 =	vld [tilespmem:$0x1FF20];
	v2 =	vadd.f32 v32, v2  }
0x119: {  	v31 =	vmul.f32 v51, v51;
	v45 =	vld [tilespmem:$0x1FEF0];
	v5 =	vadd.f32 v9, v5;
	v6 =	vadd.f32 v38, v6  }
0x11a: {  	v4 =	vadd.f32 v30, v4;
	v38 =	vld [tilespmem:$0x1FEC0];
	v32 =	vmul.f32 v39, v39;
	v2 =	vadd.f32 v28, v2  }
0x11b: {  	v43 =	vld [tilespmem:$0x1FEE0];
	v35 =	vmul.f32 v13, v13;
	v5 =	vadd.f32 v31, v5;
	v6 =	vadd.f32 v29, v6  }
0x11c: {  	v42 =	vld [tilespmem:$0x1FED0];
	v3 =	vmul.f32 v3, v3;
	v36 =	vmul.f32 v33, v33;
	v2 =	vadd.f32 v32, v2  }
0x11d: {  	v63 =	vld [tilespmem:$0x1FFA0];
	v5 =	vadd.f32 v34, v5;
	vm0 =	vlt.f32 v4, v37;
	v6 =	vadd.f32 v11, v6  }
0x11e: {  	v44 =	vld [tilespmem:$0x1FEB0];
	vm1 =	vlt.f32 v4, v17;
	v8 =	vsel vm0, v4, v37;
	v2 =	vadd.f32 v35, v2  }
0x11f: {  	v57 =	vld [tilespmem:$0x1FF50];
	v7 =	vadd.s32 v38, v40;
	v5 =	vadd.f32 v36, v5;
	v3 =	vadd.f32 v3, v6  }
0x120: {  	v58 =	vld [tilespmem:$0x1FF80];
	v6 =	vsel vm0, v7, v41;
	vm11 =	vlt.f32 v2, v43;
	vm2 =	vlt.f32 v2, v45  }
0x121: {  	v46 =	vsel vm1, v42, v6;
	v6 =	vsel vm11, v2, v43;
	v50 =	vsel vm2, v2, v45;
	v2 =	vld [tilespmem:$0x1FE90]  }
0x122: {  	v59 =	vld [tilespmem:$0x1FF70];
	v47 =	vsel vm1, v17, v8;
	v17 =	vsel vm1, v4, v17  }
0x123: {  	v60 =	vld [tilespmem:$0x1FEA0];
	v4 =	vadd.s32 v38, v44;
	v52 =	vsel vm1, v7, v42;
	vm14 =	vlt.f32 v5, v61  }
0x124: {  	v62 =	vld [tilespmem:$0x1FF90];
	s2 =	sadd.s32 $0x1, s2;
	vm15 =	vlt.f32 v5, v63;
	vm12 =	vlt.f32 v3, v56;
	vm13 =	vlt.f32 v3, v57  }
0x125: {  	v14 =	vld [tilespmem:$0x1FE70];
	p1 =	sne.s32 s2, $0x8;
	v39 =	vsel vm15, v5, v63;
	v51 =	vsel vm2, v45, v6;
	v6 =	vsel vm11, v4, v54  }
.Ltmp3:
0x126: {  	v48 =	vsel vm2, v55, v6;
	v6 =	vsel vm12, v3, v56;
	v2 =	vadd.s32 v38, v2;
	(pc) =	sbr.rel @p1 .LBB2_7-.Ltmp3, $4  }
0x127: {  	v49 =	vsel vm2, v4, v55;
	v45 =	vsel vm13, v57, v6;
	v4 =	vsel vm12, v2, v58  }
0x128: {  	v6 =	vsel vm14, v5, v61;
	v41 =	vsel vm13, v59, v4;
	v4 =	vadd.s32 v38, v60  }
0x129: {  	v44 =	vsel vm13, v3, v57;
	v43 =	vsel vm15, v63, v6;
	v7 =	vsel vm14, v4, v62  }
0x12a: {  	v42 =	vsel vm13, v2, v59;
	v40 =	vsel vm15, v14, v7;
	v14 =	vsel vm15, v4, v14  }
.Ltmp4:
0x12b: {  	(pc) =	sbr.rel @p0 .LBB2_12-.Ltmp4, $1  }
0x12c: {  	_ =	sdelay $0x3  }
0x12d: {  	s0 =	sadd.s32 s31, s13  }
.Ltmp5:
0x12e: {  	s0 =	sshll.u32 s0, $0x7;
	(pc) =	sbr.rel .LBB2_2-.Ltmp5, $4  }
0x12f: {  	s0 =	sadd.s32 s5, s0  }
0x130: {  	s0 =	sshrl.u32 s0, $0x3  }
0x131: {  	s30 =	sadd.s32 $0x1, s30;
	s0 =	sadd.s32 s1, s0  }
0x132: {  	[tilespmem:s21], [sflag:$0x2] =	stream.strided.gather [hbm4b:s0+s19], $0x8000, s20, s19, $0x38;
	[tilespmem:$0x13640] =	vst v63  }
.LBB2_12:
0x133: {  	_ =	swait.ge [sflag:s25], $0x3500  }
0x134: {  	[sflag:s25] =	ssyncset.done $0x0  }
0x135: {  	v38 =	vmov v14;
	s2 =	simm.s32 $0x0;
	[sflag:s25] =	ssyncadd.s32 $0xFFFFCB00  }
.LBB2_13:
0x136: {  	s30 =	sshll.u32 s2, $0x4  }
0x137: {  	s0 =	simm.s32 $0x0;
	s26 =	simm.s32 $0x1;
	v2 =	vor.u32 s30, v0  }
0x138: {  	v3 =	vadd.s32 s0, v0;
	v4 =	vadd.s32 s26, v0;
	v2 =	vmin.u32 v2, $0xD3  }
0x139: {  	v4 =	vand.u32 $0x3F, v4;
	v18 =	vshll.u32 v2, $0x6;
	v2 =	vand.u32 $0x38, v3  }
0x13a: {  	s28 =	simm.s32 $0x2;
	v19 =	vor.u32 v1, v18;
	v3 =	vor.u32 v1, v2  }
0x13b: {  	v5 =	vadd.s32 s28, v0;
	v2 =	vor.u32 v19, v2  }
0x13c: {  	s31 =	simm.s32 $0x3;
	v5 =	vand.u32 $0x3F, v5  }
0x13d: {  	v7 =	vadd.s32 s31, v0;
	v6 =	vor.u32 v18, v4  }
0x13e: {  	s8 =	simm.s32 $0x4;
	v7 =	vand.u32 $0x3F, v7;
	v4 =	vld.idx.msk [tilespmem:v4+s17+$0x0], $0xffff  }
0x13f: {  	v9 =	vadd.s32 s8, v0;
	v8 =	vor.u32 v18, v5;
	v3 =	vld.idx.msk [tilespmem:v3+s17+$0x0], $0xffff  }
0x140: {  	s9 =	simm.s32 $0x5;
	v9 =	vand.u32 $0x3F, v9;
	v2 =	vld.idx.msk [tilespmem:v2+s22+$0x0], $0xffff  }
0x141: {  	v12 =	vadd.s32 s9, v0;
	v10 =	vor.u32 v18, v7;
	v20 =	vld.idx.msk [tilespmem:v5+s17+$0x0], $0xffff  }
0x142: {  	v61 =	vand.u32 $0x3F, v12;
	v6 =	vld.idx.msk [tilespmem:v6+s22+$0x0], $0xffff  }
0x143: {  	s8 =	simm.s32 $0x6;
	v11 =	vor.u32 v18, v9;
	v22 =	vld.idx.msk [tilespmem:v7+s17+$0x0], $0xffff  }
0x144: {  	s10 =	simm.s32 $0x7;
	v33 =	vimm.f32 $0.0e+00;
	v62 =	vadd.s32 s8, v0;
	v29 =	vor.u32 v18, v61;
	v25 =	vld.idx.msk [tilespmem:v8+s22+$0x0], $0xffff  }
0x145: {  	v63 =	vadd.s32 s10, v0;
	s26 =	simm.s32 $0xA;
	v31 =	vand.u32 $0x3F, v62;
	v23 =	vld.idx.msk [tilespmem:v9+s17+$0x0], $0xffff;
	v2 =	vsub.f32 v2, v3  }
0x146: {  	s28 =	simm.s32 $0x8;
	v21 =	vand.u32 $0x3F, v63;
	v24 =	vadd.s32 s26, v0;
	v30 =	vor.u32 v18, v31;
	v27 =	vld.idx.msk [tilespmem:v10+s22+$0x0], $0xffff  }
0x147: {  	s31 =	simm.s32 $0x9;
	v26 =	vld.idx.msk [tilespmem:v61+s17+$0x0], $0xffff;
	v37 =	vsub.f32 v6, v4;
	v3 =	vadd.s32 s28, v0;
	v36 =	vmul.f32 v2, v2  }
0x148: {  	s0 =	simm.s32 $0xF;
	v35 =	vadd.s32 s31, v0;
	s26 =	simm.s32 $0x17;
	v32 =	vor.u32 v18, v21;
	v28 =	vld.idx.msk [tilespmem:v11+s22+$0x0], $0xffff;
	v34 =	vand.u32 $0x38, v3  }
.LBB2_14:
0x149: {  	p0 =	sne.s32 s26, $0x3F;
	v2 =	vadd.f32 v36, v33;
	v3 =	vmul.f32 v37, v37;
	v4 =	vsub.f32 v25, v20;
	v5 =	vld.idx.msk [tilespmem:v29+s22+$0x0], $0xffff  }
0x14a: {  	v6 =	vor.u32 v1, v34;
	v7 =	vor.u32 v19, v34;
	v8 =	vand.u32 $0x3F, v35;
	v9 =	vld.idx.msk [tilespmem:v31+s17+$0x0], $0xffff  }
0x14b: {  	s8 =	sadd.s32 $0xFFFFFFFC, s0;
	v2 =	vadd.f32 v3, v2;
	v3 =	vmul.f32 v4, v4;
	v4 =	vsub.f32 v27, v22;
	v10 =	vld.idx.msk [tilespmem:v30+s22+$0x0], $0xffff  }
0x14c: {  	v12 =	vand.u32 $0x3F, v24;
	v11 =	vor.u32 v18, v8;
	v13 =	vadd.s32 s8, v0;
	v14 =	vld.idx.msk [tilespmem:v21+s17+$0x0], $0xffff  }
0x14d: {  	s8 =	sadd.s32 $0xFFFFFFFD, s0;
	v2 =	vadd.f32 v3, v2;
	v3 =	vmul.f32 v4, v4;
	v4 =	vsub.f32 v28, v23;
	v15 =	vld.idx.msk [tilespmem:v32+s22+$0x0], $0xffff  }
0x14e: {  	v16 =	vor.u32 v18, v12;
	v13 =	vand.u32 $0x3F, v13;
	v20 =	vadd.s32 s8, v0  }
0x14f: {  	v6 =	vld.idx.msk [tilespmem:v6+s17+$0x0], $0xffff;
	v2 =	vadd.f32 v3, v2;
	v3 =	vmul.f32 v4, v4;
	v4 =	vsub.f32 v5, v26  }
0x150: {  	v23 =	vand.u32 $0x3F, v20;
	v5 =	vld.idx.msk [tilespmem:v7+s22+$0x0], $0xffff;
	v7 =	vor.u32 v18, v13  }
0x151: {  	s8 =	sadd.s32 $0xFFFFFFFE, s0;
	v8 =	vld.idx.msk [tilespmem:v8+s17+$0x0], $0xffff;
	v2 =	vadd.f32 v3, v2;
	v3 =	vmul.f32 v4, v4;
	v4 =	vsub.f32 v10, v9  }
0x152: {  	v10 =	vor.u32 v18, v23;
	v9 =	vld.idx.msk [tilespmem:v11+s22+$0x0], $0xffff;
	v11 =	vadd.s32 s8, v0  }
0x153: {  	s8 =	sadd.s32 $0xFFFFFFFF, s0;
	v20 =	vld.idx.msk [tilespmem:v12+s17+$0x0], $0xffff;
	v2 =	vadd.f32 v3, v2;
	v3 =	vmul.f32 v4, v4;
	v4 =	vsub.f32 v15, v14  }
0x154: {  	v11 =	vand.u32 $0x3F, v11;
	v12 =	vadd.s32 s8, v0;
	v14 =	vadd.s32 s0, v0;
	s0 =	smov.u32 s26;
	v25 =	vld.idx.msk [tilespmem:v16+s22+$0x0], $0xffff  }
.Ltmp6:
0x155: {  	v29 =	vor.u32 v18, v11;
	v22 =	vld.idx.msk [tilespmem:v13+s17+$0x0], $0xffff;
	v2 =	vadd.f32 v3, v2;
	v3 =	vmul.f32 v4, v4;
	(pc) =	sbr.rel @p0 .LBB2_14-.Ltmp6, $4  }
0x156: {  	s8 =	sadd.s32 $0xFFFFFFFB, s26;
	v31 =	vand.u32 $0x3F, v12;
	v21 =	vand.u32 $0x3F, v14;
	v4 =	vsub.f32 v5, v6;
	v27 =	vld.idx.msk [tilespmem:v7+s22+$0x0], $0xffff  }
0x157: {  	s9 =	sadd.s32 $0xFFFFFFF9, s26;
	v24 =	vadd.s32 s8, v0;
	v30 =	vor.u32 v18, v31;
	v23 =	vld.idx.msk [tilespmem:v23+s17+$0x0], $0xffff;
	v33 =	vadd.f32 v3, v2  }
0x158: {  	s8 =	sadd.s32 $0xFFFFFFFA, s26;
	v2 =	vadd.s32 s9, v0;
	v36 =	vmul.f32 v4, v4;
	v37 =	vsub.f32 v9, v8;
	v28 =	vld.idx.msk [tilespmem:v10+s22+$0x0], $0xffff  }
0x159: {  	s26 =	sadd.s32 $0x8, s26;
	v35 =	vadd.s32 s8, v0;
	v32 =	vor.u32 v18, v21;
	v34 =	vand.u32 $0x38, v2;
	v26 =	vld.idx.msk [tilespmem:v11+s17+$0x0], $0xffff  }
0x15a: {  	_ =	sdelay $0x3  }
0x15b: {  	v2 =	vadd.f32 v36, v33;
	v3 =	vmul.f32 v37, v37;
	v4 =	vsub.f32 v25, v20;
	v5 =	vld.idx.msk [tilespmem:v29+s22+$0x0], $0xffff  }
0x15c: {  	v6 =	vor.u32 v1, v34;
	v7 =	vld.idx.msk [tilespmem:v31+s17+$0x0], $0xffff;
	v8 =	vor.u32 v19, v34;
	v9 =	vand.u32 $0x3F, v35  }
0x15d: {  	s8 =	sadd.s32 $0xFFFFFFFC, s0;
	v10 =	vld.idx.msk [tilespmem:v30+s22+$0x0], $0xffff;
	v22 =	vsub.f32 v27, v22;
	v2 =	vadd.f32 v3, v2;
	v3 =	vmul.f32 v4, v4  }
0x15e: {  	v13 =	vand.u32 $0x3F, v24;
	v14 =	vld.idx.msk [tilespmem:v21+s17+$0x0], $0xffff;
	v11 =	vadd.s32 s8, v0;
	v12 =	vor.u32 v18, v9  }
0x15f: {  	s9 =	sadd.s32 $0xFFFFFFFD, s0;
	v16 =	vld.idx.msk [tilespmem:v32+s22+$0x0], $0xffff;
	v23 =	vsub.f32 v28, v23;
	v2 =	vadd.f32 v3, v2;
	v3 =	vmul.f32 v22, v22  }
0x160: {  	v15 =	vadd.s32 s9, v0;
	v25 =	vor.u32 v18, v13;
	v11 =	vand.u32 $0x3F, v11  }
0x161: {  	s10 =	sadd.s32 $0xFFFFFFFE, s0;
	v24 =	vsub.f32 v5, v26;
	v6 =	vld.idx.msk [tilespmem:v6+s17+$0x0], $0xffff;
	v2 =	vadd.f32 v3, v2;
	v3 =	vmul.f32 v23, v23  }
0x162: {  	v19 =	vadd.s32 s10, v0;
	v15 =	vand.u32 $0x3F, v15;
	v27 =	vor.u32 v18, v11;
	v8 =	vld.idx.msk [tilespmem:v8+s22+$0x0], $0xffff  }
0x163: {  	v26 =	vsub.f32 v10, v7;
	v9 =	vld.idx.msk [tilespmem:v9+s17+$0x0], $0xffff;
	v2 =	vadd.f32 v3, v2;
	v3 =	vmul.f32 v24, v24  }
0x164: {  	s26 =	sadd.s32 $0xFFFFFFFF, s0;
	v31 =	vand.u32 $0x3F, v19;
	v28 =	vor.u32 v18, v15;
	v30 =	vsub.f32 v16, v14;
	v12 =	vld.idx.msk [tilespmem:v12+s22+$0x0], $0xffff  }
0x165: {  	v29 =	vld.idx.msk [tilespmem:v13+s17+$0x0], $0xffff;
	v16 =	vadd.s32 s26, v0;
	v2 =	vadd.f32 v3, v2;
	v3 =	vmul.f32 v26, v26  }
0x166: {  	v19 =	vadd.s32 s0, v0;
	v32 =	vor.u32 v18, v31;
	v5 =	vld.idx.msk [tilespmem:v25+s22+$0x0], $0xffff;
	v34 =	vand.u32 $0x3F, v16  }
0x167: {  	v33 =	vmul.f32 v30, v30;
	v7 =	vld.idx.msk [tilespmem:v27+s22+$0x0], $0xffff;
	v6 =	vsub.f32 v8, v6;
	v2 =	vadd.f32 v3, v2  }
0x168: {  	v35 =	vand.u32 $0x3F, v19;
	v16 =	vor.u32 v18, v34;
	v3 =	vld.idx.msk [tilespmem:v11+s17+$0x0], $0xffff  }
0x169: {  	v15 =	vld.idx.msk [tilespmem:v15+s17+$0x0], $0xffff;
	v9 =	vsub.f32 v12, v9;
	v6 =	vmul.f32 v6, v6;
	v2 =	vadd.f32 v33, v2  }
0x16a: {  	v36 =	vor.u32 v18, v35;
	v10 =	vld.idx.msk [tilespmem:v28+s22+$0x0], $0xffff  }
0x16b: {  	v37 =	vld.idx.msk [tilespmem:v31+s17+$0x0], $0xffff;
	v4 =	vsub.f32 v5, v29;
	v53 =	vmul.f32 v9, v9;
	v2 =	vadd.f32 v6, v2  }
0x16c: {  	v54 =	vld.idx.msk [tilespmem:v32+s22+$0x0], $0xffff  }
0x16d: {  	v8 =	vld.idx.msk [tilespmem:v34+s17+$0x0], $0xffff;
	v4 =	vmul.f32 v4, v4;
	v3 =	vsub.f32 v7, v3;
	v2 =	vadd.f32 v53, v2  }
0x16e: {  	v55 =	vld.idx.msk [tilespmem:v16+s22+$0x0], $0xffff  }
0x16f: {  	v56 =	vld.idx.msk [tilespmem:v35+s17+$0x0], $0xffff;
	v57 =	vsub.f32 v10, v15;
	v3 =	vmul.f32 v3, v3;
	v2 =	vadd.f32 v4, v2  }
0x170: {  	v58 =	vld.idx.msk [tilespmem:v36+s22+$0x0], $0xffff  }
0x171: {  	v59 =	vsub.f32 v54, v37;
	v2 =	vadd.f32 v3, v2;
	v3 =	vmul.f32 v57, v57;
	_ =	sdelay $0x1  }
0x172: {  	v60 =	vsub.f32 v55, v8;
	v2 =	vadd.f32 v3, v2;
	v3 =	vmul.f32 v59, v59;
	_ =	sdelay $0x1  }
0x173: {  	v61 =	vsub.f32 v58, v56;
	v2 =	vadd.f32 v3, v2;
	v3 =	vmul.f32 v60, v60;
	_ =	sdelay $0x1  }
0x174: {  	v2 =	vadd.f32 v3, v2;
	v3 =	vmul.f32 v61, v61  }
0x175: {  	s28 =	ssub.s32 $0xD4, s30  }
0x176: {  	s2 =	sadd.s32 $0x1, s2;
	v2 =	vadd.f32 v3, v2;
	v3 =	vmov s28  }
0x177: {  	p0 =	sne.s32 s2, $0xE;
	vm0 =	vgt.u32 v3, v0  }
.Ltmp7:
0x178: {  	v2 =	vnsel vm0, $0x7F800000, v2;
	(pc) =	sbr.rel @p0 .LBB2_13-.Ltmp7, $4  }
0x179: {  	s31 =	sadd.s32 s6, s30;
	vm0 =	vlt.f32 v2, v47  }
0x17a: {  	v3 =	vadd.s32 s31, v0;
	vm1 =	vlt.f32 v2, v17;
	v62 =	vsel vm0, v2, v47  }
0x17b: {  	v63 =	vsel vm0, v3, v46;
	v47 =	vsel vm1, v17, v62  }
0x17c: {  	v46 =	vsel vm1, v52, v63;
	v17 =	vsel vm1, v2, v17;
	v52 =	vsel vm1, v3, v52  }
0x17d: {  	[tilespmem:$0x13540] =	vst v17  }
0x17e: {  	[tilespmem:$0x13580] =	vst v47  }
0x17f: {  	[tilespmem:$0x135C0] =	vst v52  }
0x180: {  	[tilespmem:$0x13600] =	vst v46  }
0x181: {  	[tilespmem:$0x13550] =	vst v50  }
0x182: {  	[tilespmem:$0x13590] =	vst v51  }
0x183: {  	[tilespmem:$0x135D0] =	vst v49  }
0x184: {  	[tilespmem:$0x13610] =	vst v48  }
0x185: {  	[tilespmem:$0x13560] =	vst v44  }
0x186: {  	[tilespmem:$0x135A0] =	vst v45  }
0x187: {  	[tilespmem:$0x135E0] =	vst v42  }
0x188: {  	[tilespmem:$0x13620] =	vst v41  }
0x189: {  	[tilespmem:$0x13570] =	vst v39  }
0x18a: {  	[tilespmem:$0x135B0] =	vst v43  }
0x18b: {  	[tilespmem:$0x135F0] =	vst v38  }
0x18c: {  	[tilespmem:$0x13630] =	vst v40;
	s0 =	simm.s32 $0x13540  }
0x18d: {  	[hbm4b:s14+s3] =	stream.linear.scatter [tilespmem:s0], [sflag:$0x4], $0x80, $0x38;
	[tilespmem:$0x13640] =	vst v63  }
0x18e: {  	s29 =	sadd.s32 $0x1, s29;
	_ =	swait.ge [sflag:s18], $0x80  }
0x18f: {  	p0 =	sne.s32 s29, s16;
	[sflag:s18] =	ssyncset.done $0x0  }
.Ltmp8:
0x190: {  	s31 =	simm.s32 $0x135C0;
	[sflag:s18] =	ssyncadd.s32 $0xFFFFFF80;
	(pc) =	sbr.rel @p0 .LBB2_1-.Ltmp8, $4  }
0x191: {  	[hbm4b:s15+s3] =	stream.linear.scatter [tilespmem:s31], [sflag:$0x4], $0x80, $0x38;
	[tilespmem:$0x13640] =	vst v63  }
0x192: {  	_ =	swait.ge [sflag:s18], $0x80  }
0x193: {  	[sflag:s18] =	ssyncset.done $0x0  }
0x194: {  	[sflag:s18] =	ssyncadd.s32 $0xFFFFFF80  }
0x195: {  	_ =	sfence.sel $0x180000  }
0x196: {  	[bflag:$0x0] =	sbarrier.arrive $0xFFFF  }
0x197: {  	_ =	strace $0x90000047  }
0x198: {  	s0 =	stileid.u32;
	[bflag:$0x2] =	sbarrier.arrive $0xFFFF  }
0x199: {  	p0 =	sne.s32 s0, $0x0;
	s0 =	rddreg [dreg:$0x3]  }
0x19a: {  	s0 =	sadd.s32 @!p0 $0x100000, s0  }
0x19b: {  	[sflag:s0] =	ssyncadd.tile.s32 @!p0 $0x1;
	_ =	shalt  }
.Lfunc_end2:
_tile_overlayer_lowered:
.L_overlay_start_2:
0x19c: {  	(tag) =	ssettag $0x2  }
0x19d: {  	s0 =	rddreg [dreg:$0x0];
	s2 =	stileid.u32  }
0x19e: {  	s1 =	rddreg [dreg:$0x1];
	p0 =	sne.s32 s2, $0x0  }
0x19f: {  	s3 =	rddreg [dreg:$0x2];
	[bflag:$0x3] =	sbarrier.arrive $0xFFFF;
	s2 =	simm.s32 @!p0 $0x1C04  }
0x1a0: {  	[timem:s3], [sflag:s2] =	dma.local @!p0 [hbm:s0], s1  }
0x1a1: {  	s0 =	simm.s32 @!p0 $0x4  }
0x1a2: {  	_ =	swait.ge @!p0 [sflag:s0], s1  }
0x1a3: {  	s1 =	ssub.s32 @!p0 $0x0, s1;
	[sflag:s0] =	ssyncset.done @!p0 $0x0  }
0x1a4: {  	[sflag:s0] =	ssyncadd.s32 @!p0 s1  }
0x1a5: {  	[bflag:$0x3] =	sbarrier.arrive $0xFFFF  }
0x1a6: {  	_ =	shalt  }

</sc_bundles>
